<compile_context>
chip_gen: v7x
topology: tpu7x:2x2x1
jax: 0.10.2.dev20260603
libtpu: 0.0.44.dev20260713+nightly
codegen_flags: <defaults>
</compile_context>

<pallas_src>
import functools
import jax
import jax.numpy as jnp
from jax import lax
from jax.experimental import pallas as pl
from jax.experimental.pallas import tpu as pltpu
from jax.experimental.pallas import tpu_sc as plsc

N = 10000
NP = 10240
E = 320000
K = 128
NC, NS = 2, 16
NW = NC * NS
C = 80
C0, C1 = 148, 12
E_PAD = NW * C * K
RPT = NP // NS
BM = 1024
GRID = NP // BM
DEGW = 128

_mesh = plsc.VectorSubcoreMesh(
    core_axis_name="c", subcore_axis_name="s", num_cores=NC, num_subcores=NS)


def _fill(buf, rows, width, value):
    vec = jnp.full((16,), value, jnp.float32)

    def body(r, carry):
        for j in range(width // 16):
            buf[r, pl.ds(j * 16, 16)] = vec
        return carry

    lax.fori_loop(0, rows, body, 0)


def _make_scatter(F):

    @functools.partial(
        pl.kernel,
        out_type=jax.ShapeDtypeStruct((NC, NP, F), jnp.float32),
        mesh=_mesh,
        scratch_types=[
            pltpu.VMEM((1, K), jnp.int32),
            pltpu.VMEM((1, K), jnp.int32),
            pltpu.VMEM((1, K), jnp.int32),
            pltpu.VMEM((1, K), jnp.int32),
            pltpu.VMEM((K, F), jnp.float32),
            pltpu.VMEM((K, F), jnp.float32),
            pltpu.VMEM_SHARED((NP, F), jnp.float32),
            pltpu.SemaphoreType.DMA,
            pltpu.SemaphoreType.DMA,
            pltpu.SemaphoreType.DMA,
            pltpu.SemaphoreType.DMA,
            pltpu.SemaphoreType.DMA,
            pltpu.SemaphoreType.DMA,
        ],
    )
    def scat_kernel(g_hbm, src_hbm, dst_hbm, out_hbm,
                    sidx0, sidx1, didx0, didx1, rows0, rows1, accum,
                    si0, si1, sg0, sg1, ss0, ss1):
        c = lax.axis_index("c")
        s = lax.axis_index("s")
        my_c = jnp.where(c == 0, C0, C1)
        base = jnp.where(c == 0, s * C0, NS * C0 + s * C1) * K

        _fill(rows0, K, F, 0.0)
        for t in range(RPT // K):
            pltpu.sync_copy(rows0, accum.at[pl.ds(s * RPT + t * K, K)])
        plsc.subcore_barrier()

        def idx_load(i, sx, dx, sem):
            pltpu.async_copy(src_hbm.at[pl.ds(base + i * K, K)],
                             sx.at[0], sem)
            pltpu.async_copy(dst_hbm.at[pl.ds(base + i * K, K)],
                             dx.at[0], sem)

        def iwait(sx, dx, sem):
            pltpu.make_async_copy(src_hbm.at[pl.ds(0, K)], sx.at[0],
                                  sem).wait()
            pltpu.make_async_copy(src_hbm.at[pl.ds(0, K)], dx.at[0],
                                  sem).wait()

        def gwait(sx, rw, sem):
            pltpu.make_async_copy(g_hbm.at[sx.at[0]], rw, sem).wait()

        def swait(rw, sem):
            pltpu.make_async_copy(rw, accum.at[pl.ds(0, K)], sem).wait()

        idx_load(0, sidx0, didx0, si0)
        idx_load(1, sidx1, didx1, si1)
        iwait(sidx0, didx0, si0)
        pltpu.async_copy(g_hbm.at[sidx0.at[0]], rows0, sg0)
        iwait(sidx1, didx1, si1)
        pltpu.async_copy(g_hbm.at[sidx1.at[0]], rows1, sg1)

        def body(i2, carry):
            a = 2 * i2
            gwait(sidx0, rows0, sg0)
            pltpu.async_copy(rows0, accum.at[didx0.at[0]], ss0, add=True)
            gwait(sidx1, rows1, sg1)
            pltpu.async_copy(rows1, accum.at[didx1.at[0]], ss1, add=True)
            swait(rows0, ss0)
            idx_load(a + 2, sidx0, didx0, si0)
            swait(rows1, ss1)
            idx_load(a + 3, sidx1, didx1, si1)
            iwait(sidx0, didx0, si0)
            pltpu.async_copy(g_hbm.at[sidx0.at[0]], rows0, sg0)
            iwait(sidx1, didx1, si1)
            pltpu.async_copy(g_hbm.at[sidx1.at[0]], rows1, sg1)
            return carry

        lax.fori_loop(0, my_c // 2 - 1, body, 0)
        gwait(sidx0, rows0, sg0)
        pltpu.async_copy(rows0, accum.at[didx0.at[0]], ss0, add=True)
        gwait(sidx1, rows1, sg1)
        pltpu.async_copy(rows1, accum.at[didx1.at[0]], ss1, add=True)
        swait(rows0, ss0)
        swait(rows1, ss1)
        plsc.subcore_barrier()
        pltpu.sync_copy(accum.at[pl.ds(s * RPT, RPT)],
                        out_hbm.at[c, pl.ds(s * RPT, RPT)])

    return scat_kernel


def _make_deg():

    @functools.partial(
        pl.kernel,
        out_type=jax.ShapeDtypeStruct((NC, NP, DEGW), jnp.float32),
        mesh=_mesh,
        scratch_types=[
            pltpu.VMEM((C + 2, K), jnp.int32),
            pltpu.VMEM((K, DEGW), jnp.float32),
            pltpu.VMEM_SHARED((NP, DEGW), jnp.float32),
            pltpu.SemaphoreType.DMA,
            pltpu.SemaphoreType.DMA,
        ],
    )
    def deg_kernel(dst_hbm, out_hbm, didx, ones_b, accum, ss0, ss1):
        c = lax.axis_index("c")
        s = lax.axis_index("s")
        wid = s * NC + c

        _fill(ones_b, K, DEGW, 0.0)
        for t in range(RPT // K):
            pltpu.sync_copy(ones_b, accum.at[pl.ds(s * RPT + t * K, K)])
        _fill(ones_b, K, DEGW, 1.0)
        pltpu.sync_copy(dst_hbm.at[wid], didx.at[pl.ds(0, C)])
        dummy = jnp.full((16,), N, jnp.int32)
        for r in (C, C + 1):
            for j in range(K // 16):
                didx[r, pl.ds(j * 16, 16)] = dummy
        plsc.subcore_barrier()

        def swait(sem):
            pltpu.make_async_copy(ones_b, accum.at[pl.ds(0, K)], sem).wait()

        pltpu.async_copy(ones_b, accum.at[didx.at[0]], ss0, add=True)
        pltpu.async_copy(ones_b, accum.at[didx.at[1]], ss1, add=True)

        def chunk(i2, carry):
            a = 2 * i2
            swait(ss0)
            pltpu.async_copy(ones_b, accum.at[didx.at[a + 2]], ss0, add=True)
            swait(ss1)
            pltpu.async_copy(ones_b, accum.at[didx.at[a + 3]], ss1, add=True)
            return carry

        lax.fori_loop(0, C // 2, chunk, 0)
        swait(ss0)
        swait(ss1)
        plsc.subcore_barrier()
        pltpu.sync_copy(accum.at[pl.ds(s * RPT, RPT)],
                        out_hbm.at[c, pl.ds(s * RPT, RPT)])

    return deg_kernel


_deg = _make_deg()
_scat128 = _make_scatter(128)


def _mm_body(x_ref, w_ref, o_ref):
    o_ref[...] = jnp.dot(x_ref[...], w_ref[...],
                         preferred_element_type=jnp.float32)


def _mm(xp, W):
    fin, fout = W.shape
    return pl.pallas_call(
        _mm_body,
        grid=(GRID,),
        in_specs=[pl.BlockSpec((BM, fin), lambda i: (i, 0)),
                  pl.BlockSpec((fin, fout), lambda i: (0, 0))],
        out_specs=pl.BlockSpec((BM, fout), lambda i: (i, 0)),
        out_shape=jax.ShapeDtypeStruct((NP, fout), jnp.float32),
    )(xp, W)


def _dinv_of(d_ref):
    return lax.rsqrt(d_ref[0, :, :1] + d_ref[1, :, :1] + 1.0)


def _scale_body(h_ref, d_ref, o_ref):
    o_ref[...] = _dinv_of(d_ref) * h_ref[...]


def _scale(h, degp):
    F = h.shape[1]
    return pl.pallas_call(
        _scale_body,
        grid=(GRID,),
        in_specs=[pl.BlockSpec((BM, F), lambda i: (i, 0)),
                  pl.BlockSpec((NC, BM, DEGW), lambda i: (0, i, 0))],
        out_specs=pl.BlockSpec((BM, F), lambda i: (i, 0)),
        out_shape=jax.ShapeDtypeStruct((NP, F), jnp.float32),
    )(h, degp)


def _mid_body(p_ref, g_ref, d_ref, b_ref, w_ref, o_ref):
    dinv = _dinv_of(d_ref)
    a = dinv * (p_ref[0] + p_ref[1] + g_ref[...]) + b_ref[...]
    r = jnp.maximum(a, 0.0)
    o_ref[...] = dinv * jnp.dot(r, w_ref[...],
                                preferred_element_type=jnp.float32)


def _mid(p1, g1, degp, b1, W2):
    fin, fout = W2.shape
    return pl.pallas_call(
        _mid_body,
        grid=(GRID,),
        in_specs=[pl.BlockSpec((NC, BM, fin), lambda i: (0, i, 0)),
                  pl.BlockSpec((BM, fin), lambda i: (i, 0)),
                  pl.BlockSpec((NC, BM, DEGW), lambda i: (0, i, 0)),
                  pl.BlockSpec((1, fin), lambda i: (0, 0)),
                  pl.BlockSpec((fin, fout), lambda i: (0, 0))],
        out_specs=pl.BlockSpec((BM, fout), lambda i: (i, 0)),
        out_shape=jax.ShapeDtypeStruct((NP, fout), jnp.float32),
    )(p1, g1, degp, b1, W2)


def _head_body(p_ref, g_ref, d_ref, b_ref, w_ref, bh_ref, o_ref):
    dinv = _dinv_of(d_ref)
    a = dinv * (p_ref[0] + p_ref[1] + g_ref[...]) + b_ref[...]
    r = jnp.maximum(a, 0.0)
    o_ref[...] = jnp.dot(r, w_ref[...],
                         preferred_element_type=jnp.float32) + bh_ref[...]


def _head(p2, g2, degp, b2, Wh, bh):
    fin, fout = Wh.shape
    return pl.pallas_call(
        _head_body,
        grid=(GRID,),
        in_specs=[pl.BlockSpec((NC, BM, fin), lambda i: (0, i, 0)),
                  pl.BlockSpec((BM, fin), lambda i: (i, 0)),
                  pl.BlockSpec((NC, BM, DEGW), lambda i: (0, i, 0)),
                  pl.BlockSpec((1, fin), lambda i: (0, 0)),
                  pl.BlockSpec((fin, fout), lambda i: (0, 0)),
                  pl.BlockSpec((1, fout), lambda i: (0, 0))],
        out_specs=pl.BlockSpec((BM, fout), lambda i: (i, 0)),
        out_shape=jax.ShapeDtypeStruct((NP, fout), jnp.float32),
    )(p2, g2, degp, b2, Wh, bh)


def kernel(x, edge_index, W1, b1, W2, b2, Wh, bh):
    pad = jnp.full((E_PAD - E,), N, jnp.int32)
    srcp = jnp.concatenate([edge_index[0], pad])
    dstp = jnp.concatenate([edge_index[1], pad])
    dstp3 = dstp.reshape(NW, C, K)
    xp = jnp.pad(x, ((0, NP - N), (0, 0)))

    W2p = jnp.pad(W2, ((0, 0), (0, 128 - W2.shape[1])))
    b2p = jnp.pad(b2, (0, 128 - b2.shape[0]))
    Whp = jnp.pad(Wh, ((0, 128 - Wh.shape[0]), (0, 0)))

    degp = _deg(dstp3)
    h1 = _mm(xp, W1)
    g1 = _scale(h1, degp)
    p1 = _scat128(g1, srcp, dstp)
    g2 = _mid(p1, g1, degp, b1.reshape(1, -1), W2p)
    p2 = _scat128(g2, srcp, dstp)
    y = _head(p2, g2, degp, b2p.reshape(1, -1), Whp, bh.reshape(1, -1))
    return y[:N]

# --- scband reference (transcript-rebuilt; emitter-appended) ---
"""Pipeline reference for scband-signature-gcn-37014028157315 (READ-ONLY COPY).

The authoritative reference and input builder live on the scoring server;
editing this copy changes nothing except your own understanding.
"""

import jax, jax.numpy as jnp
import numpy as np

N = 10000
E = 320000
F_IN, H1, H2, OUT = 128, 128, 64, 16


def setup_inputs(seed: int = 0) -> dict:
    key = jax.random.key(seed)
    ks = jax.random.split(key, 8)
    x = jax.random.normal(ks[0], (N, F_IN), dtype=jnp.float32)
    edge_index = jax.random.randint(ks[1], (2, E), 0, N, dtype=jnp.int32)
    W1 = jax.random.normal(ks[2], (F_IN, H1), dtype=jnp.float32) * 0.05
    b1 = jnp.zeros((H1,), dtype=jnp.float32)
    W2 = jax.random.normal(ks[3], (H1, H2), dtype=jnp.float32) * 0.05
    b2 = jnp.zeros((H2,), dtype=jnp.float32)
    Wh = jax.random.normal(ks[4], (H2, OUT), dtype=jnp.float32) * 0.05
    bh = jnp.zeros((OUT,), dtype=jnp.float32)
    return {"x": x, "edge_index": edge_index, "W1": W1, "b1": b1, "W2": W2, "b2": b2, "Wh": Wh, "bh": bh}


def _gcn_conv(x, W, b, edge_index, n):
    # PyG GCNConv semantics: add self-loops, symmetric normalization, linear, scatter-add, bias
    src = edge_index[0]
    dst = edge_index[1]
    loop = jnp.arange(n, dtype=src.dtype)
    src = jnp.concatenate([src, loop], axis=0)
    dst = jnp.concatenate([dst, loop], axis=0)
    deg = jax.ops.segment_sum(jnp.ones(src.shape[0], dtype=x.dtype), dst, num_segments=n)
    deg_inv_sqrt = jnp.where(deg > 0, jax.lax.rsqrt(jnp.maximum(deg, 1e-12)), 0.0)
    norm = deg_inv_sqrt[src] * deg_inv_sqrt[dst]
    h = x @ W
    msg = h[src] * norm[:, None]
    out = jax.ops.segment_sum(msg, dst, num_segments=n)
    return out + b


def reference(x, edge_index, W1, b1, W2, b2, Wh, bh):
    # dropout with training=False is identity (inference mode)
    n = x.shape[0]
    h = _gcn_conv(x, W1, b1, edge_index, n)
    h = jax.nn.relu(h)
    h = _gcn_conv(h, W2, b2, edge_index, n)
    h = jax.nn.relu(h)
    return h @ Wh + bh

if __name__ == "__main__":
    import jax
    _d = setup_inputs()
    print(jax.jit(kernel)(*tuple(_d.values())))

</pallas_src>

<mosaic_0001>
#map = affine_map<(d0, d1) -> (0, 0)>
#map1 = affine_map<(d0, d1) -> (0)>
#map2 = affine_map<(d0, d1) -> (0, 0, 0)>
module attributes {stable_mosaic.version = 14 : i64} {
  func.func @scat_kernel(%arg0: i32, %arg1: i32, %arg2: memref<10240x128xf32, #tpu.memory_space<hbm>>, %arg3: memref<327680xi32, #tpu.memory_space<hbm>>, %arg4: memref<327680xi32, #tpu.memory_space<hbm>>, %arg5: memref<2x10240x128xf32, #tpu.memory_space<hbm>>, %arg6: memref<1x128xi32, #tpu.memory_space<vmem>>, %arg7: memref<1x128xi32, #tpu.memory_space<vmem>>, %arg8: memref<1x128xi32, #tpu.memory_space<vmem>>, %arg9: memref<1x128xi32, #tpu.memory_space<vmem>>, %arg10: memref<128x128xf32, #tpu.memory_space<vmem>>, %arg11: memref<128x128xf32, #tpu.memory_space<vmem>>, %arg12: memref<10240x128xf32, #tpu.memory_space<vmem_shared>>, %arg13: memref<!tpu.dma_semaphore, #tpu.memory_space<semaphore_mem>>, %arg14: memref<!tpu.dma_semaphore, #tpu.memory_space<semaphore_mem>>, %arg15: memref<!tpu.dma_semaphore, #tpu.memory_space<semaphore_mem>>, %arg16: memref<!tpu.dma_semaphore, #tpu.memory_space<semaphore_mem>>, %arg17: memref<!tpu.dma_semaphore, #tpu.memory_space<semaphore_mem>>, %arg18: memref<!tpu.dma_semaphore, #tpu.memory_space<semaphore_mem>>) attributes {dimension_semantics = [#tpu.dimension_semantics<core_parallel>, #tpu.dimension_semantics<subcore_parallel>], iteration_bounds = array<i64: 2, 16>, scalar_prefetch = 0 : i64, scratch_operands = 13 : i64, tpu.core_type = #tpu.core_type<sc_vector_subcore>, window_params = [{transform_indices = #map}, {transform_indices = #map1}, {transform_indices = #map1}, {transform_indices = #map2}]} {
    %eq3A = arith.constant 0 : i32
    %eq3A_0 = arith.cmpi eq, %arg0, %eq3A : i32
    %jit3A = arith.constant 148 : i32
    %jit3A_1 = arith.constant 12 : i32
    %select_n3A = arith.select %eq3A_0, %jit3A, %jit3A_1 : i32
    %eq3A_2 = arith.constant 0 : i32
    %eq3A_3 = arith.cmpi eq, %arg0, %eq3A_2 : i32
    %mul3A = arith.constant 148 : i32
    %mul3A_4 = arith.muli %arg1, %mul3A : i32
    %mul3A_5 = arith.constant 12 : i32
    %mul3A_6 = arith.muli %arg1, %mul3A_5 : i32
    %add3A = arith.constant 2368 : i32
    %add3A_7 = arith.addi %add3A, %mul3A_6 : i32
    %select_n3A_8 = arith.select %eq3A_3, %mul3A_4, %add3A_7 : i32
    %mul3A_9 = arith.constant 128 : i32
    %mul3A_10 = arith.muli %select_n3A_8, %mul3A_9 : i32
    %broadcast_in_dim3A = arith.constant 0.000000e+00 : f32
    %broadcast_in_dim3A_11 = vector.broadcast %broadcast_in_dim3A : f32 to vector<16xf32>
    %scan3A = arith.constant 0 : i32
    %scan3A_12 = arith.constant 0 : i32
    %scan3A_13 = arith.constant 128 : i32
    %scan3A_14 = arith.addi %scan3A_12, %scan3A_13 : i32
    %scan3A_15 = arith.constant 1 : i32
    scf.for %scan3A_211 = %scan3A_12 to %scan3A_14 step %scan3A_15  : i32 {
      %swap3A = arith.index_cast %scan3A_211 : i32 to index
      %swap3A_212 = arith.constant 0 : index
      %swap3A_213 = tpu.vector_load %arg10[%swap3A, %swap3A_212] {strides = array<i32>} : memref<128x128xf32, #tpu.memory_space<vmem>>, vector<1x16xf32>,
      %swap3A_214 = vector.shape_cast %swap3A_213 : vector<1x16xf32> to vector<16xf32>
      %swap3A_215 = vector.shape_cast %broadcast_in_dim3A_11 : vector<16xf32> to vector<1x16xf32>
      tpu.vector_store %arg10[%swap3A, %swap3A_212], %swap3A_215 {strides = array<i32>} : memref<128x128xf32, #tpu.memory_space<vmem>>, vector<1x16xf32>,
      %swap3A_216 = arith.index_cast %scan3A_211 : i32 to index
      %swap3A_217 = arith.constant 16 : index
      %swap3A_218 = tpu.vector_load %arg10[%swap3A_216, %swap3A_217] {strides = array<i32>} : memref<128x128xf32, #tpu.memory_space<vmem>>, vector<1x16xf32>,
      %swap3A_219 = vector.shape_cast %swap3A_218 : vector<1x16xf32> to vector<16xf32>
      %swap3A_220 = vector.shape_cast %broadcast_in_dim3A_11 : vector<16xf32> to vector<1x16xf32>
      tpu.vector_store %arg10[%swap3A_216, %swap3A_217], %swap3A_220 {strides = array<i32>} : memref<128x128xf32, #tpu.memory_space<vmem>>, vector<1x16xf32>,
      %swap3A_221 = arith.index_cast %scan3A_211 : i32 to index
      %swap3A_222 = arith.constant 32 : index
      %swap3A_223 = tpu.vector_load %arg10[%swap3A_221, %swap3A_222] {strides = array<i32>} : memref<128x128xf32, #tpu.memory_space<vmem>>, vector<1x16xf32>,
      %swap3A_224 = vector.shape_cast %swap3A_223 : vector<1x16xf32> to vector<16xf32>
      %swap3A_225 = vector.shape_cast %broadcast_in_dim3A_11 : vector<16xf32> to vector<1x16xf32>
      tpu.vector_store %arg10[%swap3A_221, %swap3A_222], %swap3A_225 {strides = array<i32>} : memref<128x128xf32, #tpu.memory_space<vmem>>, vector<1x16xf32>,
      %swap3A_226 = arith.index_cast %scan3A_211 : i32 to index
      %swap3A_227 = arith.constant 48 : index
      %swap3A_228 = tpu.vector_load %arg10[%swap3A_226, %swap3A_227] {strides = array<i32>} : memref<128x128xf32, #tpu.memory_space<vmem>>, vector<1x16xf32>,
      %swap3A_229 = vector.shape_cast %swap3A_228 : vector<1x16xf32> to vector<16xf32>
      %swap3A_230 = vector.shape_cast %broadcast_in_dim3A_11 : vector<16xf32> to vector<1x16xf32>
      tpu.vector_store %arg10[%swap3A_226, %swap3A_227], %swap3A_230 {strides = array<i32>} : memref<128x128xf32, #tpu.memory_space<vmem>>, vector<1x16xf32>,
      %swap3A_231 = arith.index_cast %scan3A_211 : i32 to index
      %swap3A_232 = arith.constant 64 : index
      %swap3A_233 = tpu.vector_load %arg10[%swap3A_231, %swap3A_232] {strides = array<i32>} : memref<128x128xf32, #tpu.memory_space<vmem>>, vector<1x16xf32>,
      %swap3A_234 = vector.shape_cast %swap3A_233 : vector<1x16xf32> to vector<16xf32>
      %swap3A_235 = vector.shape_cast %broadcast_in_dim3A_11 : vector<16xf32> to vector<1x16xf32>
      tpu.vector_store %arg10[%swap3A_231, %swap3A_232], %swap3A_235 {strides = array<i32>} : memref<128x128xf32, #tpu.memory_space<vmem>>, vector<1x16xf32>,
      %swap3A_236 = arith.index_cast %scan3A_211 : i32 to index
      %swap3A_237 = arith.constant 80 : index
      %swap3A_238 = tpu.vector_load %arg10[%swap3A_236, %swap3A_237] {strides = array<i32>} : memref<128x128xf32, #tpu.memory_space<vmem>>, vector<1x16xf32>,
      %swap3A_239 = vector.shape_cast %swap3A_238 : vector<1x16xf32> to vector<16xf32>
      %swap3A_240 = vector.shape_cast %broadcast_in_dim3A_11 : vector<16xf32> to vector<1x16xf32>
      tpu.vector_store %arg10[%swap3A_236, %swap3A_237], %swap3A_240 {strides = array<i32>} : memref<128x128xf32, #tpu.memory_space<vmem>>, vector<1x16xf32>,
      %swap3A_241 = arith.index_cast %scan3A_211 : i32 to index
      %swap3A_242 = arith.constant 96 : index
      %swap3A_243 = tpu.vector_load %arg10[%swap3A_241, %swap3A_242] {strides = array<i32>} : memref<128x128xf32, #tpu.memory_space<vmem>>, vector<1x16xf32>,
      %swap3A_244 = vector.shape_cast %swap3A_243 : vector<1x16xf32> to vector<16xf32>
      %swap3A_245 = vector.shape_cast %broadcast_in_dim3A_11 : vector<16xf32> to vector<1x16xf32>
      tpu.vector_store %arg10[%swap3A_241, %swap3A_242], %swap3A_245 {strides = array<i32>} : memref<128x128xf32, #tpu.memory_space<vmem>>, vector<1x16xf32>,
      %swap3A_246 = arith.index_cast %scan3A_211 : i32 to index
      %swap3A_247 = arith.constant 112 : index
      %swap3A_248 = tpu.vector_load %arg10[%swap3A_246, %swap3A_247] {strides = array<i32>} : memref<128x128xf32, #tpu.memory_space<vmem>>, vector<1x16xf32>,
      %swap3A_249 = vector.shape_cast %swap3A_248 : vector<1x16xf32> to vector<16xf32>
      %swap3A_250 = vector.shape_cast %broadcast_in_dim3A_11 : vector<16xf32> to vector<1x16xf32>
      tpu.vector_store %arg10[%swap3A_246, %swap3A_247], %swap3A_250 {strides = array<i32>} : memref<128x128xf32, #tpu.memory_space<vmem>>, vector<1x16xf32>,
    }
    %scan3A_16 = arith.constant 128 : i32
    %mul3A_17 = arith.constant 640 : i32
    %mul3A_18 = arith.muli %arg1, %mul3A_17 : i32
    %add3A_19 = arith.constant 0 : i32
    %add3A_20 = arith.addi %mul3A_18, %add3A_19 : i32
    "tpu.region"() ({
      %run_scoped3A = tpu.sem_alloc : memref<!tpu.dma_semaphore, #tpu.memory_space<semaphore_mem>>
      %dma_start3A_211 = arith.constant 0 : i32
      %dma_start3A_212 = tpu.memref_slice %arg12[%add3A_20, %dma_start3A_211] : memref<10240x128xf32, #tpu.memory_space<vmem_shared>> -> memref<128x128xf32, #tpu.memory_space<vmem_shared>>
      %dma_start3A_213 = arith.constant 0 : i32
      %dma_start3A_214 = tpu.memref_slice %arg12[%add3A_20, %dma_start3A_213] : memref<10240x128xf32, #tpu.memory_space<vmem_shared>> -> memref<128x128xf32, #tpu.memory_space<vmem_shared>>
      tpu.enqueue_dma source(%arg10 : memref<128x128xf32, #tpu.memory_space<vmem>>) target(%dma_start3A_214 : memref<128x128xf32, #tpu.memory_space<vmem_shared>>) target_semaphore(%run_scoped3A : memref<!tpu.dma_semaphore, #tpu.memory_space<semaphore_mem>>)
      %dma_wait3A_215 = arith.constant 0 : i32
      %dma_wait3A_216 = tpu.memref_slice %arg12[%add3A_20, %dma_wait3A_215] : memref<10240x128xf32, #tpu.memory_space<vmem_shared>> -> memref<128x128xf32, #tpu.memory_space<vmem_shared>>
      %dma_wait3A_217 = arith.constant 0 : i32
      %dma_wait3A_218 = tpu.memref_slice %arg12[%add3A_20, %dma_wait3A_217] : memref<10240x128xf32, #tpu.memory_space<vmem_shared>> -> memref<128x128xf32, #tpu.memory_space<vmem_shared>>
      tpu.wait_dma2 semaphore(%run_scoped3A : memref<!tpu.dma_semaphore, #tpu.memory_space<semaphore_mem>>) src(%arg10 : memref<128x128xf32, #tpu.memory_space<vmem>>) dst(%dma_wait3A_218 : memref<128x128xf32, #tpu.memory_space<vmem_shared>>)
      tpu.yield
    }) : () -> ()
    %mul3A_21 = arith.constant 640 : i32
    %mul3A_22 = arith.muli %arg1, %mul3A_21 : i32
    %add3A_23 = arith.constant 128 : i32
    %add3A_24 = arith.addi %mul3A_22, %add3A_23 : i32
    "tpu.region"() ({
      %run_scoped3A = tpu.sem_alloc : memref<!tpu.dma_semaphore, #tpu.memory_space<semaphore_mem>>
      %dma_start3A_211 = arith.constant 0 : i32
      %dma_start3A_212 = tpu.memref_slice %arg12[%add3A_24, %dma_start3A_211] : memref<10240x128xf32, #tpu.memory_space<vmem_shared>> -> memref<128x128xf32, #tpu.memory_space<vmem_shared>>
      %dma_start3A_213 = arith.constant 0 : i32
      %dma_start3A_214 = tpu.memref_slice %arg12[%add3A_24, %dma_start3A_213] : memref<10240x128xf32, #tpu.memory_space<vmem_shared>> -> memref<128x128xf32, #tpu.memory_space<vmem_shared>>
      tpu.enqueue_dma source(%arg10 : memref<128x128xf32, #tpu.memory_space<vmem>>) target(%dma_start3A_214 : memref<128x128xf32, #tpu.memory_space<vmem_shared>>) target_semaphore(%run_scoped3A : memref<!tpu.dma_semaphore, #tpu.memory_space<semaphore_mem>>)
      %dma_wait3A_215 = arith.constant 0 : i32
      %dma_wait3A_216 = tpu.memref_slice %arg12[%add3A_24, %dma_wait3A_215] : memref<10240x128xf32, #tpu.memory_space<vmem_shared>> -> memref<128x128xf32, #tpu.memory_space<vmem_shared>>
      %dma_wait3A_217 = arith.constant 0 : i32
      %dma_wait3A_218 = tpu.memref_slice %arg12[%add3A_24, %dma_wait3A_217] : memref<10240x128xf32, #tpu.memory_space<vmem_shared>> -> memref<128x128xf32, #tpu.memory_space<vmem_shared>>
      tpu.wait_dma2 semaphore(%run_scoped3A : memref<!tpu.dma_semaphore, #tpu.memory_space<semaphore_mem>>) src(%arg10 : memref<128x128xf32, #tpu.memory_space<vmem>>) dst(%dma_wait3A_218 : memref<128x128xf32, #tpu.memory_space<vmem_shared>>)
      tpu.yield
    }) : () -> ()
    %mul3A_25 = arith.constant 640 : i32
    %mul3A_26 = arith.muli %arg1, %mul3A_25 : i32
    %add3A_27 = arith.constant 256 : i32
    %add3A_28 = arith.addi %mul3A_26, %add3A_27 : i32
    "tpu.region"() ({
      %run_scoped3A = tpu.sem_alloc : memref<!tpu.dma_semaphore, #tpu.memory_space<semaphore_mem>>
      %dma_start3A_211 = arith.constant 0 : i32
      %dma_start3A_212 = tpu.memref_slice %arg12[%add3A_28, %dma_start3A_211] : memref<10240x128xf32, #tpu.memory_space<vmem_shared>> -> memref<128x128xf32, #tpu.memory_space<vmem_shared>>
      %dma_start3A_213 = arith.constant 0 : i32
      %dma_start3A_214 = tpu.memref_slice %arg12[%add3A_28, %dma_start3A_213] : memref<10240x128xf32, #tpu.memory_space<vmem_shared>> -> memref<128x128xf32, #tpu.memory_space<vmem_shared>>
      tpu.enqueue_dma source(%arg10 : memref<128x128xf32, #tpu.memory_space<vmem>>) target(%dma_start3A_214 : memref<128x128xf32, #tpu.memory_space<vmem_shared>>) target_semaphore(%run_scoped3A : memref<!tpu.dma_semaphore, #tpu.memory_space<semaphore_mem>>)
      %dma_wait3A_215 = arith.constant 0 : i32
      %dma_wait3A_216 = tpu.memref_slice %arg12[%add3A_28, %dma_wait3A_215] : memref<10240x128xf32, #tpu.memory_space<vmem_shared>> -> memref<128x128xf32, #tpu.memory_space<vmem_shared>>
      %dma_wait3A_217 = arith.constant 0 : i32
      %dma_wait3A_218 = tpu.memref_slice %arg12[%add3A_28, %dma_wait3A_217] : memref<10240x128xf32, #tpu.memory_space<vmem_shared>> -> memref<128x128xf32, #tpu.memory_space<vmem_shared>>
      tpu.wait_dma2 semaphore(%run_scoped3A : memref<!tpu.dma_semaphore, #tpu.memory_space<semaphore_mem>>) src(%arg10 : memref<128x128xf32, #tpu.memory_space<vmem>>) dst(%dma_wait3A_218 : memref<128x128xf32, #tpu.memory_space<vmem_shared>>)
      tpu.yield
    }) : () -> ()
    %mul3A_29 = arith.constant 640 : i32
    %mul3A_30 = arith.muli %arg1, %mul3A_29 : i32
    %add3A_31 = arith.constant 384 : i32
    %add3A_32 = arith.addi %mul3A_30, %add3A_31 : i32
    "tpu.region"() ({
      %run_scoped3A = tpu.sem_alloc : memref<!tpu.dma_semaphore, #tpu.memory_space<semaphore_mem>>
      %dma_start3A_211 = arith.constant 0 : i32
      %dma_start3A_212 = tpu.memref_slice %arg12[%add3A_32, %dma_start3A_211] : memref<10240x128xf32, #tpu.memory_space<vmem_shared>> -> memref<128x128xf32, #tpu.memory_space<vmem_shared>>
      %dma_start3A_213 = arith.constant 0 : i32
      %dma_start3A_214 = tpu.memref_slice %arg12[%add3A_32, %dma_start3A_213] : memref<10240x128xf32, #tpu.memory_space<vmem_shared>> -> memref<128x128xf32, #tpu.memory_space<vmem_shared>>
      tpu.enqueue_dma source(%arg10 : memref<128x128xf32, #tpu.memory_space<vmem>>) target(%dma_start3A_214 : memref<128x128xf32, #tpu.memory_space<vmem_shared>>) target_semaphore(%run_scoped3A : memref<!tpu.dma_semaphore, #tpu.memory_space<semaphore_mem>>)
      %dma_wait3A_215 = arith.constant 0 : i32
      %dma_wait3A_216 = tpu.memref_slice %arg12[%add3A_32, %dma_wait3A_215] : memref<10240x128xf32, #tpu.memory_space<vmem_shared>> -> memref<128x128xf32, #tpu.memory_space<vmem_shared>>
      %dma_wait3A_217 = arith.constant 0 : i32
      %dma_wait3A_218 = tpu.memref_slice %arg12[%add3A_32, %dma_wait3A_217] : memref<10240x128xf32, #tpu.memory_space<vmem_shared>> -> memref<128x128xf32, #tpu.memory_space<vmem_shared>>
      tpu.wait_dma2 semaphore(%run_scoped3A : memref<!tpu.dma_semaphore, #tpu.memory_space<semaphore_mem>>) src(%arg10 : memref<128x128xf32, #tpu.memory_space<vmem>>) dst(%dma_wait3A_218 : memref<128x128xf32, #tpu.memory_space<vmem_shared>>)
      tpu.yield
    }) : () -> ()
    %mul3A_33 = arith.constant 640 : i32
    %mul3A_34 = arith.muli %arg1, %mul3A_33 : i32
    %add3A_35 = arith.constant 512 : i32
    %add3A_36 = arith.addi %mul3A_34, %add3A_35 : i32
    "tpu.region"() ({
      %run_scoped3A = tpu.sem_alloc : memref<!tpu.dma_semaphore, #tpu.memory_space<semaphore_mem>>
      %dma_start3A_211 = arith.constant 0 : i32
      %dma_start3A_212 = tpu.memref_slice %arg12[%add3A_36, %dma_start3A_211] : memref<10240x128xf32, #tpu.memory_space<vmem_shared>> -> memref<128x128xf32, #tpu.memory_space<vmem_shared>>
      %dma_start3A_213 = arith.constant 0 : i32
      %dma_start3A_214 = tpu.memref_slice %arg12[%add3A_36, %dma_start3A_213] : memref<10240x128xf32, #tpu.memory_space<vmem_shared>> -> memref<128x128xf32, #tpu.memory_space<vmem_shared>>
      tpu.enqueue_dma source(%arg10 : memref<128x128xf32, #tpu.memory_space<vmem>>) target(%dma_start3A_214 : memref<128x128xf32, #tpu.memory_space<vmem_shared>>) target_semaphore(%run_scoped3A : memref<!tpu.dma_semaphore, #tpu.memory_space<semaphore_mem>>)
      %dma_wait3A_215 = arith.constant 0 : i32
      %dma_wait3A_216 = tpu.memref_slice %arg12[%add3A_36, %dma_wait3A_215] : memref<10240x128xf32, #tpu.memory_space<vmem_shared>> -> memref<128x128xf32, #tpu.memory_space<vmem_shared>>
      %dma_wait3A_217 = arith.constant 0 : i32
      %dma_wait3A_218 = tpu.memref_slice %arg12[%add3A_36, %dma_wait3A_217] : memref<10240x128xf32, #tpu.memory_space<vmem_shared>> -> memref<128x128xf32, #tpu.memory_space<vmem_shared>>
      tpu.wait_dma2 semaphore(%run_scoped3A : memref<!tpu.dma_semaphore, #tpu.memory_space<semaphore_mem>>) src(%arg10 : memref<128x128xf32, #tpu.memory_space<vmem>>) dst(%dma_wait3A_218 : memref<128x128xf32, #tpu.memory_space<vmem_shared>>)
      tpu.yield
    }) : () -> ()
    %barrier3A = arith.constant 0 : index
    tpu.barrier barrier_id(%barrier3A)
    %add3A_37 = arith.constant 0 : i32
    %add3A_38 = arith.addi %mul3A_10, %add3A_37 : i32
    %dma_start3A = arith.constant 0 : i32
    %dma_start3A_39 = arith.constant 0 : i32
    %dma_start3A_40 = tpu.memref_slice %arg6[%dma_start3A, %dma_start3A_39] : memref<1x128xi32, #tpu.memory_space<vmem>> -> memref<1x128xi32, #tpu.memory_space<vmem>>
    %dma_start3A_41 = tpu.memref_squeeze %dma_start3A_40 : memref<1x128xi32, #tpu.memory_space<vmem>> -> memref<128xi32, #tpu.memory_space<vmem>>
    %dma_start3A_42 = tpu.memref_slice %arg3[%add3A_38] : memref<327680xi32, #tpu.memory_space<hbm>> -> memref<128xi32, #tpu.memory_space<hbm>>
    %dma_start3A_43 = arith.constant 0 : i32
    %dma_start3A_44 = tpu.memref_slice %arg6[%dma_start3A, %dma_start3A_43] : memref<1x128xi32, #tpu.memory_space<vmem>> -> memref<1x128xi32, #tpu.memory_space<vmem>>
    %dma_start3A_45 = tpu.memref_squeeze %dma_start3A_44 : memref<1x128xi32, #tpu.memory_space<vmem>> -> memref<128xi32, #tpu.memory_space<vmem>>
    %dma_start3A_46 = tpu.memref_slice %arg3[%add3A_38] : memref<327680xi32, #tpu.memory_space<hbm>> -> memref<128xi32, #tpu.memory_space<hbm>>
    tpu.enqueue_dma source(%dma_start3A_46 : memref<128xi32, #tpu.memory_space<hbm>>) target(%dma_start3A_45 : memref<128xi32, #tpu.memory_space<vmem>>) target_semaphore(%arg13 : memref<!tpu.dma_semaphore, #tpu.memory_space<semaphore_mem>>)
    %add3A_47 = arith.constant 0 : i32
    %add3A_48 = arith.addi %mul3A_10, %add3A_47 : i32
    %dma_start3A_49 = arith.constant 0 : i32
    %dma_start3A_50 = arith.constant 0 : i32
    %dma_start3A_51 = tpu.memref_slice %arg8[%dma_start3A_49, %dma_start3A_50] : memref<1x128xi32, #tpu.memory_space<vmem>> -> memref<1x128xi32, #tpu.memory_space<vmem>>
    %dma_start3A_52 = tpu.memref_squeeze %dma_start3A_51 : memref<1x128xi32, #tpu.memory_space<vmem>> -> memref<128xi32, #tpu.memory_space<vmem>>
    %dma_start3A_53 = tpu.memref_slice %arg4[%add3A_48] : memref<327680xi32, #tpu.memory_space<hbm>> -> memref<128xi32, #tpu.memory_space<hbm>>
    %dma_start3A_54 = arith.constant 0 : i32
    %dma_start3A_55 = tpu.memref_slice %arg8[%dma_start3A_49, %dma_start3A_54] : memref<1x128xi32, #tpu.memory_space<vmem>> -> memref<1x128xi32, #tpu.memory_space<vmem>>
    %dma_start3A_56 = tpu.memref_squeeze %dma_start3A_55 : memref<1x128xi32, #tpu.memory_space<vmem>> -> memref<128xi32, #tpu.memory_space<vmem>>
    %dma_start3A_57 = tpu.memref_slice %arg4[%add3A_48] : memref<327680xi32, #tpu.memory_space<hbm>> -> memref<128xi32, #tpu.memory_space<hbm>>
    tpu.enqueue_dma source(%dma_start3A_57 : memref<128xi32, #tpu.memory_space<hbm>>) target(%dma_start3A_56 : memref<128xi32, #tpu.memory_space<vmem>>) target_semaphore(%arg13 : memref<!tpu.dma_semaphore, #tpu.memory_space<semaphore_mem>>)
    %add3A_58 = arith.constant 128 : i32
    %add3A_59 = arith.addi %mul3A_10, %add3A_58 : i32
    %dma_start3A_60 = arith.constant 0 : i32
    %dma_start3A_61 = arith.constant 0 : i32
    %dma_start3A_62 = tpu.memref_slice %arg7[%dma_start3A_60, %dma_start3A_61] : memref<1x128xi32, #tpu.memory_space<vmem>> -> memref<1x128xi32, #tpu.memory_space<vmem>>
    %dma_start3A_63 = tpu.memref_squeeze %dma_start3A_62 : memref<1x128xi32, #tpu.memory_space<vmem>> -> memref<128xi32, #tpu.memory_space<vmem>>
    %dma_start3A_64 = tpu.memref_slice %arg3[%add3A_59] : memref<327680xi32, #tpu.memory_space<hbm>> -> memref<128xi32, #tpu.memory_space<hbm>>
    %dma_start3A_65 = arith.constant 0 : i32
    %dma_start3A_66 = tpu.memref_slice %arg7[%dma_start3A_60, %dma_start3A_65] : memref<1x128xi32, #tpu.memory_space<vmem>> -> memref<1x128xi32, #tpu.memory_space<vmem>>
    %dma_start3A_67 = tpu.memref_squeeze %dma_start3A_66 : memref<1x128xi32, #tpu.memory_space<vmem>> -> memref<128xi32, #tpu.memory_space<vmem>>
    %dma_start3A_68 = tpu.memref_slice %arg3[%add3A_59] : memref<327680xi32, #tpu.memory_space<hbm>> -> memref<128xi32, #tpu.memory_space<hbm>>
    tpu.enqueue_dma source(%dma_start3A_68 : memref<128xi32, #tpu.memory_space<hbm>>) target(%dma_start3A_67 : memref<128xi32, #tpu.memory_space<vmem>>) target_semaphore(%arg14 : memref<!tpu.dma_semaphore, #tpu.memory_space<semaphore_mem>>)
    %add3A_69 = arith.constant 128 : i32
    %add3A_70 = arith.addi %mul3A_10, %add3A_69 : i32
    %dma_start3A_71 = arith.constant 0 : i32
    %dma_start3A_72 = arith.constant 0 : i32
    %dma_start3A_73 = tpu.memref_slice %arg9[%dma_start3A_71, %dma_start3A_72] : memref<1x128xi32, #tpu.memory_space<vmem>> -> memref<1x128xi32, #tpu.memory_space<vmem>>
    %dma_start3A_74 = tpu.memref_squeeze %dma_start3A_73 : memref<1x128xi32, #tpu.memory_space<vmem>> -> memref<128xi32, #tpu.memory_space<vmem>>
    %dma_start3A_75 = tpu.memref_slice %arg4[%add3A_70] : memref<327680xi32, #tpu.memory_space<hbm>> -> memref<128xi32, #tpu.memory_space<hbm>>
    %dma_start3A_76 = arith.constant 0 : i32
    %dma_start3A_77 = tpu.memref_slice %arg9[%dma_start3A_71, %dma_start3A_76] : memref<1x128xi32, #tpu.memory_space<vmem>> -> memref<1x128xi32, #tpu.memory_space<vmem>>
    %dma_start3A_78 = tpu.memref_squeeze %dma_start3A_77 : memref<1x128xi32, #tpu.memory_space<vmem>> -> memref<128xi32, #tpu.memory_space<vmem>>
    %dma_start3A_79 = tpu.memref_slice %arg4[%add3A_70] : memref<327680xi32, #tpu.memory_space<hbm>> -> memref<128xi32, #tpu.memory_space<hbm>>
    tpu.enqueue_dma source(%dma_start3A_79 : memref<128xi32, #tpu.memory_space<hbm>>) target(%dma_start3A_78 : memref<128xi32, #tpu.memory_space<vmem>>) target_semaphore(%arg14 : memref<!tpu.dma_semaphore, #tpu.memory_space<semaphore_mem>>)
    %dma_wait3A = arith.constant 0 : i32
    %dma_wait3A_80 = arith.constant 0 : i32
    %dma_wait3A_81 = tpu.memref_slice %arg6[%dma_wait3A, %dma_wait3A_80] : memref<1x128xi32, #tpu.memory_space<vmem>> -> memref<1x128xi32, #tpu.memory_space<vmem>>
    %dma_wait3A_82 = tpu.memref_squeeze %dma_wait3A_81 : memref<1x128xi32, #tpu.memory_space<vmem>> -> memref<128xi32, #tpu.memory_space<vmem>>
    %dma_wait3A_83 = arith.constant 0 : i32
    %dma_wait3A_84 = tpu.memref_slice %arg3[%dma_wait3A_83] : memref<327680xi32, #tpu.memory_space<hbm>> -> memref<128xi32, #tpu.memory_space<hbm>>
    %dma_wait3A_85 = arith.constant 0 : i32
    %dma_wait3A_86 = tpu.memref_slice %arg6[%dma_wait3A, %dma_wait3A_85] : memref<1x128xi32, #tpu.memory_space<vmem>> -> memref<1x128xi32, #tpu.memory_space<vmem>>
    %dma_wait3A_87 = tpu.memref_squeeze %dma_wait3A_86 : memref<1x128xi32, #tpu.memory_space<vmem>> -> memref<128xi32, #tpu.memory_space<vmem>>
    %dma_wait3A_88 = arith.constant 0 : i32
    %dma_wait3A_89 = tpu.memref_slice %arg3[%dma_wait3A_88] : memref<327680xi32, #tpu.memory_space<hbm>> -> memref<128xi32, #tpu.memory_space<hbm>>
    tpu.wait_dma2 semaphore(%arg13 : memref<!tpu.dma_semaphore, #tpu.memory_space<semaphore_mem>>) src(%dma_wait3A_89 : memref<128xi32, #tpu.memory_space<hbm>>) dst(%dma_wait3A_87 : memref<128xi32, #tpu.memory_space<vmem>>)
    %dma_wait3A_90 = arith.constant 0 : i32
    %dma_wait3A_91 = arith.constant 0 : i32
    %dma_wait3A_92 = tpu.memref_slice %arg8[%dma_wait3A_90, %dma_wait3A_91] : memref<1x128xi32, #tpu.memory_space<vmem>> -> memref<1x128xi32, #tpu.memory_space<vmem>>
    %dma_wait3A_93 = tpu.memref_squeeze %dma_wait3A_92 : memref<1x128xi32, #tpu.memory_space<vmem>> -> memref<128xi32, #tpu.memory_space<vmem>>
    %dma_wait3A_94 = arith.constant 0 : i32
    %dma_wait3A_95 = tpu.memref_slice %arg3[%dma_wait3A_94] : memref<327680xi32, #tpu.memory_space<hbm>> -> memref<128xi32, #tpu.memory_space<hbm>>
    %dma_wait3A_96 = arith.constant 0 : i32
    %dma_wait3A_97 = tpu.memref_slice %arg8[%dma_wait3A_90, %dma_wait3A_96] : memref<1x128xi32, #tpu.memory_space<vmem>> -> memref<1x128xi32, #tpu.memory_space<vmem>>
    %dma_wait3A_98 = tpu.memref_squeeze %dma_wait3A_97 : memref<1x128xi32, #tpu.memory_space<vmem>> -> memref<128xi32, #tpu.memory_space<vmem>>
    %dma_wait3A_99 = arith.constant 0 : i32
    %dma_wait3A_100 = tpu.memref_slice %arg3[%dma_wait3A_99] : memref<327680xi32, #tpu.memory_space<hbm>> -> memref<128xi32, #tpu.memory_space<hbm>>
    tpu.wait_dma2 semaphore(%arg13 : memref<!tpu.dma_semaphore, #tpu.memory_space<semaphore_mem>>) src(%dma_wait3A_100 : memref<128xi32, #tpu.memory_space<hbm>>) dst(%dma_wait3A_98 : memref<128xi32, #tpu.memory_space<vmem>>)
    %dma_start3A_101 = arith.constant 0 : i32
    %dma_start3A_102 = arith.constant 0 : i32
    %dma_start3A_103 = tpu.memref_slice %arg6[%dma_start3A_101, %dma_start3A_102] : memref<1x128xi32, #tpu.memory_space<vmem>> -> memref<1x128xi32, #tpu.memory_space<vmem>>
    %dma_start3A_104 = tpu.memref_squeeze %dma_start3A_103 : memref<1x128xi32, #tpu.memory_space<vmem>> -> memref<128xi32, #tpu.memory_space<vmem>>
    %dma_start3A_105 = arith.constant 0 : i32
    %dma_start3A_106 = arith.constant 0 : i32
    %dma_start3A_107 = tpu.memref_slice %arg2[%dma_start3A_105, %dma_start3A_106] : memref<10240x128xf32, #tpu.memory_space<hbm>> -> memref<10240x128xf32, #tpu.memory_space<hbm>>
    tpu.enqueue_indirect_dma source(%dma_start3A_107 : memref<10240x128xf32, #tpu.memory_space<hbm>>) target(%arg10 : memref<128x128xf32, #tpu.memory_space<vmem>>) offsets(%dma_start3A_104 : memref<128xi32, #tpu.memory_space<vmem>>) semaphore(%arg15 : memref<!tpu.dma_semaphore, #tpu.memory_space<semaphore_mem>>)
    %dma_wait3A_108 = arith.constant 0 : i32
    %dma_wait3A_109 = arith.constant 0 : i32
    %dma_wait3A_110 = tpu.memref_slice %arg7[%dma_wait3A_108, %dma_wait3A_109] : memref<1x128xi32, #tpu.memory_space<vmem>> -> memref<1x128xi32, #tpu.memory_space<vmem>>
    %dma_wait3A_111 = tpu.memref_squeeze %dma_wait3A_110 : memref<1x128xi32, #tpu.memory_space<vmem>> -> memref<128xi32, #tpu.memory_space<vmem>>
    %dma_wait3A_112 = arith.constant 0 : i32
    %dma_wait3A_113 = tpu.memref_slice %arg3[%dma_wait3A_112] : memref<327680xi32, #tpu.memory_space<hbm>> -> memref<128xi32, #tpu.memory_space<hbm>>
    %dma_wait3A_114 = arith.constant 0 : i32
    %dma_wait3A_115 = tpu.memref_slice %arg7[%dma_wait3A_108, %dma_wait3A_114] : memref<1x128xi32, #tpu.memory_space<vmem>> -> memref<1x128xi32, #tpu.memory_space<vmem>>
    %dma_wait3A_116 = tpu.memref_squeeze %dma_wait3A_115 : memref<1x128xi32, #tpu.memory_space<vmem>> -> memref<128xi32, #tpu.memory_space<vmem>>
    %dma_wait3A_117 = arith.constant 0 : i32
    %dma_wait3A_118 = tpu.memref_slice %arg3[%dma_wait3A_117] : memref<327680xi32, #tpu.memory_space<hbm>> -> memref<128xi32, #tpu.memory_space<hbm>>
    tpu.wait_dma2 semaphore(%arg14 : memref<!tpu.dma_semaphore, #tpu.memory_space<semaphore_mem>>) src(%dma_wait3A_118 : memref<128xi32, #tpu.memory_space<hbm>>) dst(%dma_wait3A_116 : memref<128xi32, #tpu.memory_space<vmem>>)
    %dma_wait3A_119 = arith.constant 0 : i32
    %dma_wait3A_120 = arith.constant 0 : i32
    %dma_wait3A_121 = tpu.memref_slice %arg9[%dma_wait3A_119, %dma_wait3A_120] : memref<1x128xi32, #tpu.memory_space<vmem>> -> memref<1x128xi32, #tpu.memory_space<vmem>>
    %dma_wait3A_122 = tpu.memref_squeeze %dma_wait3A_121 : memref<1x128xi32, #tpu.memory_space<vmem>> -> memref<128xi32, #tpu.memory_space<vmem>>
    %dma_wait3A_123 = arith.constant 0 : i32
    %dma_wait3A_124 = tpu.memref_slice %arg3[%dma_wait3A_123] : memref<327680xi32, #tpu.memory_space<hbm>> -> memref<128xi32, #tpu.memory_space<hbm>>
    %dma_wait3A_125 = arith.constant 0 : i32
    %dma_wait3A_126 = tpu.memref_slice %arg9[%dma_wait3A_119, %dma_wait3A_125] : memref<1x128xi32, #tpu.memory_space<vmem>> -> memref<1x128xi32, #tpu.memory_space<vmem>>
    %dma_wait3A_127 = tpu.memref_squeeze %dma_wait3A_126 : memref<1x128xi32, #tpu.memory_space<vmem>> -> memref<128xi32, #tpu.memory_space<vmem>>
    %dma_wait3A_128 = arith.constant 0 : i32
    %dma_wait3A_129 = tpu.memref_slice %arg3[%dma_wait3A_128] : memref<327680xi32, #tpu.memory_space<hbm>> -> memref<128xi32, #tpu.memory_space<hbm>>
    tpu.wait_dma2 semaphore(%arg14 : memref<!tpu.dma_semaphore, #tpu.memory_space<semaphore_mem>>) src(%dma_wait3A_129 : memref<128xi32, #tpu.memory_space<hbm>>) dst(%dma_wait3A_127 : memref<128xi32, #tpu.memory_space<vmem>>)
    %dma_start3A_130 = arith.constant 0 : i32
    %dma_start3A_131 = arith.constant 0 : i32
    %dma_start3A_132 = tpu.memref_slice %arg7[%dma_start3A_130, %dma_start3A_131] : memref<1x128xi32, #tpu.memory_space<vmem>> -> memref<1x128xi32, #tpu.memory_space<vmem>>
    %dma_start3A_133 = tpu.memref_squeeze %dma_start3A_132 : memref<1x128xi32, #tpu.memory_space<vmem>> -> memref<128xi32, #tpu.memory_space<vmem>>
    %dma_start3A_134 = arith.constant 0 : i32
    %dma_start3A_135 = arith.constant 0 : i32
    %dma_start3A_136 = tpu.memref_slice %arg2[%dma_start3A_134, %dma_start3A_135] : memref<10240x128xf32, #tpu.memory_space<hbm>> -> memref<10240x128xf32, #tpu.memory_space<hbm>>
    tpu.enqueue_indirect_dma source(%dma_start3A_136 : memref<10240x128xf32, #tpu.memory_space<hbm>>) target(%arg11 : memref<128x128xf32, #tpu.memory_space<vmem>>) offsets(%dma_start3A_133 : memref<128xi32, #tpu.memory_space<vmem>>) semaphore(%arg16 : memref<!tpu.dma_semaphore, #tpu.memory_space<semaphore_mem>>)
    %jit3A_137 = arith.constant 2 : i32
    %div3A = arith.divsi %select_n3A, %jit3A_137 : i32
    %sign3A = arith.constant 0 : i32
    %sign3A_138 = arith.cmpi sgt, %select_n3A, %sign3A : i32
    %sign3A_139 = arith.extui %sign3A_138 : i1 to i32
    %sign3A_140 = arith.constant 0 : i32
    %sign3A_141 = arith.cmpi slt, %select_n3A, %sign3A_140 : i32
    %sign3A_142 = arith.extui %sign3A_141 : i1 to i32
    %sign3A_143 = arith.subi %sign3A_139, %sign3A_142 : i32
    %sign3A_144 = arith.constant 0 : i32
    %sign3A_145 = arith.cmpi sgt, %jit3A_137, %sign3A_144 : i32
    %sign3A_146 = arith.extui %sign3A_145 : i1 to i32
    %sign3A_147 = arith.constant 0 : i32
    %sign3A_148 = arith.cmpi slt, %jit3A_137, %sign3A_147 : i32
    %sign3A_149 = arith.extui %sign3A_148 : i1 to i32
    %sign3A_150 = arith.subi %sign3A_146, %sign3A_149 : i32
    %ne3A = arith.cmpi ne, %sign3A_143, %sign3A_150 : i32
    %rem3A = arith.remsi %select_n3A, %jit3A_137 : i32
    %ne3A_151 = arith.constant 0 : i32
    %ne3A_152 = arith.cmpi ne, %rem3A, %ne3A_151 : i32
    %and3A = arith.andi %ne3A, %ne3A_152 : i1
    %sub3A = arith.constant 1 : i32
    %sub3A_153 = arith.subi %div3A, %sub3A : i32
    %select_n3A_154 = arith.select %and3A, %sub3A_153, %div3A : i32
    %sub3A_155 = arith.constant 1 : i32
    %sub3A_156 = arith.subi %select_n3A_154, %sub3A_155 : i32
    %while3A = arith.constant 0 : i32
    %while3A_157 = arith.constant 0 : i32
    %while3A_158 = arith.subi %sub3A_156, %while3A_157 : i32
    %while3A_159 = arith.addi %while3A_157, %while3A_158 : i32
    %while3A_160 = arith.constant 1 : i32
    %while3A_161 = arith.divsi %while3A_158, %while3A_160 : i32
    %while3A_162 = arith.muli %while3A_161, %while3A_160 : i32
    %while3A_163 = arith.addi %while3A_157, %while3A_162 : i32
    %while3A_164 = arith.constant 1 : i32
    scf.for %while3A_211 = %while3A_157 to %while3A_163 step %while3A_164  : i32 {
      %mul3A_212 = arith.constant 2 : i32
      %mul3A_213 = arith.muli %mul3A_212, %while3A_211 : i32
      %dma_wait3A_214 = arith.constant 0 : i32
      %dma_wait3A_215 = arith.constant 0 : i32
      %dma_wait3A_216 = tpu.memref_slice %arg6[%dma_wait3A_214, %dma_wait3A_215] : memref<1x128xi32, #tpu.memory_space<vmem>> -> memref<1x128xi32, #tpu.memory_space<vmem>>
      %dma_wait3A_217 = tpu.memref_squeeze %dma_wait3A_216 : memref<1x128xi32, #tpu.memory_space<vmem>> -> memref<128xi32, #tpu.memory_space<vmem>>
      %dma_wait3A_218 = arith.constant 0 : i32
      %dma_wait3A_219 = arith.constant 0 : i32
      %dma_wait3A_220 = tpu.memref_slice %arg2[%dma_wait3A_218, %dma_wait3A_219] : memref<10240x128xf32, #tpu.memory_space<hbm>> -> memref<10240x128xf32, #tpu.memory_space<hbm>>
      tpu.wait_indirect_dma semaphore(%arg15 : memref<!tpu.dma_semaphore, #tpu.memory_space<semaphore_mem>>) src(%dma_wait3A_220 : memref<10240x128xf32, #tpu.memory_space<hbm>>) dst(%arg10 : memref<128x128xf32, #tpu.memory_space<vmem>>)
      %dma_start3A_221 = arith.constant 0 : i32
      %dma_start3A_222 = arith.constant 0 : i32
      %dma_start3A_223 = tpu.memref_slice %arg8[%dma_start3A_221, %dma_start3A_222] : memref<1x128xi32, #tpu.memory_space<vmem>> -> memref<1x128xi32, #tpu.memory_space<vmem>>
      %dma_start3A_224 = tpu.memref_squeeze %dma_start3A_223 : memref<1x128xi32, #tpu.memory_space<vmem>> -> memref<128xi32, #tpu.memory_space<vmem>>
      %dma_start3A_225 = arith.constant 0 : i32
      %dma_start3A_226 = arith.constant 0 : i32
      %dma_start3A_227 = tpu.memref_slice %arg12[%dma_start3A_225, %dma_start3A_226] : memref<10240x128xf32, #tpu.memory_space<vmem_shared>> -> memref<10240x128xf32, #tpu.memory_space<vmem_shared>>
      tpu.enqueue_indirect_dma source(%arg10 : memref<128x128xf32, #tpu.memory_space<vmem>>) target(%dma_start3A_227 : memref<10240x128xf32, #tpu.memory_space<vmem_shared>>) offsets(%dma_start3A_224 : memref<128xi32, #tpu.memory_space<vmem>>) semaphore(%arg17 : memref<!tpu.dma_semaphore, #tpu.memory_space<semaphore_mem>>) {add = true}
      %dma_wait3A_228 = arith.constant 0 : i32
      %dma_wait3A_229 = arith.constant 0 : i32
      %dma_wait3A_230 = tpu.memref_slice %arg7[%dma_wait3A_228, %dma_wait3A_229] : memref<1x128xi32, #tpu.memory_space<vmem>> -> memref<1x128xi32, #tpu.memory_space<vmem>>
      %dma_wait3A_231 = tpu.memref_squeeze %dma_wait3A_230 : memref<1x128xi32, #tpu.memory_space<vmem>> -> memref<128xi32, #tpu.memory_space<vmem>>
      %dma_wait3A_232 = arith.constant 0 : i32
      %dma_wait3A_233 = arith.constant 0 : i32
      %dma_wait3A_234 = tpu.memref_slice %arg2[%dma_wait3A_232, %dma_wait3A_233] : memref<10240x128xf32, #tpu.memory_space<hbm>> -> memref<10240x128xf32, #tpu.memory_space<hbm>>
      tpu.wait_indirect_dma semaphore(%arg16 : memref<!tpu.dma_semaphore, #tpu.memory_space<semaphore_mem>>) src(%dma_wait3A_234 : memref<10240x128xf32, #tpu.memory_space<hbm>>) dst(%arg11 : memref<128x128xf32, #tpu.memory_space<vmem>>)
      %dma_start3A_235 = arith.constant 0 : i32
      %dma_start3A_236 = arith.constant 0 : i32
      %dma_start3A_237 = tpu.memref_slice %arg9[%dma_start3A_235, %dma_start3A_236] : memref<1x128xi32, #tpu.memory_space<vmem>> -> memref<1x128xi32, #tpu.memory_space<vmem>>
      %dma_start3A_238 = tpu.memref_squeeze %dma_start3A_237 : memref<1x128xi32, #tpu.memory_space<vmem>> -> memref<128xi32, #tpu.memory_space<vmem>>
      %dma_start3A_239 = arith.constant 0 : i32
      %dma_start3A_240 = arith.constant 0 : i32
      %dma_start3A_241 = tpu.memref_slice %arg12[%dma_start3A_239, %dma_start3A_240] : memref<10240x128xf32, #tpu.memory_space<vmem_shared>> -> memref<10240x128xf32, #tpu.memory_space<vmem_shared>>
      tpu.enqueue_indirect_dma source(%arg11 : memref<128x128xf32, #tpu.memory_space<vmem>>) target(%dma_start3A_241 : memref<10240x128xf32, #tpu.memory_space<vmem_shared>>) offsets(%dma_start3A_238 : memref<128xi32, #tpu.memory_space<vmem>>) semaphore(%arg18 : memref<!tpu.dma_semaphore, #tpu.memory_space<semaphore_mem>>) {add = true}
      %dma_wait3A_242 = arith.constant 0 : i32
      %dma_wait3A_243 = arith.constant 0 : i32
      %dma_wait3A_244 = tpu.memref_slice %arg12[%dma_wait3A_242, %dma_wait3A_243] : memref<10240x128xf32, #tpu.memory_space<vmem_shared>> -> memref<128x128xf32, #tpu.memory_space<vmem_shared>>
      %dma_wait3A_245 = arith.constant 0 : i32
      %dma_wait3A_246 = arith.constant 0 : i32
      %dma_wait3A_247 = tpu.memref_slice %arg12[%dma_wait3A_245, %dma_wait3A_246] : memref<10240x128xf32, #tpu.memory_space<vmem_shared>> -> memref<128x128xf32, #tpu.memory_space<vmem_shared>>
      tpu.wait_dma2 semaphore(%arg17 : memref<!tpu.dma_semaphore, #tpu.memory_space<semaphore_mem>>) src(%arg10 : memref<128x128xf32, #tpu.memory_space<vmem>>) dst(%dma_wait3A_247 : memref<128x128xf32, #tpu.memory_space<vmem_shared>>)
      %add3A_248 = arith.constant 2 : i32
      %add3A_249 = arith.addi %mul3A_213, %add3A_248 : i32
      %mul3A_250 = arith.constant 128 : i32
      %mul3A_251 = arith.muli %add3A_249, %mul3A_250 : i32
      %add3A_252 = arith.addi %mul3A_10, %mul3A_251 : i32
      %dma_start3A_253 = arith.constant 0 : i32
      %dma_start3A_254 = arith.constant 0 : i32
      %dma_start3A_255 = tpu.memref_slice %arg6[%dma_start3A_253, %dma_start3A_254] : memref<1x128xi32, #tpu.memory_space<vmem>> -> memref<1x128xi32, #tpu.memory_space<vmem>>
      %dma_start3A_256 = tpu.memref_squeeze %dma_start3A_255 : memref<1x128xi32, #tpu.memory_space<vmem>> -> memref<128xi32, #tpu.memory_space<vmem>>
      %dma_start3A_257 = tpu.memref_slice %arg3[%add3A_252] : memref<327680xi32, #tpu.memory_space<hbm>> -> memref<128xi32, #tpu.memory_space<hbm>>
      %dma_start3A_258 = arith.constant 0 : i32
      %dma_start3A_259 = tpu.memref_slice %arg6[%dma_start3A_253, %dma_start3A_258] : memref<1x128xi32, #tpu.memory_space<vmem>> -> memref<1x128xi32, #tpu.memory_space<vmem>>
      %dma_start3A_260 = tpu.memref_squeeze %dma_start3A_259 : memref<1x128xi32, #tpu.memory_space<vmem>> -> memref<128xi32, #tpu.memory_space<vmem>>
      %dma_start3A_261 = tpu.memref_slice %arg3[%add3A_252] : memref<327680xi32, #tpu.memory_space<hbm>> -> memref<128xi32, #tpu.memory_space<hbm>>
      tpu.enqueue_dma source(%dma_start3A_261 : memref<128xi32, #tpu.memory_space<hbm>>) target(%dma_start3A_260 : memref<128xi32, #tpu.memory_space<vmem>>) target_semaphore(%arg13 : memref<!tpu.dma_semaphore, #tpu.memory_space<semaphore_mem>>)
      %mul3A_262 = arith.constant 128 : i32
      %mul3A_263 = arith.muli %add3A_249, %mul3A_262 : i32
      %add3A_264 = arith.addi %mul3A_10, %mul3A_263 : i32
      %dma_start3A_265 = arith.constant 0 : i32
      %dma_start3A_266 = arith.constant 0 : i32
      %dma_start3A_267 = tpu.memref_slice %arg8[%dma_start3A_265, %dma_start3A_266] : memref<1x128xi32, #tpu.memory_space<vmem>> -> memref<1x128xi32, #tpu.memory_space<vmem>>
      %dma_start3A_268 = tpu.memref_squeeze %dma_start3A_267 : memref<1x128xi32, #tpu.memory_space<vmem>> -> memref<128xi32, #tpu.memory_space<vmem>>
      %dma_start3A_269 = tpu.memref_slice %arg4[%add3A_264] : memref<327680xi32, #tpu.memory_space<hbm>> -> memref<128xi32, #tpu.memory_space<hbm>>
      %dma_start3A_270 = arith.constant 0 : i32
      %dma_start3A_271 = tpu.memref_slice %arg8[%dma_start3A_265, %dma_start3A_270] : memref<1x128xi32, #tpu.memory_space<vmem>> -> memref<1x128xi32, #tpu.memory_space<vmem>>
      %dma_start3A_272 = tpu.memref_squeeze %dma_start3A_271 : memref<1x128xi32, #tpu.memory_space<vmem>> -> memref<128xi32, #tpu.memory_space<vmem>>
      %dma_start3A_273 = tpu.memref_slice %arg4[%add3A_264] : memref<327680xi32, #tpu.memory_space<hbm>> -> memref<128xi32, #tpu.memory_space<hbm>>
      tpu.enqueue_dma source(%dma_start3A_273 : memref<128xi32, #tpu.memory_space<hbm>>) target(%dma_start3A_272 : memref<128xi32, #tpu.memory_space<vmem>>) target_semaphore(%arg13 : memref<!tpu.dma_semaphore, #tpu.memory_space<semaphore_mem>>)
      %dma_wait3A_274 = arith.constant 0 : i32
      %dma_wait3A_275 = arith.constant 0 : i32
      %dma_wait3A_276 = tpu.memref_slice %arg12[%dma_wait3A_274, %dma_wait3A_275] : memref<10240x128xf32, #tpu.memory_space<vmem_shared>> -> memref<128x128xf32, #tpu.memory_space<vmem_shared>>
      %dma_wait3A_277 = arith.constant 0 : i32
      %dma_wait3A_278 = arith.constant 0 : i32
      %dma_wait3A_279 = tpu.memref_slice %arg12[%dma_wait3A_277, %dma_wait3A_278] : memref<10240x128xf32, #tpu.memory_space<vmem_shared>> -> memref<128x128xf32, #tpu.memory_space<vmem_shared>>
      tpu.wait_dma2 semaphore(%arg18 : memref<!tpu.dma_semaphore, #tpu.memory_space<semaphore_mem>>) src(%arg11 : memref<128x128xf32, #tpu.memory_space<vmem>>) dst(%dma_wait3A_279 : memref<128x128xf32, #tpu.memory_space<vmem_shared>>)
      %add3A_280 = arith.constant 3 : i32
      %add3A_281 = arith.addi %mul3A_213, %add3A_280 : i32
      %mul3A_282 = arith.constant 128 : i32
      %mul3A_283 = arith.muli %add3A_281, %mul3A_282 : i32
      %add3A_284 = arith.addi %mul3A_10, %mul3A_283 : i32
      %dma_start3A_285 = arith.constant 0 : i32
      %dma_start3A_286 = arith.constant 0 : i32
      %dma_start3A_287 = tpu.memref_slice %arg7[%dma_start3A_285, %dma_start3A_286] : memref<1x128xi32, #tpu.memory_space<vmem>> -> memref<1x128xi32, #tpu.memory_space<vmem>>
      %dma_start3A_288 = tpu.memref_squeeze %dma_start3A_287 : memref<1x128xi32, #tpu.memory_space<vmem>> -> memref<128xi32, #tpu.memory_space<vmem>>
      %dma_start3A_289 = tpu.memref_slice %arg3[%add3A_284] : memref<327680xi32, #tpu.memory_space<hbm>> -> memref<128xi32, #tpu.memory_space<hbm>>
      %dma_start3A_290 = arith.constant 0 : i32
      %dma_start3A_291 = tpu.memref_slice %arg7[%dma_start3A_285, %dma_start3A_290] : memref<1x128xi32, #tpu.memory_space<vmem>> -> memref<1x128xi32, #tpu.memory_space<vmem>>
      %dma_start3A_292 = tpu.memref_squeeze %dma_start3A_291 : memref<1x128xi32, #tpu.memory_space<vmem>> -> memref<128xi32, #tpu.memory_space<vmem>>
      %dma_start3A_293 = tpu.memref_slice %arg3[%add3A_284] : memref<327680xi32, #tpu.memory_space<hbm>> -> memref<128xi32, #tpu.memory_space<hbm>>
      tpu.enqueue_dma source(%dma_start3A_293 : memref<128xi32, #tpu.memory_space<hbm>>) target(%dma_start3A_292 : memref<128xi32, #tpu.memory_space<vmem>>) target_semaphore(%arg14 : memref<!tpu.dma_semaphore, #tpu.memory_space<semaphore_mem>>)
      %mul3A_294 = arith.constant 128 : i32
      %mul3A_295 = arith.muli %add3A_281, %mul3A_294 : i32
      %add3A_296 = arith.addi %mul3A_10, %mul3A_295 : i32
      %dma_start3A_297 = arith.constant 0 : i32
      %dma_start3A_298 = arith.constant 0 : i32
      %dma_start3A_299 = tpu.memref_slice %arg9[%dma_start3A_297, %dma_start3A_298] : memref<1x128xi32, #tpu.memory_space<vmem>> -> memref<1x128xi32, #tpu.memory_space<vmem>>
      %dma_start3A_300 = tpu.memref_squeeze %dma_start3A_299 : memref<1x128xi32, #tpu.memory_space<vmem>> -> memref<128xi32, #tpu.memory_space<vmem>>
      %dma_start3A_301 = tpu.memref_slice %arg4[%add3A_296] : memref<327680xi32, #tpu.memory_space<hbm>> -> memref<128xi32, #tpu.memory_space<hbm>>
      %dma_start3A_302 = arith.constant 0 : i32
      %dma_start3A_303 = tpu.memref_slice %arg9[%dma_start3A_297, %dma_start3A_302] : memref<1x128xi32, #tpu.memory_space<vmem>> -> memref<1x128xi32, #tpu.memory_space<vmem>>
      %dma_start3A_304 = tpu.memref_squeeze %dma_start3A_303 : memref<1x128xi32, #tpu.memory_space<vmem>> -> memref<128xi32, #tpu.memory_space<vmem>>
      %dma_start3A_305 = tpu.memref_slice %arg4[%add3A_296] : memref<327680xi32, #tpu.memory_space<hbm>> -> memref<128xi32, #tpu.memory_space<hbm>>
      tpu.enqueue_dma source(%dma_start3A_305 : memref<128xi32, #tpu.memory_space<hbm>>) target(%dma_start3A_304 : memref<128xi32, #tpu.memory_space<vmem>>) target_semaphore(%arg14 : memref<!tpu.dma_semaphore, #tpu.memory_space<semaphore_mem>>)
      %dma_wait3A_306 = arith.constant 0 : i32
      %dma_wait3A_307 = arith.constant 0 : i32
      %dma_wait3A_308 = tpu.memref_slice %arg6[%dma_wait3A_306, %dma_wait3A_307] : memref<1x128xi32, #tpu.memory_space<vmem>> -> memref<1x128xi32, #tpu.memory_space<vmem>>
      %dma_wait3A_309 = tpu.memref_squeeze %dma_wait3A_308 : memref<1x128xi32, #tpu.memory_space<vmem>> -> memref<128xi32, #tpu.memory_space<vmem>>
      %dma_wait3A_310 = arith.constant 0 : i32
      %dma_wait3A_311 = tpu.memref_slice %arg3[%dma_wait3A_310] : memref<327680xi32, #tpu.memory_space<hbm>> -> memref<128xi32, #tpu.memory_space<hbm>>
      %dma_wait3A_312 = arith.constant 0 : i32
      %dma_wait3A_313 = tpu.memref_slice %arg6[%dma_wait3A_306, %dma_wait3A_312] : memref<1x128xi32, #tpu.memory_space<vmem>> -> memref<1x128xi32, #tpu.memory_space<vmem>>
      %dma_wait3A_314 = tpu.memref_squeeze %dma_wait3A_313 : memref<1x128xi32, #tpu.memory_space<vmem>> -> memref<128xi32, #tpu.memory_space<vmem>>
      %dma_wait3A_315 = arith.constant 0 : i32
      %dma_wait3A_316 = tpu.memref_slice %arg3[%dma_wait3A_315] : memref<327680xi32, #tpu.memory_space<hbm>> -> memref<128xi32, #tpu.memory_space<hbm>>
      tpu.wait_dma2 semaphore(%arg13 : memref<!tpu.dma_semaphore, #tpu.memory_space<semaphore_mem>>) src(%dma_wait3A_316 : memref<128xi32, #tpu.memory_space<hbm>>) dst(%dma_wait3A_314 : memref<128xi32, #tpu.memory_space<vmem>>)
      %dma_wait3A_317 = arith.constant 0 : i32
      %dma_wait3A_318 = arith.constant 0 : i32
      %dma_wait3A_319 = tpu.memref_slice %arg8[%dma_wait3A_317, %dma_wait3A_318] : memref<1x128xi32, #tpu.memory_space<vmem>> -> memref<1x128xi32, #tpu.memory_space<vmem>>
      %dma_wait3A_320 = tpu.memref_squeeze %dma_wait3A_319 : memref<1x128xi32, #tpu.memory_space<vmem>> -> memref<128xi32, #tpu.memory_space<vmem>>
      %dma_wait3A_321 = arith.constant 0 : i32
      %dma_wait3A_322 = tpu.memref_slice %arg3[%dma_wait3A_321] : memref<327680xi32, #tpu.memory_space<hbm>> -> memref<128xi32, #tpu.memory_space<hbm>>
      %dma_wait3A_323 = arith.constant 0 : i32
      %dma_wait3A_324 = tpu.memref_slice %arg8[%dma_wait3A_317, %dma_wait3A_323] : memref<1x128xi32, #tpu.memory_space<vmem>> -> memref<1x128xi32, #tpu.memory_space<vmem>>
      %dma_wait3A_325 = tpu.memref_squeeze %dma_wait3A_324 : memref<1x128xi32, #tpu.memory_space<vmem>> -> memref<128xi32, #tpu.memory_space<vmem>>
      %dma_wait3A_326 = arith.constant 0 : i32
      %dma_wait3A_327 = tpu.memref_slice %arg3[%dma_wait3A_326] : memref<327680xi32, #tpu.memory_space<hbm>> -> memref<128xi32, #tpu.memory_space<hbm>>
      tpu.wait_dma2 semaphore(%arg13 : memref<!tpu.dma_semaphore, #tpu.memory_space<semaphore_mem>>) src(%dma_wait3A_327 : memref<128xi32, #tpu.memory_space<hbm>>) dst(%dma_wait3A_325 : memref<128xi32, #tpu.memory_space<vmem>>)
      %dma_start3A_328 = arith.constant 0 : i32
      %dma_start3A_329 = arith.constant 0 : i32
      %dma_start3A_330 = tpu.memref_slice %arg6[%dma_start3A_328, %dma_start3A_329] : memref<1x128xi32, #tpu.memory_space<vmem>> -> memref<1x128xi32, #tpu.memory_space<vmem>>
      %dma_start3A_331 = tpu.memref_squeeze %dma_start3A_330 : memref<1x128xi32, #tpu.memory_space<vmem>> -> memref<128xi32, #tpu.memory_space<vmem>>
      %dma_start3A_332 = arith.constant 0 : i32
      %dma_start3A_333 = arith.constant 0 : i32
      %dma_start3A_334 = tpu.memref_slice %arg2[%dma_start3A_332, %dma_start3A_333] : memref<10240x128xf32, #tpu.memory_space<hbm>> -> memref<10240x128xf32, #tpu.memory_space<hbm>>
      tpu.enqueue_indirect_dma source(%dma_start3A_334 : memref<10240x128xf32, #tpu.memory_space<hbm>>) target(%arg10 : memref<128x128xf32, #tpu.memory_space<vmem>>) offsets(%dma_start3A_331 : memref<128xi32, #tpu.memory_space<vmem>>) semaphore(%arg15 : memref<!tpu.dma_semaphore, #tpu.memory_space<semaphore_mem>>)
      %dma_wait3A_335 = arith.constant 0 : i32
      %dma_wait3A_336 = arith.constant 0 : i32
      %dma_wait3A_337 = tpu.memref_slice %arg7[%dma_wait3A_335, %dma_wait3A_336] : memref<1x128xi32, #tpu.memory_space<vmem>> -> memref<1x128xi32, #tpu.memory_space<vmem>>
      %dma_wait3A_338 = tpu.memref_squeeze %dma_wait3A_337 : memref<1x128xi32, #tpu.memory_space<vmem>> -> memref<128xi32, #tpu.memory_space<vmem>>
      %dma_wait3A_339 = arith.constant 0 : i32
      %dma_wait3A_340 = tpu.memref_slice %arg3[%dma_wait3A_339] : memref<327680xi32, #tpu.memory_space<hbm>> -> memref<128xi32, #tpu.memory_space<hbm>>
      %dma_wait3A_341 = arith.constant 0 : i32
      %dma_wait3A_342 = tpu.memref_slice %arg7[%dma_wait3A_335, %dma_wait3A_341] : memref<1x128xi32, #tpu.memory_space<vmem>> -> memref<1x128xi32, #tpu.memory_space<vmem>>
      %dma_wait3A_343 = tpu.memref_squeeze %dma_wait3A_342 : memref<1x128xi32, #tpu.memory_space<vmem>> -> memref<128xi32, #tpu.memory_space<vmem>>
      %dma_wait3A_344 = arith.constant 0 : i32
      %dma_wait3A_345 = tpu.memref_slice %arg3[%dma_wait3A_344] : memref<327680xi32, #tpu.memory_space<hbm>> -> memref<128xi32, #tpu.memory_space<hbm>>
      tpu.wait_dma2 semaphore(%arg14 : memref<!tpu.dma_semaphore, #tpu.memory_space<semaphore_mem>>) src(%dma_wait3A_345 : memref<128xi32, #tpu.memory_space<hbm>>) dst(%dma_wait3A_343 : memref<128xi32, #tpu.memory_space<vmem>>)
      %dma_wait3A_346 = arith.constant 0 : i32
      %dma_wait3A_347 = arith.constant 0 : i32
      %dma_wait3A_348 = tpu.memref_slice %arg9[%dma_wait3A_346, %dma_wait3A_347] : memref<1x128xi32, #tpu.memory_space<vmem>> -> memref<1x128xi32, #tpu.memory_space<vmem>>
      %dma_wait3A_349 = tpu.memref_squeeze %dma_wait3A_348 : memref<1x128xi32, #tpu.memory_space<vmem>> -> memref<128xi32, #tpu.memory_space<vmem>>
      %dma_wait3A_350 = arith.constant 0 : i32
      %dma_wait3A_351 = tpu.memref_slice %arg3[%dma_wait3A_350] : memref<327680xi32, #tpu.memory_space<hbm>> -> memref<128xi32, #tpu.memory_space<hbm>>
      %dma_wait3A_352 = arith.constant 0 : i32
      %dma_wait3A_353 = tpu.memref_slice %arg9[%dma_wait3A_346, %dma_wait3A_352] : memref<1x128xi32, #tpu.memory_space<vmem>> -> memref<1x128xi32, #tpu.memory_space<vmem>>
      %dma_wait3A_354 = tpu.memref_squeeze %dma_wait3A_353 : memref<1x128xi32, #tpu.memory_space<vmem>> -> memref<128xi32, #tpu.memory_space<vmem>>
      %dma_wait3A_355 = arith.constant 0 : i32
      %dma_wait3A_356 = tpu.memref_slice %arg3[%dma_wait3A_355] : memref<327680xi32, #tpu.memory_space<hbm>> -> memref<128xi32, #tpu.memory_space<hbm>>
      tpu.wait_dma2 semaphore(%arg14 : memref<!tpu.dma_semaphore, #tpu.memory_space<semaphore_mem>>) src(%dma_wait3A_356 : memref<128xi32, #tpu.memory_space<hbm>>) dst(%dma_wait3A_354 : memref<128xi32, #tpu.memory_space<vmem>>)
      %dma_start3A_357 = arith.constant 0 : i32
      %dma_start3A_358 = arith.constant 0 : i32
      %dma_start3A_359 = tpu.memref_slice %arg7[%dma_start3A_357, %dma_start3A_358] : memref<1x128xi32, #tpu.memory_space<vmem>> -> memref<1x128xi32, #tpu.memory_space<vmem>>
      %dma_start3A_360 = tpu.memref_squeeze %dma_start3A_359 : memref<1x128xi32, #tpu.memory_space<vmem>> -> memref<128xi32, #tpu.memory_space<vmem>>
      %dma_start3A_361 = arith.constant 0 : i32
      %dma_start3A_362 = arith.constant 0 : i32
      %dma_start3A_363 = tpu.memref_slice %arg2[%dma_start3A_361, %dma_start3A_362] : memref<10240x128xf32, #tpu.memory_space<hbm>> -> memref<10240x128xf32, #tpu.memory_space<hbm>>
      tpu.enqueue_indirect_dma source(%dma_start3A_363 : memref<10240x128xf32, #tpu.memory_space<hbm>>) target(%arg11 : memref<128x128xf32, #tpu.memory_space<vmem>>) offsets(%dma_start3A_360 : memref<128xi32, #tpu.memory_space<vmem>>) semaphore(%arg16 : memref<!tpu.dma_semaphore, #tpu.memory_space<semaphore_mem>>)
    }
    %while3A_165 = arith.constant 1 : i32
    scf.for %while3A_211 = %while3A_163 to %while3A_159 step %while3A_165  : i32 {
      %mul3A_212 = arith.constant 2 : i32
      %mul3A_213 = arith.muli %mul3A_212, %while3A_211 : i32
      %dma_wait3A_214 = arith.constant 0 : i32
      %dma_wait3A_215 = arith.constant 0 : i32
      %dma_wait3A_216 = tpu.memref_slice %arg6[%dma_wait3A_214, %dma_wait3A_215] : memref<1x128xi32, #tpu.memory_space<vmem>> -> memref<1x128xi32, #tpu.memory_space<vmem>>
      %dma_wait3A_217 = tpu.memref_squeeze %dma_wait3A_216 : memref<1x128xi32, #tpu.memory_space<vmem>> -> memref<128xi32, #tpu.memory_space<vmem>>
      %dma_wait3A_218 = arith.constant 0 : i32
      %dma_wait3A_219 = arith.constant 0 : i32
      %dma_wait3A_220 = tpu.memref_slice %arg2[%dma_wait3A_218, %dma_wait3A_219] : memref<10240x128xf32, #tpu.memory_space<hbm>> -> memref<10240x128xf32, #tpu.memory_space<hbm>>
      tpu.wait_indirect_dma semaphore(%arg15 : memref<!tpu.dma_semaphore, #tpu.memory_space<semaphore_mem>>) src(%dma_wait3A_220 : memref<10240x128xf32, #tpu.memory_space<hbm>>) dst(%arg10 : memref<128x128xf32, #tpu.memory_space<vmem>>)
      %dma_start3A_221 = arith.constant 0 : i32
      %dma_start3A_222 = arith.constant 0 : i32
      %dma_start3A_223 = tpu.memref_slice %arg8[%dma_start3A_221, %dma_start3A_222] : memref<1x128xi32, #tpu.memory_space<vmem>> -> memref<1x128xi32, #tpu.memory_space<vmem>>
      %dma_start3A_224 = tpu.memref_squeeze %dma_start3A_223 : memref<1x128xi32, #tpu.memory_space<vmem>> -> memref<128xi32, #tpu.memory_space<vmem>>
      %dma_start3A_225 = arith.constant 0 : i32
      %dma_start3A_226 = arith.constant 0 : i32
      %dma_start3A_227 = tpu.memref_slice %arg12[%dma_start3A_225, %dma_start3A_226] : memref<10240x128xf32, #tpu.memory_space<vmem_shared>> -> memref<10240x128xf32, #tpu.memory_space<vmem_shared>>
      tpu.enqueue_indirect_dma source(%arg10 : memref<128x128xf32, #tpu.memory_space<vmem>>) target(%dma_start3A_227 : memref<10240x128xf32, #tpu.memory_space<vmem_shared>>) offsets(%dma_start3A_224 : memref<128xi32, #tpu.memory_space<vmem>>) semaphore(%arg17 : memref<!tpu.dma_semaphore, #tpu.memory_space<semaphore_mem>>) {add = true}
      %dma_wait3A_228 = arith.constant 0 : i32
      %dma_wait3A_229 = arith.constant 0 : i32
      %dma_wait3A_230 = tpu.memref_slice %arg7[%dma_wait3A_228, %dma_wait3A_229] : memref<1x128xi32, #tpu.memory_space<vmem>> -> memref<1x128xi32, #tpu.memory_space<vmem>>
      %dma_wait3A_231 = tpu.memref_squeeze %dma_wait3A_230 : memref<1x128xi32, #tpu.memory_space<vmem>> -> memref<128xi32, #tpu.memory_space<vmem>>
      %dma_wait3A_232 = arith.constant 0 : i32
      %dma_wait3A_233 = arith.constant 0 : i32
      %dma_wait3A_234 = tpu.memref_slice %arg2[%dma_wait3A_232, %dma_wait3A_233] : memref<10240x128xf32, #tpu.memory_space<hbm>> -> memref<10240x128xf32, #tpu.memory_space<hbm>>
      tpu.wait_indirect_dma semaphore(%arg16 : memref<!tpu.dma_semaphore, #tpu.memory_space<semaphore_mem>>) src(%dma_wait3A_234 : memref<10240x128xf32, #tpu.memory_space<hbm>>) dst(%arg11 : memref<128x128xf32, #tpu.memory_space<vmem>>)
      %dma_start3A_235 = arith.constant 0 : i32
      %dma_start3A_236 = arith.constant 0 : i32
      %dma_start3A_237 = tpu.memref_slice %arg9[%dma_start3A_235, %dma_start3A_236] : memref<1x128xi32, #tpu.memory_space<vmem>> -> memref<1x128xi32, #tpu.memory_space<vmem>>
      %dma_start3A_238 = tpu.memref_squeeze %dma_start3A_237 : memref<1x128xi32, #tpu.memory_space<vmem>> -> memref<128xi32, #tpu.memory_space<vmem>>
      %dma_start3A_239 = arith.constant 0 : i32
      %dma_start3A_240 = arith.constant 0 : i32
      %dma_start3A_241 = tpu.memref_slice %arg12[%dma_start3A_239, %dma_start3A_240] : memref<10240x128xf32, #tpu.memory_space<vmem_shared>> -> memref<10240x128xf32, #tpu.memory_space<vmem_shared>>
      tpu.enqueue_indirect_dma source(%arg11 : memref<128x128xf32, #tpu.memory_space<vmem>>) target(%dma_start3A_241 : memref<10240x128xf32, #tpu.memory_space<vmem_shared>>) offsets(%dma_start3A_238 : memref<128xi32, #tpu.memory_space<vmem>>) semaphore(%arg18 : memref<!tpu.dma_semaphore, #tpu.memory_space<semaphore_mem>>) {add = true}
      %dma_wait3A_242 = arith.constant 0 : i32
      %dma_wait3A_243 = arith.constant 0 : i32
      %dma_wait3A_244 = tpu.memref_slice %arg12[%dma_wait3A_242, %dma_wait3A_243] : memref<10240x128xf32, #tpu.memory_space<vmem_shared>> -> memref<128x128xf32, #tpu.memory_space<vmem_shared>>
      %dma_wait3A_245 = arith.constant 0 : i32
      %dma_wait3A_246 = arith.constant 0 : i32
      %dma_wait3A_247 = tpu.memref_slice %arg12[%dma_wait3A_245, %dma_wait3A_246] : memref<10240x128xf32, #tpu.memory_space<vmem_shared>> -> memref<128x128xf32, #tpu.memory_space<vmem_shared>>
      tpu.wait_dma2 semaphore(%arg17 : memref<!tpu.dma_semaphore, #tpu.memory_space<semaphore_mem>>) src(%arg10 : memref<128x128xf32, #tpu.memory_space<vmem>>) dst(%dma_wait3A_247 : memref<128x128xf32, #tpu.memory_space<vmem_shared>>)
      %add3A_248 = arith.constant 2 : i32
      %add3A_249 = arith.addi %mul3A_213, %add3A_248 : i32
      %mul3A_250 = arith.constant 128 : i32
      %mul3A_251 = arith.muli %add3A_249, %mul3A_250 : i32
      %add3A_252 = arith.addi %mul3A_10, %mul3A_251 : i32
      %dma_start3A_253 = arith.constant 0 : i32
      %dma_start3A_254 = arith.constant 0 : i32
      %dma_start3A_255 = tpu.memref_slice %arg6[%dma_start3A_253, %dma_start3A_254] : memref<1x128xi32, #tpu.memory_space<vmem>> -> memref<1x128xi32, #tpu.memory_space<vmem>>
      %dma_start3A_256 = tpu.memref_squeeze %dma_start3A_255 : memref<1x128xi32, #tpu.memory_space<vmem>> -> memref<128xi32, #tpu.memory_space<vmem>>
      %dma_start3A_257 = tpu.memref_slice %arg3[%add3A_252] : memref<327680xi32, #tpu.memory_space<hbm>> -> memref<128xi32, #tpu.memory_space<hbm>>
      %dma_start3A_258 = arith.constant 0 : i32
      %dma_start3A_259 = tpu.memref_slice %arg6[%dma_start3A_253, %dma_start3A_258] : memref<1x128xi32, #tpu.memory_space<vmem>> -> memref<1x128xi32, #tpu.memory_space<vmem>>
      %dma_start3A_260 = tpu.memref_squeeze %dma_start3A_259 : memref<1x128xi32, #tpu.memory_space<vmem>> -> memref<128xi32, #tpu.memory_space<vmem>>
      %dma_start3A_261 = tpu.memref_slice %arg3[%add3A_252] : memref<327680xi32, #tpu.memory_space<hbm>> -> memref<128xi32, #tpu.memory_space<hbm>>
      tpu.enqueue_dma source(%dma_start3A_261 : memref<128xi32, #tpu.memory_space<hbm>>) target(%dma_start3A_260 : memref<128xi32, #tpu.memory_space<vmem>>) target_semaphore(%arg13 : memref<!tpu.dma_semaphore, #tpu.memory_space<semaphore_mem>>)
      %mul3A_262 = arith.constant 128 : i32
      %mul3A_263 = arith.muli %add3A_249, %mul3A_262 : i32
      %add3A_264 = arith.addi %mul3A_10, %mul3A_263 : i32
      %dma_start3A_265 = arith.constant 0 : i32
      %dma_start3A_266 = arith.constant 0 : i32
      %dma_start3A_267 = tpu.memref_slice %arg8[%dma_start3A_265, %dma_start3A_266] : memref<1x128xi32, #tpu.memory_space<vmem>> -> memref<1x128xi32, #tpu.memory_space<vmem>>
      %dma_start3A_268 = tpu.memref_squeeze %dma_start3A_267 : memref<1x128xi32, #tpu.memory_space<vmem>> -> memref<128xi32, #tpu.memory_space<vmem>>
      %dma_start3A_269 = tpu.memref_slice %arg4[%add3A_264] : memref<327680xi32, #tpu.memory_space<hbm>> -> memref<128xi32, #tpu.memory_space<hbm>>
      %dma_start3A_270 = arith.constant 0 : i32
      %dma_start3A_271 = tpu.memref_slice %arg8[%dma_start3A_265, %dma_start3A_270] : memref<1x128xi32, #tpu.memory_space<vmem>> -> memref<1x128xi32, #tpu.memory_space<vmem>>
      %dma_start3A_272 = tpu.memref_squeeze %dma_start3A_271 : memref<1x128xi32, #tpu.memory_space<vmem>> -> memref<128xi32, #tpu.memory_space<vmem>>
      %dma_start3A_273 = tpu.memref_slice %arg4[%add3A_264] : memref<327680xi32, #tpu.memory_space<hbm>> -> memref<128xi32, #tpu.memory_space<hbm>>
      tpu.enqueue_dma source(%dma_start3A_273 : memref<128xi32, #tpu.memory_space<hbm>>) target(%dma_start3A_272 : memref<128xi32, #tpu.memory_space<vmem>>) target_semaphore(%arg13 : memref<!tpu.dma_semaphore, #tpu.memory_space<semaphore_mem>>)
      %dma_wait3A_274 = arith.constant 0 : i32
      %dma_wait3A_275 = arith.constant 0 : i32
      %dma_wait3A_276 = tpu.memref_slice %arg12[%dma_wait3A_274, %dma_wait3A_275] : memref<10240x128xf32, #tpu.memory_space<vmem_shared>> -> memref<128x128xf32, #tpu.memory_space<vmem_shared>>
      %dma_wait3A_277 = arith.constant 0 : i32
      %dma_wait3A_278 = arith.constant 0 : i32
      %dma_wait3A_279 = tpu.memref_slice %arg12[%dma_wait3A_277, %dma_wait3A_278] : memref<10240x128xf32, #tpu.memory_space<vmem_shared>> -> memref<128x128xf32, #tpu.memory_space<vmem_shared>>
      tpu.wait_dma2 semaphore(%arg18 : memref<!tpu.dma_semaphore, #tpu.memory_space<semaphore_mem>>) src(%arg11 : memref<128x128xf32, #tpu.memory_space<vmem>>) dst(%dma_wait3A_279 : memref<128x128xf32, #tpu.memory_space<vmem_shared>>)
      %add3A_280 = arith.constant 3 : i32
      %add3A_281 = arith.addi %mul3A_213, %add3A_280 : i32
      %mul3A_282 = arith.constant 128 : i32
      %mul3A_283 = arith.muli %add3A_281, %mul3A_282 : i32
      %add3A_284 = arith.addi %mul3A_10, %mul3A_283 : i32
      %dma_start3A_285 = arith.constant 0 : i32
      %dma_start3A_286 = arith.constant 0 : i32
      %dma_start3A_287 = tpu.memref_slice %arg7[%dma_start3A_285, %dma_start3A_286] : memref<1x128xi32, #tpu.memory_space<vmem>> -> memref<1x128xi32, #tpu.memory_space<vmem>>
      %dma_start3A_288 = tpu.memref_squeeze %dma_start3A_287 : memref<1x128xi32, #tpu.memory_space<vmem>> -> memref<128xi32, #tpu.memory_space<vmem>>
      %dma_start3A_289 = tpu.memref_slice %arg3[%add3A_284] : memref<327680xi32, #tpu.memory_space<hbm>> -> memref<128xi32, #tpu.memory_space<hbm>>
      %dma_start3A_290 = arith.constant 0 : i32
      %dma_start3A_291 = tpu.memref_slice %arg7[%dma_start3A_285, %dma_start3A_290] : memref<1x128xi32, #tpu.memory_space<vmem>> -> memref<1x128xi32, #tpu.memory_space<vmem>>
      %dma_start3A_292 = tpu.memref_squeeze %dma_start3A_291 : memref<1x128xi32, #tpu.memory_space<vmem>> -> memref<128xi32, #tpu.memory_space<vmem>>
      %dma_start3A_293 = tpu.memref_slice %arg3[%add3A_284] : memref<327680xi32, #tpu.memory_space<hbm>> -> memref<128xi32, #tpu.memory_space<hbm>>
      tpu.enqueue_dma source(%dma_start3A_293 : memref<128xi32, #tpu.memory_space<hbm>>) target(%dma_start3A_292 : memref<128xi32, #tpu.memory_space<vmem>>) target_semaphore(%arg14 : memref<!tpu.dma_semaphore, #tpu.memory_space<semaphore_mem>>)
      %mul3A_294 = arith.constant 128 : i32
      %mul3A_295 = arith.muli %add3A_281, %mul3A_294 : i32
      %add3A_296 = arith.addi %mul3A_10, %mul3A_295 : i32
      %dma_start3A_297 = arith.constant 0 : i32
      %dma_start3A_298 = arith.constant 0 : i32
      %dma_start3A_299 = tpu.memref_slice %arg9[%dma_start3A_297, %dma_start3A_298] : memref<1x128xi32, #tpu.memory_space<vmem>> -> memref<1x128xi32, #tpu.memory_space<vmem>>
      %dma_start3A_300 = tpu.memref_squeeze %dma_start3A_299 : memref<1x128xi32, #tpu.memory_space<vmem>> -> memref<128xi32, #tpu.memory_space<vmem>>
      %dma_start3A_301 = tpu.memref_slice %arg4[%add3A_296] : memref<327680xi32, #tpu.memory_space<hbm>> -> memref<128xi32, #tpu.memory_space<hbm>>
      %dma_start3A_302 = arith.constant 0 : i32
      %dma_start3A_303 = tpu.memref_slice %arg9[%dma_start3A_297, %dma_start3A_302] : memref<1x128xi32, #tpu.memory_space<vmem>> -> memref<1x128xi32, #tpu.memory_space<vmem>>
      %dma_start3A_304 = tpu.memref_squeeze %dma_start3A_303 : memref<1x128xi32, #tpu.memory_space<vmem>> -> memref<128xi32, #tpu.memory_space<vmem>>
      %dma_start3A_305 = tpu.memref_slice %arg4[%add3A_296] : memref<327680xi32, #tpu.memory_space<hbm>> -> memref<128xi32, #tpu.memory_space<hbm>>
      tpu.enqueue_dma source(%dma_start3A_305 : memref<128xi32, #tpu.memory_space<hbm>>) target(%dma_start3A_304 : memref<128xi32, #tpu.memory_space<vmem>>) target_semaphore(%arg14 : memref<!tpu.dma_semaphore, #tpu.memory_space<semaphore_mem>>)
      %dma_wait3A_306 = arith.constant 0 : i32
      %dma_wait3A_307 = arith.constant 0 : i32
      %dma_wait3A_308 = tpu.memref_slice %arg6[%dma_wait3A_306, %dma_wait3A_307] : memref<1x128xi32, #tpu.memory_space<vmem>> -> memref<1x128xi32, #tpu.memory_space<vmem>>
      %dma_wait3A_309 = tpu.memref_squeeze %dma_wait3A_308 : memref<1x128xi32, #tpu.memory_space<vmem>> -> memref<128xi32, #tpu.memory_space<vmem>>
      %dma_wait3A_310 = arith.constant 0 : i32
      %dma_wait3A_311 = tpu.memref_slice %arg3[%dma_wait3A_310] : memref<327680xi32, #tpu.memory_space<hbm>> -> memref<128xi32, #tpu.memory_space<hbm>>
      %dma_wait3A_312 = arith.constant 0 : i32
      %dma_wait3A_313 = tpu.memref_slice %arg6[%dma_wait3A_306, %dma_wait3A_312] : memref<1x128xi32, #tpu.memory_space<vmem>> -> memref<1x128xi32, #tpu.memory_space<vmem>>
      %dma_wait3A_314 = tpu.memref_squeeze %dma_wait3A_313 : memref<1x128xi32, #tpu.memory_space<vmem>> -> memref<128xi32, #tpu.memory_space<vmem>>
      %dma_wait3A_315 = arith.constant 0 : i32
      %dma_wait3A_316 = tpu.memref_slice %arg3[%dma_wait3A_315] : memref<327680xi32, #tpu.memory_space<hbm>> -> memref<128xi32, #tpu.memory_space<hbm>>
      tpu.wait_dma2 semaphore(%arg13 : memref<!tpu.dma_semaphore, #tpu.memory_space<semaphore_mem>>) src(%dma_wait3A_316 : memref<128xi32, #tpu.memory_space<hbm>>) dst(%dma_wait3A_314 : memref<128xi32, #tpu.memory_space<vmem>>)
      %dma_wait3A_317 = arith.constant 0 : i32
      %dma_wait3A_318 = arith.constant 0 : i32
      %dma_wait3A_319 = tpu.memref_slice %arg8[%dma_wait3A_317, %dma_wait3A_318] : memref<1x128xi32, #tpu.memory_space<vmem>> -> memref<1x128xi32, #tpu.memory_space<vmem>>
      %dma_wait3A_320 = tpu.memref_squeeze %dma_wait3A_319 : memref<1x128xi32, #tpu.memory_space<vmem>> -> memref<128xi32, #tpu.memory_space<vmem>>
      %dma_wait3A_321 = arith.constant 0 : i32
      %dma_wait3A_322 = tpu.memref_slice %arg3[%dma_wait3A_321] : memref<327680xi32, #tpu.memory_space<hbm>> -> memref<128xi32, #tpu.memory_space<hbm>>
      %dma_wait3A_323 = arith.constant 0 : i32
      %dma_wait3A_324 = tpu.memref_slice %arg8[%dma_wait3A_317, %dma_wait3A_323] : memref<1x128xi32, #tpu.memory_space<vmem>> -> memref<1x128xi32, #tpu.memory_space<vmem>>
      %dma_wait3A_325 = tpu.memref_squeeze %dma_wait3A_324 : memref<1x128xi32, #tpu.memory_space<vmem>> -> memref<128xi32, #tpu.memory_space<vmem>>
      %dma_wait3A_326 = arith.constant 0 : i32
      %dma_wait3A_327 = tpu.memref_slice %arg3[%dma_wait3A_326] : memref<327680xi32, #tpu.memory_space<hbm>> -> memref<128xi32, #tpu.memory_space<hbm>>
      tpu.wait_dma2 semaphore(%arg13 : memref<!tpu.dma_semaphore, #tpu.memory_space<semaphore_mem>>) src(%dma_wait3A_327 : memref<128xi32, #tpu.memory_space<hbm>>) dst(%dma_wait3A_325 : memref<128xi32, #tpu.memory_space<vmem>>)
      %dma_start3A_328 = arith.constant 0 : i32
      %dma_start3A_329 = arith.constant 0 : i32
      %dma_start3A_330 = tpu.memref_slice %arg6[%dma_start3A_328, %dma_start3A_329] : memref<1x128xi32, #tpu.memory_space<vmem>> -> memref<1x128xi32, #tpu.memory_space<vmem>>
      %dma_start3A_331 = tpu.memref_squeeze %dma_start3A_330 : memref<1x128xi32, #tpu.memory_space<vmem>> -> memref<128xi32, #tpu.memory_space<vmem>>
      %dma_start3A_332 = arith.constant 0 : i32
      %dma_start3A_333 = arith.constant 0 : i32
      %dma_start3A_334 = tpu.memref_slice %arg2[%dma_start3A_332, %dma_start3A_333] : memref<10240x128xf32, #tpu.memory_space<hbm>> -> memref<10240x128xf32, #tpu.memory_space<hbm>>
      tpu.enqueue_indirect_dma source(%dma_start3A_334 : memref<10240x128xf32, #tpu.memory_space<hbm>>) target(%arg10 : memref<128x128xf32, #tpu.memory_space<vmem>>) offsets(%dma_start3A_331 : memref<128xi32, #tpu.memory_space<vmem>>) semaphore(%arg15 : memref<!tpu.dma_semaphore, #tpu.memory_space<semaphore_mem>>)
      %dma_wait3A_335 = arith.constant 0 : i32
      %dma_wait3A_336 = arith.constant 0 : i32
      %dma_wait3A_337 = tpu.memref_slice %arg7[%dma_wait3A_335, %dma_wait3A_336] : memref<1x128xi32, #tpu.memory_space<vmem>> -> memref<1x128xi32, #tpu.memory_space<vmem>>
      %dma_wait3A_338 = tpu.memref_squeeze %dma_wait3A_337 : memref<1x128xi32, #tpu.memory_space<vmem>> -> memref<128xi32, #tpu.memory_space<vmem>>
      %dma_wait3A_339 = arith.constant 0 : i32
      %dma_wait3A_340 = tpu.memref_slice %arg3[%dma_wait3A_339] : memref<327680xi32, #tpu.memory_space<hbm>> -> memref<128xi32, #tpu.memory_space<hbm>>
      %dma_wait3A_341 = arith.constant 0 : i32
      %dma_wait3A_342 = tpu.memref_slice %arg7[%dma_wait3A_335, %dma_wait3A_341] : memref<1x128xi32, #tpu.memory_space<vmem>> -> memref<1x128xi32, #tpu.memory_space<vmem>>
      %dma_wait3A_343 = tpu.memref_squeeze %dma_wait3A_342 : memref<1x128xi32, #tpu.memory_space<vmem>> -> memref<128xi32, #tpu.memory_space<vmem>>
      %dma_wait3A_344 = arith.constant 0 : i32
      %dma_wait3A_345 = tpu.memref_slice %arg3[%dma_wait3A_344] : memref<327680xi32, #tpu.memory_space<hbm>> -> memref<128xi32, #tpu.memory_space<hbm>>
      tpu.wait_dma2 semaphore(%arg14 : memref<!tpu.dma_semaphore, #tpu.memory_space<semaphore_mem>>) src(%dma_wait3A_345 : memref<128xi32, #tpu.memory_space<hbm>>) dst(%dma_wait3A_343 : memref<128xi32, #tpu.memory_space<vmem>>)
      %dma_wait3A_346 = arith.constant 0 : i32
      %dma_wait3A_347 = arith.constant 0 : i32
      %dma_wait3A_348 = tpu.memref_slice %arg9[%dma_wait3A_346, %dma_wait3A_347] : memref<1x128xi32, #tpu.memory_space<vmem>> -> memref<1x128xi32, #tpu.memory_space<vmem>>
      %dma_wait3A_349 = tpu.memref_squeeze %dma_wait3A_348 : memref<1x128xi32, #tpu.memory_space<vmem>> -> memref<128xi32, #tpu.memory_space<vmem>>
      %dma_wait3A_350 = arith.constant 0 : i32
      %dma_wait3A_351 = tpu.memref_slice %arg3[%dma_wait3A_350] : memref<327680xi32, #tpu.memory_space<hbm>> -> memref<128xi32, #tpu.memory_space<hbm>>
      %dma_wait3A_352 = arith.constant 0 : i32
      %dma_wait3A_353 = tpu.memref_slice %arg9[%dma_wait3A_346, %dma_wait3A_352] : memref<1x128xi32, #tpu.memory_space<vmem>> -> memref<1x128xi32, #tpu.memory_space<vmem>>
      %dma_wait3A_354 = tpu.memref_squeeze %dma_wait3A_353 : memref<1x128xi32, #tpu.memory_space<vmem>> -> memref<128xi32, #tpu.memory_space<vmem>>
      %dma_wait3A_355 = arith.constant 0 : i32
      %dma_wait3A_356 = tpu.memref_slice %arg3[%dma_wait3A_355] : memref<327680xi32, #tpu.memory_space<hbm>> -> memref<128xi32, #tpu.memory_space<hbm>>
      tpu.wait_dma2 semaphore(%arg14 : memref<!tpu.dma_semaphore, #tpu.memory_space<semaphore_mem>>) src(%dma_wait3A_356 : memref<128xi32, #tpu.memory_space<hbm>>) dst(%dma_wait3A_354 : memref<128xi32, #tpu.memory_space<vmem>>)
      %dma_start3A_357 = arith.constant 0 : i32
      %dma_start3A_358 = arith.constant 0 : i32
      %dma_start3A_359 = tpu.memref_slice %arg7[%dma_start3A_357, %dma_start3A_358] : memref<1x128xi32, #tpu.memory_space<vmem>> -> memref<1x128xi32, #tpu.memory_space<vmem>>
      %dma_start3A_360 = tpu.memref_squeeze %dma_start3A_359 : memref<1x128xi32, #tpu.memory_space<vmem>> -> memref<128xi32, #tpu.memory_space<vmem>>
      %dma_start3A_361 = arith.constant 0 : i32
      %dma_start3A_362 = arith.constant 0 : i32
      %dma_start3A_363 = tpu.memref_slice %arg2[%dma_start3A_361, %dma_start3A_362] : memref<10240x128xf32, #tpu.memory_space<hbm>> -> memref<10240x128xf32, #tpu.memory_space<hbm>>
      tpu.enqueue_indirect_dma source(%dma_start3A_363 : memref<10240x128xf32, #tpu.memory_space<hbm>>) target(%arg11 : memref<128x128xf32, #tpu.memory_space<vmem>>) offsets(%dma_start3A_360 : memref<128xi32, #tpu.memory_space<vmem>>) semaphore(%arg16 : memref<!tpu.dma_semaphore, #tpu.memory_space<semaphore_mem>>)
    }
    %dma_wait3A_166 = arith.constant 0 : i32
    %dma_wait3A_167 = arith.constant 0 : i32
    %dma_wait3A_168 = tpu.memref_slice %arg6[%dma_wait3A_166, %dma_wait3A_167] : memref<1x128xi32, #tpu.memory_space<vmem>> -> memref<1x128xi32, #tpu.memory_space<vmem>>
    %dma_wait3A_169 = tpu.memref_squeeze %dma_wait3A_168 : memref<1x128xi32, #tpu.memory_space<vmem>> -> memref<128xi32, #tpu.memory_space<vmem>>
    %dma_wait3A_170 = arith.constant 0 : i32
    %dma_wait3A_171 = arith.constant 0 : i32
    %dma_wait3A_172 = tpu.memref_slice %arg2[%dma_wait3A_170, %dma_wait3A_171] : memref<10240x128xf32, #tpu.memory_space<hbm>> -> memref<10240x128xf32, #tpu.memory_space<hbm>>
    tpu.wait_indirect_dma semaphore(%arg15 : memref<!tpu.dma_semaphore, #tpu.memory_space<semaphore_mem>>) src(%dma_wait3A_172 : memref<10240x128xf32, #tpu.memory_space<hbm>>) dst(%arg10 : memref<128x128xf32, #tpu.memory_space<vmem>>)
    %dma_start3A_173 = arith.constant 0 : i32
    %dma_start3A_174 = arith.constant 0 : i32
    %dma_start3A_175 = tpu.memref_slice %arg8[%dma_start3A_173, %dma_start3A_174] : memref<1x128xi32, #tpu.memory_space<vmem>> -> memref<1x128xi32, #tpu.memory_space<vmem>>
    %dma_start3A_176 = tpu.memref_squeeze %dma_start3A_175 : memref<1x128xi32, #tpu.memory_space<vmem>> -> memref<128xi32, #tpu.memory_space<vmem>>
    %dma_start3A_177 = arith.constant 0 : i32
    %dma_start3A_178 = arith.constant 0 : i32
    %dma_start3A_179 = tpu.memref_slice %arg12[%dma_start3A_177, %dma_start3A_178] : memref<10240x128xf32, #tpu.memory_space<vmem_shared>> -> memref<10240x128xf32, #tpu.memory_space<vmem_shared>>
    tpu.enqueue_indirect_dma source(%arg10 : memref<128x128xf32, #tpu.memory_space<vmem>>) target(%dma_start3A_179 : memref<10240x128xf32, #tpu.memory_space<vmem_shared>>) offsets(%dma_start3A_176 : memref<128xi32, #tpu.memory_space<vmem>>) semaphore(%arg17 : memref<!tpu.dma_semaphore, #tpu.memory_space<semaphore_mem>>) {add = true}
    %dma_wait3A_180 = arith.constant 0 : i32
    %dma_wait3A_181 = arith.constant 0 : i32
    %dma_wait3A_182 = tpu.memref_slice %arg7[%dma_wait3A_180, %dma_wait3A_181] : memref<1x128xi32, #tpu.memory_space<vmem>> -> memref<1x128xi32, #tpu.memory_space<vmem>>
    %dma_wait3A_183 = tpu.memref_squeeze %dma_wait3A_182 : memref<1x128xi32, #tpu.memory_space<vmem>> -> memref<128xi32, #tpu.memory_space<vmem>>
    %dma_wait3A_184 = arith.constant 0 : i32
    %dma_wait3A_185 = arith.constant 0 : i32
    %dma_wait3A_186 = tpu.memref_slice %arg2[%dma_wait3A_184, %dma_wait3A_185] : memref<10240x128xf32, #tpu.memory_space<hbm>> -> memref<10240x128xf32, #tpu.memory_space<hbm>>
    tpu.wait_indirect_dma semaphore(%arg16 : memref<!tpu.dma_semaphore, #tpu.memory_space<semaphore_mem>>) src(%dma_wait3A_186 : memref<10240x128xf32, #tpu.memory_space<hbm>>) dst(%arg11 : memref<128x128xf32, #tpu.memory_space<vmem>>)
    %dma_start3A_187 = arith.constant 0 : i32
    %dma_start3A_188 = arith.constant 0 : i32
    %dma_start3A_189 = tpu.memref_slice %arg9[%dma_start3A_187, %dma_start3A_188] : memref<1x128xi32, #tpu.memory_space<vmem>> -> memref<1x128xi32, #tpu.memory_space<vmem>>
    %dma_start3A_190 = tpu.memref_squeeze %dma_start3A_189 : memref<1x128xi32, #tpu.memory_space<vmem>> -> memref<128xi32, #tpu.memory_space<vmem>>
    %dma_start3A_191 = arith.constant 0 : i32
    %dma_start3A_192 = arith.constant 0 : i32
    %dma_start3A_193 = tpu.memref_slice %arg12[%dma_start3A_191, %dma_start3A_192] : memref<10240x128xf32, #tpu.memory_space<vmem_shared>> -> memref<10240x128xf32, #tpu.memory_space<vmem_shared>>
    tpu.enqueue_indirect_dma source(%arg11 : memref<128x128xf32, #tpu.memory_space<vmem>>) target(%dma_start3A_193 : memref<10240x128xf32, #tpu.memory_space<vmem_shared>>) offsets(%dma_start3A_190 : memref<128xi32, #tpu.memory_space<vmem>>) semaphore(%arg18 : memref<!tpu.dma_semaphore, #tpu.memory_space<semaphore_mem>>) {add = true}
    %dma_wait3A_194 = arith.constant 0 : i32
    %dma_wait3A_195 = arith.constant 0 : i32
    %dma_wait3A_196 = tpu.memref_slice %arg12[%dma_wait3A_194, %dma_wait3A_195] : memref<10240x128xf32, #tpu.memory_space<vmem_shared>> -> memref<128x128xf32, #tpu.memory_space<vmem_shared>>
    %dma_wait3A_197 = arith.constant 0 : i32
    %dma_wait3A_198 = arith.constant 0 : i32
    %dma_wait3A_199 = tpu.memref_slice %arg12[%dma_wait3A_197, %dma_wait3A_198] : memref<10240x128xf32, #tpu.memory_space<vmem_shared>> -> memref<128x128xf32, #tpu.memory_space<vmem_shared>>
    tpu.wait_dma2 semaphore(%arg17 : memref<!tpu.dma_semaphore, #tpu.memory_space<semaphore_mem>>) src(%arg10 : memref<128x128xf32, #tpu.memory_space<vmem>>) dst(%dma_wait3A_199 : memref<128x128xf32, #tpu.memory_space<vmem_shared>>)
    %dma_wait3A_200 = arith.constant 0 : i32
    %dma_wait3A_201 = arith.constant 0 : i32
    %dma_wait3A_202 = tpu.memref_slice %arg12[%dma_wait3A_200, %dma_wait3A_201] : memref<10240x128xf32, #tpu.memory_space<vmem_shared>> -> memref<128x128xf32, #tpu.memory_space<vmem_shared>>
    %dma_wait3A_203 = arith.constant 0 : i32
    %dma_wait3A_204 = arith.constant 0 : i32
    %dma_wait3A_205 = tpu.memref_slice %arg12[%dma_wait3A_203, %dma_wait3A_204] : memref<10240x128xf32, #tpu.memory_space<vmem_shared>> -> memref<128x128xf32, #tpu.memory_space<vmem_shared>>
    tpu.wait_dma2 semaphore(%arg18 : memref<!tpu.dma_semaphore, #tpu.memory_space<semaphore_mem>>) src(%arg11 : memref<128x128xf32, #tpu.memory_space<vmem>>) dst(%dma_wait3A_205 : memref<128x128xf32, #tpu.memory_space<vmem_shared>>)
    %barrier3A_206 = arith.constant 0 : index
    tpu.barrier barrier_id(%barrier3A_206)
    %mul3A_207 = arith.constant 640 : i32
    %mul3A_208 = arith.muli %arg1, %mul3A_207 : i32
    %mul3A_209 = arith.constant 640 : i32
    %mul3A_210 = arith.muli %arg1, %mul3A_209 : i32
    "tpu.region"() ({
      %run_scoped3A = tpu.sem_alloc : memref<!tpu.dma_semaphore, #tpu.memory_space<semaphore_mem>>
      %dma_start3A_211 = arith.constant 0 : i32
      %dma_start3A_212 = tpu.memref_slice %arg5[%arg0, %mul3A_210, %dma_start3A_211] : memref<2x10240x128xf32, #tpu.memory_space<hbm>> -> memref<1x640x128xf32, #tpu.memory_space<hbm>>
      %dma_start3A_213 = tpu.memref_squeeze %dma_start3A_212 : memref<1x640x128xf32, #tpu.memory_space<hbm>> -> memref<640x128xf32, #tpu.memory_space<hbm>>
      %dma_start3A_214 = arith.constant 0 : i32
      %dma_start3A_215 = tpu.memref_slice %arg12[%mul3A_208, %dma_start3A_214] : memref<10240x128xf32, #tpu.memory_space<vmem_shared>> -> memref<640x128xf32, #tpu.memory_space<vmem_shared>>
      tpu.enqueue_dma source(%dma_start3A_215 : memref<640x128xf32, #tpu.memory_space<vmem_shared>>) target(%dma_start3A_213 : memref<640x128xf32, #tpu.memory_space<hbm>>) target_semaphore(%run_scoped3A : memref<!tpu.dma_semaphore, #tpu.memory_space<semaphore_mem>>)
      %dma_wait3A_216 = arith.constant 0 : i32
      %dma_wait3A_217 = tpu.memref_slice %arg5[%arg0, %mul3A_210, %dma_wait3A_216] : memref<2x10240x128xf32, #tpu.memory_space<hbm>> -> memref<1x640x128xf32, #tpu.memory_space<hbm>>
      %dma_wait3A_218 = tpu.memref_squeeze %dma_wait3A_217 : memref<1x640x128xf32, #tpu.memory_space<hbm>> -> memref<640x128xf32, #tpu.memory_space<hbm>>
      %dma_wait3A_219 = arith.constant 0 : i32
      %dma_wait3A_220 = tpu.memref_slice %arg12[%mul3A_208, %dma_wait3A_219] : memref<10240x128xf32, #tpu.memory_space<vmem_shared>> -> memref<640x128xf32, #tpu.memory_space<vmem_shared>>
      tpu.wait_dma2 semaphore(%run_scoped3A : memref<!tpu.dma_semaphore, #tpu.memory_space<semaphore_mem>>) src(%dma_wait3A_220 : memref<640x128xf32, #tpu.memory_space<vmem_shared>>) dst(%dma_wait3A_218 : memref<640x128xf32, #tpu.memory_space<hbm>>)
      tpu.yield
    }) : () -> ()
    return
  }
}

#map = affine_map<(d0, d1) -> (0, 0)>
#map1 = affine_map<(d0, d1) -> (0)>
#map2 = affine_map<(d0, d1) -> (0, 0, 0)>
module attributes {stable_mosaic.version = 14 : i64} {
  func.func @scat_kernel(%arg0: i32, %arg1: i32, %arg2: memref<10240x128xf32, #tpu.memory_space<hbm>>, %arg3: memref<327680xi32, #tpu.memory_space<hbm>>, %arg4: memref<327680xi32, #tpu.memory_space<hbm>>, %arg5: memref<2x10240x128xf32, #tpu.memory_space<hbm>>, %arg6: memref<1x128xi32, #tpu.memory_space<vmem>>, %arg7: memref<1x128xi32, #tpu.memory_space<vmem>>, %arg8: memref<1x128xi32, #tpu.memory_space<vmem>>, %arg9: memref<1x128xi32, #tpu.memory_space<vmem>>, %arg10: memref<128x128xf32, #tpu.memory_space<vmem>>, %arg11: memref<128x128xf32, #tpu.memory_space<vmem>>, %arg12: memref<10240x128xf32, #tpu.memory_space<vmem_shared>>, %arg13: memref<!tpu.dma_semaphore, #tpu.memory_space<semaphore_mem>>, %arg14: memref<!tpu.dma_semaphore, #tpu.memory_space<semaphore_mem>>, %arg15: memref<!tpu.dma_semaphore, #tpu.memory_space<semaphore_mem>>, %arg16: memref<!tpu.dma_semaphore, #tpu.memory_space<semaphore_mem>>, %arg17: memref<!tpu.dma_semaphore, #tpu.memory_space<semaphore_mem>>, %arg18: memref<!tpu.dma_semaphore, #tpu.memory_space<semaphore_mem>>) attributes {dimension_semantics = [#tpu.dimension_semantics<core_parallel>, #tpu.dimension_semantics<subcore_parallel>], iteration_bounds = array<i64: 2, 16>, scalar_prefetch = 0 : i64, scratch_operands = 13 : i64, tpu.core_type = #tpu.core_type<sc_vector_subcore>, window_params = [{transform_indices = #map}, {transform_indices = #map1}, {transform_indices = #map1}, {transform_indices = #map2}]} {
    %eq3A = arith.constant 0 : i32
    %eq3A_0 = arith.cmpi eq, %arg0, %eq3A : i32
    %jit3A = arith.constant 148 : i32
    %jit3A_1 = arith.constant 12 : i32
    %select_n3A = arith.select %eq3A_0, %jit3A, %jit3A_1 : i32
    %eq3A_2 = arith.constant 0 : i32
    %eq3A_3 = arith.cmpi eq, %arg0, %eq3A_2 : i32
    %mul3A = arith.constant 148 : i32
    %mul3A_4 = arith.muli %arg1, %mul3A : i32
    %mul3A_5 = arith.constant 12 : i32
    %mul3A_6 = arith.muli %arg1, %mul3A_5 : i32
    %add3A = arith.constant 2368 : i32
    %add3A_7 = arith.addi %add3A, %mul3A_6 : i32
    %select_n3A_8 = arith.select %eq3A_3, %mul3A_4, %add3A_7 : i32
    %mul3A_9 = arith.constant 128 : i32
    %mul3A_10 = arith.muli %select_n3A_8, %mul3A_9 : i32
    %broadcast_in_dim3A = arith.constant 0.000000e+00 : f32
    %broadcast_in_dim3A_11 = vector.broadcast %broadcast_in_dim3A : f32 to vector<16xf32>
    %scan3A = arith.constant 0 : i32
    %scan3A_12 = arith.constant 0 : i32
    %scan3A_13 = arith.constant 128 : i32
    %scan3A_14 = arith.addi %scan3A_12, %scan3A_13 : i32
    %scan3A_15 = arith.constant 1 : i32
    scf.for %scan3A_211 = %scan3A_12 to %scan3A_14 step %scan3A_15  : i32 {
      %swap3A = arith.index_cast %scan3A_211 : i32 to index
      %swap3A_212 = arith.constant 0 : index
      %swap3A_213 = tpu.vector_load %arg10[%swap3A, %swap3A_212] {strides = array<i32>} : memref<128x128xf32, #tpu.memory_space<vmem>>, vector<1x16xf32>,
      %swap3A_214 = vector.shape_cast %swap3A_213 : vector<1x16xf32> to vector<16xf32>
      %swap3A_215 = vector.shape_cast %broadcast_in_dim3A_11 : vector<16xf32> to vector<1x16xf32>
      tpu.vector_store %arg10[%swap3A, %swap3A_212], %swap3A_215 {strides = array<i32>} : memref<128x128xf32, #tpu.memory_space<vmem>>, vector<1x16xf32>,
      %swap3A_216 = arith.index_cast %scan3A_211 : i32 to index
      %swap3A_217 = arith.constant 16 : index
      %swap3A_218 = tpu.vector_load %arg10[%swap3A_216, %swap3A_217] {strides = array<i32>} : memref<128x128xf32, #tpu.memory_space<vmem>>, vector<1x16xf32>,
      %swap3A_219 = vector.shape_cast %swap3A_218 : vector<1x16xf32> to vector<16xf32>
      %swap3A_220 = vector.shape_cast %broadcast_in_dim3A_11 : vector<16xf32> to vector<1x16xf32>
      tpu.vector_store %arg10[%swap3A_216, %swap3A_217], %swap3A_220 {strides = array<i32>} : memref<128x128xf32, #tpu.memory_space<vmem>>, vector<1x16xf32>,
      %swap3A_221 = arith.index_cast %scan3A_211 : i32 to index
      %swap3A_222 = arith.constant 32 : index
      %swap3A_223 = tpu.vector_load %arg10[%swap3A_221, %swap3A_222] {strides = array<i32>} : memref<128x128xf32, #tpu.memory_space<vmem>>, vector<1x16xf32>,
      %swap3A_224 = vector.shape_cast %swap3A_223 : vector<1x16xf32> to vector<16xf32>
      %swap3A_225 = vector.shape_cast %broadcast_in_dim3A_11 : vector<16xf32> to vector<1x16xf32>
      tpu.vector_store %arg10[%swap3A_221, %swap3A_222], %swap3A_225 {strides = array<i32>} : memref<128x128xf32, #tpu.memory_space<vmem>>, vector<1x16xf32>,
      %swap3A_226 = arith.index_cast %scan3A_211 : i32 to index
      %swap3A_227 = arith.constant 48 : index
      %swap3A_228 = tpu.vector_load %arg10[%swap3A_226, %swap3A_227] {strides = array<i32>} : memref<128x128xf32, #tpu.memory_space<vmem>>, vector<1x16xf32>,
      %swap3A_229 = vector.shape_cast %swap3A_228 : vector<1x16xf32> to vector<16xf32>
      %swap3A_230 = vector.shape_cast %broadcast_in_dim3A_11 : vector<16xf32> to vector<1x16xf32>
      tpu.vector_store %arg10[%swap3A_226, %swap3A_227], %swap3A_230 {strides = array<i32>} : memref<128x128xf32, #tpu.memory_space<vmem>>, vector<1x16xf32>,
      %swap3A_231 = arith.index_cast %scan3A_211 : i32 to index
      %swap3A_232 = arith.constant 64 : index
      %swap3A_233 = tpu.vector_load %arg10[%swap3A_231, %swap3A_232] {strides = array<i32>} : memref<128x128xf32, #tpu.memory_space<vmem>>, vector<1x16xf32>,
      %swap3A_234 = vector.shape_cast %swap3A_233 : vector<1x16xf32> to vector<16xf32>
      %swap3A_235 = vector.shape_cast %broadcast_in_dim3A_11 : vector<16xf32> to vector<1x16xf32>
      tpu.vector_store %arg10[%swap3A_231, %swap3A_232], %swap3A_235 {strides = array<i32>} : memref<128x128xf32, #tpu.memory_space<vmem>>, vector<1x16xf32>,
      %swap3A_236 = arith.index_cast %scan3A_211 : i32 to index
      %swap3A_237 = arith.constant 80 : index
      %swap3A_238 = tpu.vector_load %arg10[%swap3A_236, %swap3A_237] {strides = array<i32>} : memref<128x128xf32, #tpu.memory_space<vmem>>, vector<1x16xf32>,
      %swap3A_239 = vector.shape_cast %swap3A_238 : vector<1x16xf32> to vector<16xf32>
      %swap3A_240 = vector.shape_cast %broadcast_in_dim3A_11 : vector<16xf32> to vector<1x16xf32>
      tpu.vector_store %arg10[%swap3A_236, %swap3A_237], %swap3A_240 {strides = array<i32>} : memref<128x128xf32, #tpu.memory_space<vmem>>, vector<1x16xf32>,
      %swap3A_241 = arith.index_cast %scan3A_211 : i32 to index
      %swap3A_242 = arith.constant 96 : index
      %swap3A_243 = tpu.vector_load %arg10[%swap3A_241, %swap3A_242] {strides = array<i32>} : memref<128x128xf32, #tpu.memory_space<vmem>>, vector<1x16xf32>,
      %swap3A_244 = vector.shape_cast %swap3A_243 : vector<1x16xf32> to vector<16xf32>
      %swap3A_245 = vector.shape_cast %broadcast_in_dim3A_11 : vector<16xf32> to vector<1x16xf32>
      tpu.vector_store %arg10[%swap3A_241, %swap3A_242], %swap3A_245 {strides = array<i32>} : memref<128x128xf32, #tpu.memory_space<vmem>>, vector<1x16xf32>,
      %swap3A_246 = arith.index_cast %scan3A_211 : i32 to index
      %swap3A_247 = arith.constant 112 : index
      %swap3A_248 = tpu.vector_load %arg10[%swap3A_246, %swap3A_247] {strides = array<i32>} : memref<128x128xf32, #tpu.memory_space<vmem>>, vector<1x16xf32>,
      %swap3A_249 = vector.shape_cast %swap3A_248 : vector<1x16xf32> to vector<16xf32>
      %swap3A_250 = vector.shape_cast %broadcast_in_dim3A_11 : vector<16xf32> to vector<1x16xf32>
      tpu.vector_store %arg10[%swap3A_246, %swap3A_247], %swap3A_250 {strides = array<i32>} : memref<128x128xf32, #tpu.memory_space<vmem>>, vector<1x16xf32>,
    }
    %scan3A_16 = arith.constant 128 : i32
    %mul3A_17 = arith.constant 640 : i32
    %mul3A_18 = arith.muli %arg1, %mul3A_17 : i32
    %add3A_19 = arith.constant 0 : i32
    %add3A_20 = arith.addi %mul3A_18, %add3A_19 : i32
    "tpu.region"() ({
      %run_scoped3A = tpu.sem_alloc : memref<!tpu.dma_semaphore, #tpu.memory_space<semaphore_mem>>
      %dma_start3A_211 = arith.constant 0 : i32
      %dma_start3A_212 = tpu.memref_slice %arg12[%add3A_20, %dma_start3A_211] : memref<10240x128xf32, #tpu.memory_space<vmem_shared>> -> memref<128x128xf32, #tpu.memory_space<vmem_shared>>
      %dma_start3A_213 = arith.constant 0 : i32
      %dma_start3A_214 = tpu.memref_slice %arg12[%add3A_20, %dma_start3A_213] : memref<10240x128xf32, #tpu.memory_space<vmem_shared>> -> memref<128x128xf32, #tpu.memory_space<vmem_shared>>
      tpu.enqueue_dma source(%arg10 : memref<128x128xf32, #tpu.memory_space<vmem>>) target(%dma_start3A_214 : memref<128x128xf32, #tpu.memory_space<vmem_shared>>) target_semaphore(%run_scoped3A : memref<!tpu.dma_semaphore, #tpu.memory_space<semaphore_mem>>)
      %dma_wait3A_215 = arith.constant 0 : i32
      %dma_wait3A_216 = tpu.memref_slice %arg12[%add3A_20, %dma_wait3A_215] : memref<10240x128xf32, #tpu.memory_space<vmem_shared>> -> memref<128x128xf32, #tpu.memory_space<vmem_shared>>
      %dma_wait3A_217 = arith.constant 0 : i32
      %dma_wait3A_218 = tpu.memref_slice %arg12[%add3A_20, %dma_wait3A_217] : memref<10240x128xf32, #tpu.memory_space<vmem_shared>> -> memref<128x128xf32, #tpu.memory_space<vmem_shared>>
      tpu.wait_dma2 semaphore(%run_scoped3A : memref<!tpu.dma_semaphore, #tpu.memory_space<semaphore_mem>>) src(%arg10 : memref<128x128xf32, #tpu.memory_space<vmem>>) dst(%dma_wait3A_218 : memref<128x128xf32, #tpu.memory_space<vmem_shared>>)
      tpu.yield
    }) : () -> ()
    %mul3A_21 = arith.constant 640 : i32
    %mul3A_22 = arith.muli %arg1, %mul3A_21 : i32
    %add3A_23 = arith.constant 128 : i32
    %add3A_24 = arith.addi %mul3A_22, %add3A_23 : i32
    "tpu.region"() ({
      %run_scoped3A = tpu.sem_alloc : memref<!tpu.dma_semaphore, #tpu.memory_space<semaphore_mem>>
      %dma_start3A_211 = arith.constant 0 : i32
      %dma_start3A_212 = tpu.memref_slice %arg12[%add3A_24, %dma_start3A_211] : memref<10240x128xf32, #tpu.memory_space<vmem_shared>> -> memref<128x128xf32, #tpu.memory_space<vmem_shared>>
      %dma_start3A_213 = arith.constant 0 : i32
      %dma_start3A_214 = tpu.memref_slice %arg12[%add3A_24, %dma_start3A_213] : memref<10240x128xf32, #tpu.memory_space<vmem_shared>> -> memref<128x128xf32, #tpu.memory_space<vmem_shared>>
      tpu.enqueue_dma source(%arg10 : memref<128x128xf32, #tpu.memory_space<vmem>>) target(%dma_start3A_214 : memref<128x128xf32, #tpu.memory_space<vmem_shared>>) target_semaphore(%run_scoped3A : memref<!tpu.dma_semaphore, #tpu.memory_space<semaphore_mem>>)
      %dma_wait3A_215 = arith.constant 0 : i32
      %dma_wait3A_216 = tpu.memref_slice %arg12[%add3A_24, %dma_wait3A_215] : memref<10240x128xf32, #tpu.memory_space<vmem_shared>> -> memref<128x128xf32, #tpu.memory_space<vmem_shared>>
      %dma_wait3A_217 = arith.constant 0 : i32
      %dma_wait3A_218 = tpu.memref_slice %arg12[%add3A_24, %dma_wait3A_217] : memref<10240x128xf32, #tpu.memory_space<vmem_shared>> -> memref<128x128xf32, #tpu.memory_space<vmem_shared>>
      tpu.wait_dma2 semaphore(%run_scoped3A : memref<!tpu.dma_semaphore, #tpu.memory_space<semaphore_mem>>) src(%arg10 : memref<128x128xf32, #tpu.memory_space<vmem>>) dst(%dma_wait3A_218 : memref<128x128xf32, #tpu.memory_space<vmem_shared>>)
      tpu.yield
    }) : () -> ()
    %mul3A_25 = arith.constant 640 : i32
    %mul3A_26 = arith.muli %arg1, %mul3A_25 : i32
    %add3A_27 = arith.constant 256 : i32
    %add3A_28 = arith.addi %mul3A_26, %add3A_27 : i32
    "tpu.region"() ({
      %run_scoped3A = tpu.sem_alloc : memref<!tpu.dma_semaphore, #tpu.memory_space<semaphore_mem>>
      %dma_start3A_211 = arith.constant 0 : i32
      %dma_start3A_212 = tpu.memref_slice %arg12[%add3A_28, %dma_start3A_211] : memref<10240x128xf32, #tpu.memory_space<vmem_shared>> -> memref<128x128xf32, #tpu.memory_space<vmem_shared>>
      %dma_start3A_213 = arith.constant 0 : i32
      %dma_start3A_214 = tpu.memref_slice %arg12[%add3A_28, %dma_start3A_213] : memref<10240x128xf32, #tpu.memory_space<vmem_shared>> -> memref<128x128xf32, #tpu.memory_space<vmem_shared>>
      tpu.enqueue_dma source(%arg10 : memref<128x128xf32, #tpu.memory_space<vmem>>) target(%dma_start3A_214 : memref<128x128xf32, #tpu.memory_space<vmem_shared>>) target_semaphore(%run_scoped3A : memref<!tpu.dma_semaphore, #tpu.memory_space<semaphore_mem>>)
      %dma_wait3A_215 = arith.constant 0 : i32
      %dma_wait3A_216 = tpu.memref_slice %arg12[%add3A_28, %dma_wait3A_215] : memref<10240x128xf32, #tpu.memory_space<vmem_shared>> -> memref<128x128xf32, #tpu.memory_space<vmem_shared>>
      %dma_wait3A_217 = arith.constant 0 : i32
      %dma_wait3A_218 = tpu.memref_slice %arg12[%add3A_28, %dma_wait3A_217] : memref<10240x128xf32, #tpu.memory_space<vmem_shared>> -> memref<128x128xf32, #tpu.memory_space<vmem_shared>>
      tpu.wait_dma2 semaphore(%run_scoped3A : memref<!tpu.dma_semaphore, #tpu.memory_space<semaphore_mem>>) src(%arg10 : memref<128x128xf32, #tpu.memory_space<vmem>>) dst(%dma_wait3A_218 : memref<128x128xf32, #tpu.memory_space<vmem_shared>>)
      tpu.yield
    }) : () -> ()
    %mul3A_29 = arith.constant 640 : i32
    %mul3A_30 = arith.muli %arg1, %mul3A_29 : i32
    %add3A_31 = arith.constant 384 : i32
    %add3A_32 = arith.addi %mul3A_30, %add3A_31 : i32
    "tpu.region"() ({
      %run_scoped3A = tpu.sem_alloc : memref<!tpu.dma_semaphore, #tpu.memory_space<semaphore_mem>>
      %dma_start3A_211 = arith.constant 0 : i32
      %dma_start3A_212 = tpu.memref_slice %arg12[%add3A_32, %dma_start3A_211] : memref<10240x128xf32, #tpu.memory_space<vmem_shared>> -> memref<128x128xf32, #tpu.memory_space<vmem_shared>>
      %dma_start3A_213 = arith.constant 0 : i32
      %dma_start3A_214 = tpu.memref_slice %arg12[%add3A_32, %dma_start3A_213] : memref<10240x128xf32, #tpu.memory_space<vmem_shared>> -> memref<128x128xf32, #tpu.memory_space<vmem_shared>>
      tpu.enqueue_dma source(%arg10 : memref<128x128xf32, #tpu.memory_space<vmem>>) target(%dma_start3A_214 : memref<128x128xf32, #tpu.memory_space<vmem_shared>>) target_semaphore(%run_scoped3A : memref<!tpu.dma_semaphore, #tpu.memory_space<semaphore_mem>>)
      %dma_wait3A_215 = arith.constant 0 : i32
      %dma_wait3A_216 = tpu.memref_slice %arg12[%add3A_32, %dma_wait3A_215] : memref<10240x128xf32, #tpu.memory_space<vmem_shared>> -> memref<128x128xf32, #tpu.memory_space<vmem_shared>>
      %dma_wait3A_217 = arith.constant 0 : i32
      %dma_wait3A_218 = tpu.memref_slice %arg12[%add3A_32, %dma_wait3A_217] : memref<10240x128xf32, #tpu.memory_space<vmem_shared>> -> memref<128x128xf32, #tpu.memory_space<vmem_shared>>
      tpu.wait_dma2 semaphore(%run_scoped3A : memref<!tpu.dma_semaphore, #tpu.memory_space<semaphore_mem>>) src(%arg10 : memref<128x128xf32, #tpu.memory_space<vmem>>) dst(%dma_wait3A_218 : memref<128x128xf32, #tpu.memory_space<vmem_shared>>)
      tpu.yield
    }) : () -> ()
    %mul3A_33 = arith.constant 640 : i32
    %mul3A_34 = arith.muli %arg1, %mul3A_33 : i32
    %add3A_35 = arith.constant 512 : i32
    %add3A_36 = arith.addi %mul3A_34, %add3A_35 : i32
    "tpu.region"() ({
      %run_scoped3A = tpu.sem_alloc : memref<!tpu.dma_semaphore, #tpu.memory_space<semaphore_mem>>
      %dma_start3A_211 = arith.constant 0 : i32
      %dma_start3A_212 = tpu.memref_slice %arg12[%add3A_36, %dma_start3A_211] : memref<10240x128xf32, #tpu.memory_space<vmem_shared>> -> memref<128x128xf32, #tpu.memory_space<vmem_shared>>
      %dma_start3A_213 = arith.constant 0 : i32
      %dma_start3A_214 = tpu.memref_slice %arg12[%add3A_36, %dma_start3A_213] : memref<10240x128xf32, #tpu.memory_space<vmem_shared>> -> memref<128x128xf32, #tpu.memory_space<vmem_shared>>
      tpu.enqueue_dma source(%arg10 : memref<128x128xf32, #tpu.memory_space<vmem>>) target(%dma_start3A_214 : memref<128x128xf32, #tpu.memory_space<vmem_shared>>) target_semaphore(%run_scoped3A : memref<!tpu.dma_semaphore, #tpu.memory_space<semaphore_mem>>)
      %dma_wait3A_215 = arith.constant 0 : i32
      %dma_wait3A_216 = tpu.memref_slice %arg12[%add3A_36, %dma_wait3A_215] : memref<10240x128xf32, #tpu.memory_space<vmem_shared>> -> memref<128x128xf32, #tpu.memory_space<vmem_shared>>
      %dma_wait3A_217 = arith.constant 0 : i32
      %dma_wait3A_218 = tpu.memref_slice %arg12[%add3A_36, %dma_wait3A_217] : memref<10240x128xf32, #tpu.memory_space<vmem_shared>> -> memref<128x128xf32, #tpu.memory_space<vmem_shared>>
      tpu.wait_dma2 semaphore(%run_scoped3A : memref<!tpu.dma_semaphore, #tpu.memory_space<semaphore_mem>>) src(%arg10 : memref<128x128xf32, #tpu.memory_space<vmem>>) dst(%dma_wait3A_218 : memref<128x128xf32, #tpu.memory_space<vmem_shared>>)
      tpu.yield
    }) : () -> ()
    %barrier3A = arith.constant 0 : index
    tpu.barrier barrier_id(%barrier3A)
    %add3A_37 = arith.constant 0 : i32
    %add3A_38 = arith.addi %mul3A_10, %add3A_37 : i32
    %dma_start3A = arith.constant 0 : i32
    %dma_start3A_39 = arith.constant 0 : i32
    %dma_start3A_40 = tpu.memref_slice %arg6[%dma_start3A, %dma_start3A_39] : memref<1x128xi32, #tpu.memory_space<vmem>> -> memref<1x128xi32, #tpu.memory_space<vmem>>
    %dma_start3A_41 = tpu.memref_squeeze %dma_start3A_40 : memref<1x128xi32, #tpu.memory_space<vmem>> -> memref<128xi32, #tpu.memory_space<vmem>>
    %dma_start3A_42 = tpu.memref_slice %arg3[%add3A_38] : memref<327680xi32, #tpu.memory_space<hbm>> -> memref<128xi32, #tpu.memory_space<hbm>>
    %dma_start3A_43 = arith.constant 0 : i32
    %dma_start3A_44 = tpu.memref_slice %arg6[%dma_start3A, %dma_start3A_43] : memref<1x128xi32, #tpu.memory_space<vmem>> -> memref<1x128xi32, #tpu.memory_space<vmem>>
    %dma_start3A_45 = tpu.memref_squeeze %dma_start3A_44 : memref<1x128xi32, #tpu.memory_space<vmem>> -> memref<128xi32, #tpu.memory_space<vmem>>
    %dma_start3A_46 = tpu.memref_slice %arg3[%add3A_38] : memref<327680xi32, #tpu.memory_space<hbm>> -> memref<128xi32, #tpu.memory_space<hbm>>
    tpu.enqueue_dma source(%dma_start3A_46 : memref<128xi32, #tpu.memory_space<hbm>>) target(%dma_start3A_45 : memref<128xi32, #tpu.memory_space<vmem>>) target_semaphore(%arg13 : memref<!tpu.dma_semaphore, #tpu.memory_space<semaphore_mem>>)
    %add3A_47 = arith.constant 0 : i32
    %add3A_48 = arith.addi %mul3A_10, %add3A_47 : i32
    %dma_start3A_49 = arith.constant 0 : i32
    %dma_start3A_50 = arith.constant 0 : i32
    %dma_start3A_51 = tpu.memref_slice %arg8[%dma_start3A_49, %dma_start3A_50] : memref<1x128xi32, #tpu.memory_space<vmem>> -> memref<1x128xi32, #tpu.memory_space<vmem>>
    %dma_start3A_52 = tpu.memref_squeeze %dma_start3A_51 : memref<1x128xi32, #tpu.memory_space<vmem>> -> memref<128xi32, #tpu.memory_space<vmem>>
    %dma_start3A_53 = tpu.memref_slice %arg4[%add3A_48] : memref<327680xi32, #tpu.memory_space<hbm>> -> memref<128xi32, #tpu.memory_space<hbm>>
    %dma_start3A_54 = arith.constant 0 : i32
    %dma_start3A_55 = tpu.memref_slice %arg8[%dma_start3A_49, %dma_start3A_54] : memref<1x128xi32, #tpu.memory_space<vmem>> -> memref<1x128xi32, #tpu.memory_space<vmem>>
    %dma_start3A_56 = tpu.memref_squeeze %dma_start3A_55 : memref<1x128xi32, #tpu.memory_space<vmem>> -> memref<128xi32, #tpu.memory_space<vmem>>
    %dma_start3A_57 = tpu.memref_slice %arg4[%add3A_48] : memref<327680xi32, #tpu.memory_space<hbm>> -> memref<128xi32, #tpu.memory_space<hbm>>
    tpu.enqueue_dma source(%dma_start3A_57 : memref<128xi32, #tpu.memory_space<hbm>>) target(%dma_start3A_56 : memref<128xi32, #tpu.memory_space<vmem>>) target_semaphore(%arg13 : memref<!tpu.dma_semaphore, #tpu.memory_space<semaphore_mem>>)
    %add3A_58 = arith.constant 128 : i32
    %add3A_59 = arith.addi %mul3A_10, %add3A_58 : i32
    %dma_start3A_60 = arith.constant 0 : i32
    %dma_start3A_61 = arith.constant 0 : i32
    %dma_start3A_62 = tpu.memref_slice %arg7[%dma_start3A_60, %dma_start3A_61] : memref<1x128xi32, #tpu.memory_space<vmem>> -> memref<1x128xi32, #tpu.memory_space<vmem>>
    %dma_start3A_63 = tpu.memref_squeeze %dma_start3A_62 : memref<1x128xi32, #tpu.memory_space<vmem>> -> memref<128xi32, #tpu.memory_space<vmem>>
    %dma_start3A_64 = tpu.memref_slice %arg3[%add3A_59] : memref<327680xi32, #tpu.memory_space<hbm>> -> memref<128xi32, #tpu.memory_space<hbm>>
    %dma_start3A_65 = arith.constant 0 : i32
    %dma_start3A_66 = tpu.memref_slice %arg7[%dma_start3A_60, %dma_start3A_65] : memref<1x128xi32, #tpu.memory_space<vmem>> -> memref<1x128xi32, #tpu.memory_space<vmem>>
    %dma_start3A_67 = tpu.memref_squeeze %dma_start3A_66 : memref<1x128xi32, #tpu.memory_space<vmem>> -> memref<128xi32, #tpu.memory_space<vmem>>
    %dma_start3A_68 = tpu.memref_slice %arg3[%add3A_59] : memref<327680xi32, #tpu.memory_space<hbm>> -> memref<128xi32, #tpu.memory_space<hbm>>
    tpu.enqueue_dma source(%dma_start3A_68 : memref<128xi32, #tpu.memory_space<hbm>>) target(%dma_start3A_67 : memref<128xi32, #tpu.memory_space<vmem>>) target_semaphore(%arg14 : memref<!tpu.dma_semaphore, #tpu.memory_space<semaphore_mem>>)
    %add3A_69 = arith.constant 128 : i32
    %add3A_70 = arith.addi %mul3A_10, %add3A_69 : i32
    %dma_start3A_71 = arith.constant 0 : i32
    %dma_start3A_72 = arith.constant 0 : i32
    %dma_start3A_73 = tpu.memref_slice %arg9[%dma_start3A_71, %dma_start3A_72] : memref<1x128xi32, #tpu.memory_space<vmem>> -> memref<1x128xi32, #tpu.memory_space<vmem>>
    %dma_start3A_74 = tpu.memref_squeeze %dma_start3A_73 : memref<1x128xi32, #tpu.memory_space<vmem>> -> memref<128xi32, #tpu.memory_space<vmem>>
    %dma_start3A_75 = tpu.memref_slice %arg4[%add3A_70] : memref<327680xi32, #tpu.memory_space<hbm>> -> memref<128xi32, #tpu.memory_space<hbm>>
    %dma_start3A_76 = arith.constant 0 : i32
    %dma_start3A_77 = tpu.memref_slice %arg9[%dma_start3A_71, %dma_start3A_76] : memref<1x128xi32, #tpu.memory_space<vmem>> -> memref<1x128xi32, #tpu.memory_space<vmem>>
    %dma_start3A_78 = tpu.memref_squeeze %dma_start3A_77 : memref<1x128xi32, #tpu.memory_space<vmem>> -> memref<128xi32, #tpu.memory_space<vmem>>
    %dma_start3A_79 = tpu.memref_slice %arg4[%add3A_70] : memref<327680xi32, #tpu.memory_space<hbm>> -> memref<128xi32, #tpu.memory_space<hbm>>
    tpu.enqueue_dma source(%dma_start3A_79 : memref<128xi32, #tpu.memory_space<hbm>>) target(%dma_start3A_78 : memref<128xi32, #tpu.memory_space<vmem>>) target_semaphore(%arg14 : memref<!tpu.dma_semaphore, #tpu.memory_space<semaphore_mem>>)
    %dma_wait3A = arith.constant 0 : i32
    %dma_wait3A_80 = arith.constant 0 : i32
    %dma_wait3A_81 = tpu.memref_slice %arg6[%dma_wait3A, %dma_wait3A_80] : memref<1x128xi32, #tpu.memory_space<vmem>> -> memref<1x128xi32, #tpu.memory_space<vmem>>
    %dma_wait3A_82 = tpu.memref_squeeze %dma_wait3A_81 : memref<1x128xi32, #tpu.memory_space<vmem>> -> memref<128xi32, #tpu.memory_space<vmem>>
    %dma_wait3A_83 = arith.constant 0 : i32
    %dma_wait3A_84 = tpu.memref_slice %arg3[%dma_wait3A_83] : memref<327680xi32, #tpu.memory_space<hbm>> -> memref<128xi32, #tpu.memory_space<hbm>>
    %dma_wait3A_85 = arith.constant 0 : i32
    %dma_wait3A_86 = tpu.memref_slice %arg6[%dma_wait3A, %dma_wait3A_85] : memref<1x128xi32, #tpu.memory_space<vmem>> -> memref<1x128xi32, #tpu.memory_space<vmem>>
    %dma_wait3A_87 = tpu.memref_squeeze %dma_wait3A_86 : memref<1x128xi32, #tpu.memory_space<vmem>> -> memref<128xi32, #tpu.memory_space<vmem>>
    %dma_wait3A_88 = arith.constant 0 : i32
    %dma_wait3A_89 = tpu.memref_slice %arg3[%dma_wait3A_88] : memref<327680xi32, #tpu.memory_space<hbm>> -> memref<128xi32, #tpu.memory_space<hbm>>
    tpu.wait_dma2 semaphore(%arg13 : memref<!tpu.dma_semaphore, #tpu.memory_space<semaphore_mem>>) src(%dma_wait3A_89 : memref<128xi32, #tpu.memory_space<hbm>>) dst(%dma_wait3A_87 : memref<128xi32, #tpu.memory_space<vmem>>)
    %dma_wait3A_90 = arith.constant 0 : i32
    %dma_wait3A_91 = arith.constant 0 : i32
    %dma_wait3A_92 = tpu.memref_slice %arg8[%dma_wait3A_90, %dma_wait3A_91] : memref<1x128xi32, #tpu.memory_space<vmem>> -> memref<1x128xi32, #tpu.memory_space<vmem>>
    %dma_wait3A_93 = tpu.memref_squeeze %dma_wait3A_92 : memref<1x128xi32, #tpu.memory_space<vmem>> -> memref<128xi32, #tpu.memory_space<vmem>>
    %dma_wait3A_94 = arith.constant 0 : i32
    %dma_wait3A_95 = tpu.memref_slice %arg3[%dma_wait3A_94] : memref<327680xi32, #tpu.memory_space<hbm>> -> memref<128xi32, #tpu.memory_space<hbm>>
    %dma_wait3A_96 = arith.constant 0 : i32
    %dma_wait3A_97 = tpu.memref_slice %arg8[%dma_wait3A_90, %dma_wait3A_96] : memref<1x128xi32, #tpu.memory_space<vmem>> -> memref<1x128xi32, #tpu.memory_space<vmem>>
    %dma_wait3A_98 = tpu.memref_squeeze %dma_wait3A_97 : memref<1x128xi32, #tpu.memory_space<vmem>> -> memref<128xi32, #tpu.memory_space<vmem>>
    %dma_wait3A_99 = arith.constant 0 : i32
    %dma_wait3A_100 = tpu.memref_slice %arg3[%dma_wait3A_99] : memref<327680xi32, #tpu.memory_space<hbm>> -> memref<128xi32, #tpu.memory_space<hbm>>
    tpu.wait_dma2 semaphore(%arg13 : memref<!tpu.dma_semaphore, #tpu.memory_space<semaphore_mem>>) src(%dma_wait3A_100 : memref<128xi32, #tpu.memory_space<hbm>>) dst(%dma_wait3A_98 : memref<128xi32, #tpu.memory_space<vmem>>)
    %dma_start3A_101 = arith.constant 0 : i32
    %dma_start3A_102 = arith.constant 0 : i32
    %dma_start3A_103 = tpu.memref_slice %arg6[%dma_start3A_101, %dma_start3A_102] : memref<1x128xi32, #tpu.memory_space<vmem>> -> memref<1x128xi32, #tpu.memory_space<vmem>>
    %dma_start3A_104 = tpu.memref_squeeze %dma_start3A_103 : memref<1x128xi32, #tpu.memory_space<vmem>> -> memref<128xi32, #tpu.memory_space<vmem>>
    %dma_start3A_105 = arith.constant 0 : i32
    %dma_start3A_106 = arith.constant 0 : i32
    %dma_start3A_107 = tpu.memref_slice %arg2[%dma_start3A_105, %dma_start3A_106] : memref<10240x128xf32, #tpu.memory_space<hbm>> -> memref<10240x128xf32, #tpu.memory_space<hbm>>
    tpu.enqueue_indirect_dma source(%dma_start3A_107 : memref<10240x128xf32, #tpu.memory_space<hbm>>) target(%arg10 : memref<128x128xf32, #tpu.memory_space<vmem>>) offsets(%dma_start3A_104 : memref<128xi32, #tpu.memory_space<vmem>>) semaphore(%arg15 : memref<!tpu.dma_semaphore, #tpu.memory_space<semaphore_mem>>)
    %dma_wait3A_108 = arith.constant 0 : i32
    %dma_wait3A_109 = arith.constant 0 : i32
    %dma_wait3A_110 = tpu.memref_slice %arg7[%dma_wait3A_108, %dma_wait3A_109] : memref<1x128xi32, #tpu.memory_space<vmem>> -> memref<1x128xi32, #tpu.memory_space<vmem>>
    %dma_wait3A_111 = tpu.memref_squeeze %dma_wait3A_110 : memref<1x128xi32, #tpu.memory_space<vmem>> -> memref<128xi32, #tpu.memory_space<vmem>>
    %dma_wait3A_112 = arith.constant 0 : i32
    %dma_wait3A_113 = tpu.memref_slice %arg3[%dma_wait3A_112] : memref<327680xi32, #tpu.memory_space<hbm>> -> memref<128xi32, #tpu.memory_space<hbm>>
    %dma_wait3A_114 = arith.constant 0 : i32
    %dma_wait3A_115 = tpu.memref_slice %arg7[%dma_wait3A_108, %dma_wait3A_114] : memref<1x128xi32, #tpu.memory_space<vmem>> -> memref<1x128xi32, #tpu.memory_space<vmem>>
    %dma_wait3A_116 = tpu.memref_squeeze %dma_wait3A_115 : memref<1x128xi32, #tpu.memory_space<vmem>> -> memref<128xi32, #tpu.memory_space<vmem>>
    %dma_wait3A_117 = arith.constant 0 : i32
    %dma_wait3A_118 = tpu.memref_slice %arg3[%dma_wait3A_117] : memref<327680xi32, #tpu.memory_space<hbm>> -> memref<128xi32, #tpu.memory_space<hbm>>
    tpu.wait_dma2 semaphore(%arg14 : memref<!tpu.dma_semaphore, #tpu.memory_space<semaphore_mem>>) src(%dma_wait3A_118 : memref<128xi32, #tpu.memory_space<hbm>>) dst(%dma_wait3A_116 : memref<128xi32, #tpu.memory_space<vmem>>)
    %dma_wait3A_119 = arith.constant 0 : i32
    %dma_wait3A_120 = arith.constant 0 : i32
    %dma_wait3A_121 = tpu.memref_slice %arg9[%dma_wait3A_119, %dma_wait3A_120] : memref<1x128xi32, #tpu.memory_space<vmem>> -> memref<1x128xi32, #tpu.memory_space<vmem>>
    %dma_wait3A_122 = tpu.memref_squeeze %dma_wait3A_121 : memref<1x128xi32, #tpu.memory_space<vmem>> -> memref<128xi32, #tpu.memory_space<vmem>>
    %dma_wait3A_123 = arith.constant 0 : i32
    %dma_wait3A_124 = tpu.memref_slice %arg3[%dma_wait3A_123] : memref<327680xi32, #tpu.memory_space<hbm>> -> memref<128xi32, #tpu.memory_space<hbm>>
    %dma_wait3A_125 = arith.constant 0 : i32
    %dma_wait3A_126 = tpu.memref_slice %arg9[%dma_wait3A_119, %dma_wait3A_125] : memref<1x128xi32, #tpu.memory_space<vmem>> -> memref<1x128xi32, #tpu.memory_space<vmem>>
    %dma_wait3A_127 = tpu.memref_squeeze %dma_wait3A_126 : memref<1x128xi32, #tpu.memory_space<vmem>> -> memref<128xi32, #tpu.memory_space<vmem>>
    %dma_wait3A_128 = arith.constant 0 : i32
    %dma_wait3A_129 = tpu.memref_slice %arg3[%dma_wait3A_128] : memref<327680xi32, #tpu.memory_space<hbm>> -> memref<128xi32, #tpu.memory_space<hbm>>
    tpu.wait_dma2 semaphore(%arg14 : memref<!tpu.dma_semaphore, #tpu.memory_space<semaphore_mem>>) src(%dma_wait3A_129 : memref<128xi32, #tpu.memory_space<hbm>>) dst(%dma_wait3A_127 : memref<128xi32, #tpu.memory_space<vmem>>)
    %dma_start3A_130 = arith.constant 0 : i32
    %dma_start3A_131 = arith.constant 0 : i32
    %dma_start3A_132 = tpu.memref_slice %arg7[%dma_start3A_130, %dma_start3A_131] : memref<1x128xi32, #tpu.memory_space<vmem>> -> memref<1x128xi32, #tpu.memory_space<vmem>>
    %dma_start3A_133 = tpu.memref_squeeze %dma_start3A_132 : memref<1x128xi32, #tpu.memory_space<vmem>> -> memref<128xi32, #tpu.memory_space<vmem>>
    %dma_start3A_134 = arith.constant 0 : i32
    %dma_start3A_135 = arith.constant 0 : i32
    %dma_start3A_136 = tpu.memref_slice %arg2[%dma_start3A_134, %dma_start3A_135] : memref<10240x128xf32, #tpu.memory_space<hbm>> -> memref<10240x128xf32, #tpu.memory_space<hbm>>
    tpu.enqueue_indirect_dma source(%dma_start3A_136 : memref<10240x128xf32, #tpu.memory_space<hbm>>) target(%arg11 : memref<128x128xf32, #tpu.memory_space<vmem>>) offsets(%dma_start3A_133 : memref<128xi32, #tpu.memory_space<vmem>>) semaphore(%arg16 : memref<!tpu.dma_semaphore, #tpu.memory_space<semaphore_mem>>)
    %jit3A_137 = arith.constant 2 : i32
    %div3A = arith.divsi %select_n3A, %jit3A_137 : i32
    %sign3A = arith.constant 0 : i32
    %sign3A_138 = arith.cmpi sgt, %select_n3A, %sign3A : i32
    %sign3A_139 = arith.extui %sign3A_138 : i1 to i32
    %sign3A_140 = arith.constant 0 : i32
    %sign3A_141 = arith.cmpi slt, %select_n3A, %sign3A_140 : i32
    %sign3A_142 = arith.extui %sign3A_141 : i1 to i32
    %sign3A_143 = arith.subi %sign3A_139, %sign3A_142 : i32
    %sign3A_144 = arith.constant 0 : i32
    %sign3A_145 = arith.cmpi sgt, %jit3A_137, %sign3A_144 : i32
    %sign3A_146 = arith.extui %sign3A_145 : i1 to i32
    %sign3A_147 = arith.constant 0 : i32
    %sign3A_148 = arith.cmpi slt, %jit3A_137, %sign3A_147 : i32
    %sign3A_149 = arith.extui %sign3A_148 : i1 to i32
    %sign3A_150 = arith.subi %sign3A_146, %sign3A_149 : i32
    %ne3A = arith.cmpi ne, %sign3A_143, %sign3A_150 : i32
    %rem3A = arith.remsi %select_n3A, %jit3A_137 : i32
    %ne3A_151 = arith.constant 0 : i32
    %ne3A_152 = arith.cmpi ne, %rem3A, %ne3A_151 : i32
    %and3A = arith.andi %ne3A, %ne3A_152 : i1
    %sub3A = arith.constant 1 : i32
    %sub3A_153 = arith.subi %div3A, %sub3A : i32
    %select_n3A_154 = arith.select %and3A, %sub3A_153, %div3A : i32
    %sub3A_155 = arith.constant 1 : i32
    %sub3A_156 = arith.subi %select_n3A_154, %sub3A_155 : i32
    %while3A = arith.constant 0 : i32
    %while3A_157 = arith.constant 0 : i32
    %while3A_158 = arith.subi %sub3A_156, %while3A_157 : i32
    %while3A_159 = arith.addi %while3A_157, %while3A_158 : i32
    %while3A_160 = arith.constant 1 : i32
    %while3A_161 = arith.divsi %while3A_158, %while3A_160 : i32
    %while3A_162 = arith.muli %while3A_161, %while3A_160 : i32
    %while3A_163 = arith.addi %while3A_157, %while3A_162 : i32
    %while3A_164 = arith.constant 1 : i32
    scf.for %while3A_211 = %while3A_157 to %while3A_163 step %while3A_164  : i32 {
      %mul3A_212 = arith.constant 2 : i32
      %mul3A_213 = arith.muli %mul3A_212, %while3A_211 : i32
      %dma_wait3A_214 = arith.constant 0 : i32
      %dma_wait3A_215 = arith.constant 0 : i32
      %dma_wait3A_216 = tpu.memref_slice %arg6[%dma_wait3A_214, %dma_wait3A_215] : memref<1x128xi32, #tpu.memory_space<vmem>> -> memref<1x128xi32, #tpu.memory_space<vmem>>
      %dma_wait3A_217 = tpu.memref_squeeze %dma_wait3A_216 : memref<1x128xi32, #tpu.memory_space<vmem>> -> memref<128xi32, #tpu.memory_space<vmem>>
      %dma_wait3A_218 = arith.constant 0 : i32
      %dma_wait3A_219 = arith.constant 0 : i32
      %dma_wait3A_220 = tpu.memref_slice %arg2[%dma_wait3A_218, %dma_wait3A_219] : memref<10240x128xf32, #tpu.memory_space<hbm>> -> memref<10240x128xf32, #tpu.memory_space<hbm>>
      tpu.wait_indirect_dma semaphore(%arg15 : memref<!tpu.dma_semaphore, #tpu.memory_space<semaphore_mem>>) src(%dma_wait3A_220 : memref<10240x128xf32, #tpu.memory_space<hbm>>) dst(%arg10 : memref<128x128xf32, #tpu.memory_space<vmem>>)
      %dma_start3A_221 = arith.constant 0 : i32
      %dma_start3A_222 = arith.constant 0 : i32
      %dma_start3A_223 = tpu.memref_slice %arg8[%dma_start3A_221, %dma_start3A_222] : memref<1x128xi32, #tpu.memory_space<vmem>> -> memref<1x128xi32, #tpu.memory_space<vmem>>
      %dma_start3A_224 = tpu.memref_squeeze %dma_start3A_223 : memref<1x128xi32, #tpu.memory_space<vmem>> -> memref<128xi32, #tpu.memory_space<vmem>>
      %dma_start3A_225 = arith.constant 0 : i32
      %dma_start3A_226 = arith.constant 0 : i32
      %dma_start3A_227 = tpu.memref_slice %arg12[%dma_start3A_225, %dma_start3A_226] : memref<10240x128xf32, #tpu.memory_space<vmem_shared>> -> memref<10240x128xf32, #tpu.memory_space<vmem_shared>>
      tpu.enqueue_indirect_dma source(%arg10 : memref<128x128xf32, #tpu.memory_space<vmem>>) target(%dma_start3A_227 : memref<10240x128xf32, #tpu.memory_space<vmem_shared>>) offsets(%dma_start3A_224 : memref<128xi32, #tpu.memory_space<vmem>>) semaphore(%arg17 : memref<!tpu.dma_semaphore, #tpu.memory_space<semaphore_mem>>) {add = true}
      %dma_wait3A_228 = arith.constant 0 : i32
      %dma_wait3A_229 = arith.constant 0 : i32
      %dma_wait3A_230 = tpu.memref_slice %arg7[%dma_wait3A_228, %dma_wait3A_229] : memref<1x128xi32, #tpu.memory_space<vmem>> -> memref<1x128xi32, #tpu.memory_space<vmem>>
      %dma_wait3A_231 = tpu.memref_squeeze %dma_wait3A_230 : memref<1x128xi32, #tpu.memory_space<vmem>> -> memref<128xi32, #tpu.memory_space<vmem>>
      %dma_wait3A_232 = arith.constant 0 : i32
      %dma_wait3A_233 = arith.constant 0 : i32
      %dma_wait3A_234 = tpu.memref_slice %arg2[%dma_wait3A_232, %dma_wait3A_233] : memref<10240x128xf32, #tpu.memory_space<hbm>> -> memref<10240x128xf32, #tpu.memory_space<hbm>>
      tpu.wait_indirect_dma semaphore(%arg16 : memref<!tpu.dma_semaphore, #tpu.memory_space<semaphore_mem>>) src(%dma_wait3A_234 : memref<10240x128xf32, #tpu.memory_space<hbm>>) dst(%arg11 : memref<128x128xf32, #tpu.memory_space<vmem>>)
      %dma_start3A_235 = arith.constant 0 : i32
      %dma_start3A_236 = arith.constant 0 : i32
      %dma_start3A_237 = tpu.memref_slice %arg9[%dma_start3A_235, %dma_start3A_236] : memref<1x128xi32, #tpu.memory_space<vmem>> -> memref<1x128xi32, #tpu.memory_space<vmem>>
      %dma_start3A_238 = tpu.memref_squeeze %dma_start3A_237 : memref<1x128xi32, #tpu.memory_space<vmem>> -> memref<128xi32, #tpu.memory_space<vmem>>
      %dma_start3A_239 = arith.constant 0 : i32
      %dma_start3A_240 = arith.constant 0 : i32
      %dma_start3A_241 = tpu.memref_slice %arg12[%dma_start3A_239, %dma_start3A_240] : memref<10240x128xf32, #tpu.memory_space<vmem_shared>> -> memref<10240x128xf32, #tpu.memory_space<vmem_shared>>
      tpu.enqueue_indirect_dma source(%arg11 : memref<128x128xf32, #tpu.memory_space<vmem>>) target(%dma_start3A_241 : memref<10240x128xf32, #tpu.memory_space<vmem_shared>>) offsets(%dma_start3A_238 : memref<128xi32, #tpu.memory_space<vmem>>) semaphore(%arg18 : memref<!tpu.dma_semaphore, #tpu.memory_space<semaphore_mem>>) {add = true}
      %dma_wait3A_242 = arith.constant 0 : i32
      %dma_wait3A_243 = arith.constant 0 : i32
      %dma_wait3A_244 = tpu.memref_slice %arg12[%dma_wait3A_242, %dma_wait3A_243] : memref<10240x128xf32, #tpu.memory_space<vmem_shared>> -> memref<128x128xf32, #tpu.memory_space<vmem_shared>>
      %dma_wait3A_245 = arith.constant 0 : i32
      %dma_wait3A_246 = arith.constant 0 : i32
      %dma_wait3A_247 = tpu.memref_slice %arg12[%dma_wait3A_245, %dma_wait3A_246] : memref<10240x128xf32, #tpu.memory_space<vmem_shared>> -> memref<128x128xf32, #tpu.memory_space<vmem_shared>>
      tpu.wait_dma2 semaphore(%arg17 : memref<!tpu.dma_semaphore, #tpu.memory_space<semaphore_mem>>) src(%arg10 : memref<128x128xf32, #tpu.memory_space<vmem>>) dst(%dma_wait3A_247 : memref<128x128xf32, #tpu.memory_space<vmem_shared>>)
      %add3A_248 = arith.constant 2 : i32
      %add3A_249 = arith.addi %mul3A_213, %add3A_248 : i32
      %mul3A_250 = arith.constant 128 : i32
      %mul3A_251 = arith.muli %add3A_249, %mul3A_250 : i32
      %add3A_252 = arith.addi %mul3A_10, %mul3A_251 : i32
      %dma_start3A_253 = arith.constant 0 : i32
      %dma_start3A_254 = arith.constant 0 : i32
      %dma_start3A_255 = tpu.memref_slice %arg6[%dma_start3A_253, %dma_start3A_254] : memref<1x128xi32, #tpu.memory_space<vmem>> -> memref<1x128xi32, #tpu.memory_space<vmem>>
      %dma_start3A_256 = tpu.memref_squeeze %dma_start3A_255 : memref<1x128xi32, #tpu.memory_space<vmem>> -> memref<128xi32, #tpu.memory_space<vmem>>
      %dma_start3A_257 = tpu.memref_slice %arg3[%add3A_252] : memref<327680xi32, #tpu.memory_space<hbm>> -> memref<128xi32, #tpu.memory_space<hbm>>
      %dma_start3A_258 = arith.constant 0 : i32
      %dma_start3A_259 = tpu.memref_slice %arg6[%dma_start3A_253, %dma_start3A_258] : memref<1x128xi32, #tpu.memory_space<vmem>> -> memref<1x128xi32, #tpu.memory_space<vmem>>
      %dma_start3A_260 = tpu.memref_squeeze %dma_start3A_259 : memref<1x128xi32, #tpu.memory_space<vmem>> -> memref<128xi32, #tpu.memory_space<vmem>>
      %dma_start3A_261 = tpu.memref_slice %arg3[%add3A_252] : memref<327680xi32, #tpu.memory_space<hbm>> -> memref<128xi32, #tpu.memory_space<hbm>>
      tpu.enqueue_dma source(%dma_start3A_261 : memref<128xi32, #tpu.memory_space<hbm>>) target(%dma_start3A_260 : memref<128xi32, #tpu.memory_space<vmem>>) target_semaphore(%arg13 : memref<!tpu.dma_semaphore, #tpu.memory_space<semaphore_mem>>)
      %mul3A_262 = arith.constant 128 : i32
      %mul3A_263 = arith.muli %add3A_249, %mul3A_262 : i32
      %add3A_264 = arith.addi %mul3A_10, %mul3A_263 : i32
      %dma_start3A_265 = arith.constant 0 : i32
      %dma_start3A_266 = arith.constant 0 : i32
      %dma_start3A_267 = tpu.memref_slice %arg8[%dma_start3A_265, %dma_start3A_266] : memref<1x128xi32, #tpu.memory_space<vmem>> -> memref<1x128xi32, #tpu.memory_space<vmem>>
      %dma_start3A_268 = tpu.memref_squeeze %dma_start3A_267 : memref<1x128xi32, #tpu.memory_space<vmem>> -> memref<128xi32, #tpu.memory_space<vmem>>
      %dma_start3A_269 = tpu.memref_slice %arg4[%add3A_264] : memref<327680xi32, #tpu.memory_space<hbm>> -> memref<128xi32, #tpu.memory_space<hbm>>
      %dma_start3A_270 = arith.constant 0 : i32
      %dma_start3A_271 = tpu.memref_slice %arg8[%dma_start3A_265, %dma_start3A_270] : memref<1x128xi32, #tpu.memory_space<vmem>> -> memref<1x128xi32, #tpu.memory_space<vmem>>
      %dma_start3A_272 = tpu.memref_squeeze %dma_start3A_271 : memref<1x128xi32, #tpu.memory_space<vmem>> -> memref<128xi32, #tpu.memory_space<vmem>>
      %dma_start3A_273 = tpu.memref_slice %arg4[%add3A_264] : memref<327680xi32, #tpu.memory_space<hbm>> -> memref<128xi32, #tpu.memory_space<hbm>>
      tpu.enqueue_dma source(%dma_start3A_273 : memref<128xi32, #tpu.memory_space<hbm>>) target(%dma_start3A_272 : memref<128xi32, #tpu.memory_space<vmem>>) target_semaphore(%arg13 : memref<!tpu.dma_semaphore, #tpu.memory_space<semaphore_mem>>)
      %dma_wait3A_274 = arith.constant 0 : i32
      %dma_wait3A_275 = arith.constant 0 : i32
      %dma_wait3A_276 = tpu.memref_slice %arg12[%dma_wait3A_274, %dma_wait3A_275] : memref<10240x128xf32, #tpu.memory_space<vmem_shared>> -> memref<128x128xf32, #tpu.memory_space<vmem_shared>>
      %dma_wait3A_277 = arith.constant 0 : i32
      %dma_wait3A_278 = arith.constant 0 : i32
      %dma_wait3A_279 = tpu.memref_slice %arg12[%dma_wait3A_277, %dma_wait3A_278] : memref<10240x128xf32, #tpu.memory_space<vmem_shared>> -> memref<128x128xf32, #tpu.memory_space<vmem_shared>>
      tpu.wait_dma2 semaphore(%arg18 : memref<!tpu.dma_semaphore, #tpu.memory_space<semaphore_mem>>) src(%arg11 : memref<128x128xf32, #tpu.memory_space<vmem>>) dst(%dma_wait3A_279 : memref<128x128xf32, #tpu.memory_space<vmem_shared>>)
      %add3A_280 = arith.constant 3 : i32
      %add3A_281 = arith.addi %mul3A_213, %add3A_280 : i32
      %mul3A_282 = arith.constant 128 : i32
      %mul3A_283 = arith.muli %add3A_281, %mul3A_282 : i32
      %add3A_284 = arith.addi %mul3A_10, %mul3A_283 : i32
      %dma_start3A_285 = arith.constant 0 : i32
      %dma_start3A_286 = arith.constant 0 : i32
      %dma_start3A_287 = tpu.memref_slice %arg7[%dma_start3A_285, %dma_start3A_286] : memref<1x128xi32, #tpu.memory_space<vmem>> -> memref<1x128xi32, #tpu.memory_space<vmem>>
      %dma_start3A_288 = tpu.memref_squeeze %dma_start3A_287 : memref<1x128xi32, #tpu.memory_space<vmem>> -> memref<128xi32, #tpu.memory_space<vmem>>
      %dma_start3A_289 = tpu.memref_slice %arg3[%add3A_284] : memref<327680xi32, #tpu.memory_space<hbm>> -> memref<128xi32, #tpu.memory_space<hbm>>
      %dma_start3A_290 = arith.constant 0 : i32
      %dma_start3A_291 = tpu.memref_slice %arg7[%dma_start3A_285, %dma_start3A_290] : memref<1x128xi32, #tpu.memory_space<vmem>> -> memref<1x128xi32, #tpu.memory_space<vmem>>
      %dma_start3A_292 = tpu.memref_squeeze %dma_start3A_291 : memref<1x128xi32, #tpu.memory_space<vmem>> -> memref<128xi32, #tpu.memory_space<vmem>>
      %dma_start3A_293 = tpu.memref_slice %arg3[%add3A_284] : memref<327680xi32, #tpu.memory_space<hbm>> -> memref<128xi32, #tpu.memory_space<hbm>>
      tpu.enqueue_dma source(%dma_start3A_293 : memref<128xi32, #tpu.memory_space<hbm>>) target(%dma_start3A_292 : memref<128xi32, #tpu.memory_space<vmem>>) target_semaphore(%arg14 : memref<!tpu.dma_semaphore, #tpu.memory_space<semaphore_mem>>)
      %mul3A_294 = arith.constant 128 : i32
      %mul3A_295 = arith.muli %add3A_281, %mul3A_294 : i32
      %add3A_296 = arith.addi %mul3A_10, %mul3A_295 : i32
      %dma_start3A_297 = arith.constant 0 : i32
      %dma_start3A_298 = arith.constant 0 : i32
      %dma_start3A_299 = tpu.memref_slice %arg9[%dma_start3A_297, %dma_start3A_298] : memref<1x128xi32, #tpu.memory_space<vmem>> -> memref<1x128xi32, #tpu.memory_space<vmem>>
      %dma_start3A_300 = tpu.memref_squeeze %dma_start3A_299 : memref<1x128xi32, #tpu.memory_space<vmem>> -> memref<128xi32, #tpu.memory_space<vmem>>
      %dma_start3A_301 = tpu.memref_slice %arg4[%add3A_296] : memref<327680xi32, #tpu.memory_space<hbm>> -> memref<128xi32, #tpu.memory_space<hbm>>
      %dma_start3A_302 = arith.constant 0 : i32
      %dma_start3A_303 = tpu.memref_slice %arg9[%dma_start3A_297, %dma_start3A_302] : memref<1x128xi32, #tpu.memory_space<vmem>> -> memref<1x128xi32, #tpu.memory_space<vmem>>
      %dma_start3A_304 = tpu.memref_squeeze %dma_start3A_303 : memref<1x128xi32, #tpu.memory_space<vmem>> -> memref<128xi32, #tpu.memory_space<vmem>>
      %dma_start3A_305 = tpu.memref_slice %arg4[%add3A_296] : memref<327680xi32, #tpu.memory_space<hbm>> -> memref<128xi32, #tpu.memory_space<hbm>>
      tpu.enqueue_dma source(%dma_start3A_305 : memref<128xi32, #tpu.memory_space<hbm>>) target(%dma_start3A_304 : memref<128xi32, #tpu.memory_space<vmem>>) target_semaphore(%arg14 : memref<!tpu.dma_semaphore, #tpu.memory_space<semaphore_mem>>)
      %dma_wait3A_306 = arith.constant 0 : i32
      %dma_wait3A_307 = arith.constant 0 : i32
      %dma_wait3A_308 = tpu.memref_slice %arg6[%dma_wait3A_306, %dma_wait3A_307] : memref<1x128xi32, #tpu.memory_space<vmem>> -> memref<1x128xi32, #tpu.memory_space<vmem>>
      %dma_wait3A_309 = tpu.memref_squeeze %dma_wait3A_308 : memref<1x128xi32, #tpu.memory_space<vmem>> -> memref<128xi32, #tpu.memory_space<vmem>>
      %dma_wait3A_310 = arith.constant 0 : i32
      %dma_wait3A_311 = tpu.memref_slice %arg3[%dma_wait3A_310] : memref<327680xi32, #tpu.memory_space<hbm>> -> memref<128xi32, #tpu.memory_space<hbm>>
      %dma_wait3A_312 = arith.constant 0 : i32
      %dma_wait3A_313 = tpu.memref_slice %arg6[%dma_wait3A_306, %dma_wait3A_312] : memref<1x128xi32, #tpu.memory_space<vmem>> -> memref<1x128xi32, #tpu.memory_space<vmem>>
      %dma_wait3A_314 = tpu.memref_squeeze %dma_wait3A_313 : memref<1x128xi32, #tpu.memory_space<vmem>> -> memref<128xi32, #tpu.memory_space<vmem>>
      %dma_wait3A_315 = arith.constant 0 : i32
      %dma_wait3A_316 = tpu.memref_slice %arg3[%dma_wait3A_315] : memref<327680xi32, #tpu.memory_space<hbm>> -> memref<128xi32, #tpu.memory_space<hbm>>
      tpu.wait_dma2 semaphore(%arg13 : memref<!tpu.dma_semaphore, #tpu.memory_space<semaphore_mem>>) src(%dma_wait3A_316 : memref<128xi32, #tpu.memory_space<hbm>>) dst(%dma_wait3A_314 : memref<128xi32, #tpu.memory_space<vmem>>)
      %dma_wait3A_317 = arith.constant 0 : i32
      %dma_wait3A_318 = arith.constant 0 : i32
      %dma_wait3A_319 = tpu.memref_slice %arg8[%dma_wait3A_317, %dma_wait3A_318] : memref<1x128xi32, #tpu.memory_space<vmem>> -> memref<1x128xi32, #tpu.memory_space<vmem>>
      %dma_wait3A_320 = tpu.memref_squeeze %dma_wait3A_319 : memref<1x128xi32, #tpu.memory_space<vmem>> -> memref<128xi32, #tpu.memory_space<vmem>>
      %dma_wait3A_321 = arith.constant 0 : i32
      %dma_wait3A_322 = tpu.memref_slice %arg3[%dma_wait3A_321] : memref<327680xi32, #tpu.memory_space<hbm>> -> memref<128xi32, #tpu.memory_space<hbm>>
      %dma_wait3A_323 = arith.constant 0 : i32
      %dma_wait3A_324 = tpu.memref_slice %arg8[%dma_wait3A_317, %dma_wait3A_323] : memref<1x128xi32, #tpu.memory_space<vmem>> -> memref<1x128xi32, #tpu.memory_space<vmem>>
      %dma_wait3A_325 = tpu.memref_squeeze %dma_wait3A_324 : memref<1x128xi32, #tpu.memory_space<vmem>> -> memref<128xi32, #tpu.memory_space<vmem>>
      %dma_wait3A_326 = arith.constant 0 : i32
      %dma_wait3A_327 = tpu.memref_slice %arg3[%dma_wait3A_326] : memref<327680xi32, #tpu.memory_space<hbm>> -> memref<128xi32, #tpu.memory_space<hbm>>
      tpu.wait_dma2 semaphore(%arg13 : memref<!tpu.dma_semaphore, #tpu.memory_space<semaphore_mem>>) src(%dma_wait3A_327 : memref<128xi32, #tpu.memory_space<hbm>>) dst(%dma_wait3A_325 : memref<128xi32, #tpu.memory_space<vmem>>)
      %dma_start3A_328 = arith.constant 0 : i32
      %dma_start3A_329 = arith.constant 0 : i32
      %dma_start3A_330 = tpu.memref_slice %arg6[%dma_start3A_328, %dma_start3A_329] : memref<1x128xi32, #tpu.memory_space<vmem>> -> memref<1x128xi32, #tpu.memory_space<vmem>>
      %dma_start3A_331 = tpu.memref_squeeze %dma_start3A_330 : memref<1x128xi32, #tpu.memory_space<vmem>> -> memref<128xi32, #tpu.memory_space<vmem>>
      %dma_start3A_332 = arith.constant 0 : i32
      %dma_start3A_333 = arith.constant 0 : i32
      %dma_start3A_334 = tpu.memref_slice %arg2[%dma_start3A_332, %dma_start3A_333] : memref<10240x128xf32, #tpu.memory_space<hbm>> -> memref<10240x128xf32, #tpu.memory_space<hbm>>
      tpu.enqueue_indirect_dma source(%dma_start3A_334 : memref<10240x128xf32, #tpu.memory_space<hbm>>) target(%arg10 : memref<128x128xf32, #tpu.memory_space<vmem>>) offsets(%dma_start3A_331 : memref<128xi32, #tpu.memory_space<vmem>>) semaphore(%arg15 : memref<!tpu.dma_semaphore, #tpu.memory_space<semaphore_mem>>)
      %dma_wait3A_335 = arith.constant 0 : i32
      %dma_wait3A_336 = arith.constant 0 : i32
      %dma_wait3A_337 = tpu.memref_slice %arg7[%dma_wait3A_335, %dma_wait3A_336] : memref<1x128xi32, #tpu.memory_space<vmem>> -> memref<1x128xi32, #tpu.memory_space<vmem>>
      %dma_wait3A_338 = tpu.memref_squeeze %dma_wait3A_337 : memref<1x128xi32, #tpu.memory_space<vmem>> -> memref<128xi32, #tpu.memory_space<vmem>>
      %dma_wait3A_339 = arith.constant 0 : i32
      %dma_wait3A_340 = tpu.memref_slice %arg3[%dma_wait3A_339] : memref<327680xi32, #tpu.memory_space<hbm>> -> memref<128xi32, #tpu.memory_space<hbm>>
      %dma_wait3A_341 = arith.constant 0 : i32
      %dma_wait3A_342 = tpu.memref_slice %arg7[%dma_wait3A_335, %dma_wait3A_341] : memref<1x128xi32, #tpu.memory_space<vmem>> -> memref<1x128xi32, #tpu.memory_space<vmem>>
      %dma_wait3A_343 = tpu.memref_squeeze %dma_wait3A_342 : memref<1x128xi32, #tpu.memory_space<vmem>> -> memref<128xi32, #tpu.memory_space<vmem>>
      %dma_wait3A_344 = arith.constant 0 : i32
      %dma_wait3A_345 = tpu.memref_slice %arg3[%dma_wait3A_344] : memref<327680xi32, #tpu.memory_space<hbm>> -> memref<128xi32, #tpu.memory_space<hbm>>
      tpu.wait_dma2 semaphore(%arg14 : memref<!tpu.dma_semaphore, #tpu.memory_space<semaphore_mem>>) src(%dma_wait3A_345 : memref<128xi32, #tpu.memory_space<hbm>>) dst(%dma_wait3A_343 : memref<128xi32, #tpu.memory_space<vmem>>)
      %dma_wait3A_346 = arith.constant 0 : i32
      %dma_wait3A_347 = arith.constant 0 : i32
      %dma_wait3A_348 = tpu.memref_slice %arg9[%dma_wait3A_346, %dma_wait3A_347] : memref<1x128xi32, #tpu.memory_space<vmem>> -> memref<1x128xi32, #tpu.memory_space<vmem>>
      %dma_wait3A_349 = tpu.memref_squeeze %dma_wait3A_348 : memref<1x128xi32, #tpu.memory_space<vmem>> -> memref<128xi32, #tpu.memory_space<vmem>>
      %dma_wait3A_350 = arith.constant 0 : i32
      %dma_wait3A_351 = tpu.memref_slice %arg3[%dma_wait3A_350] : memref<327680xi32, #tpu.memory_space<hbm>> -> memref<128xi32, #tpu.memory_space<hbm>>
      %dma_wait3A_352 = arith.constant 0 : i32
      %dma_wait3A_353 = tpu.memref_slice %arg9[%dma_wait3A_346, %dma_wait3A_352] : memref<1x128xi32, #tpu.memory_space<vmem>> -> memref<1x128xi32, #tpu.memory_space<vmem>>
      %dma_wait3A_354 = tpu.memref_squeeze %dma_wait3A_353 : memref<1x128xi32, #tpu.memory_space<vmem>> -> memref<128xi32, #tpu.memory_space<vmem>>
      %dma_wait3A_355 = arith.constant 0 : i32
      %dma_wait3A_356 = tpu.memref_slice %arg3[%dma_wait3A_355] : memref<327680xi32, #tpu.memory_space<hbm>> -> memref<128xi32, #tpu.memory_space<hbm>>
      tpu.wait_dma2 semaphore(%arg14 : memref<!tpu.dma_semaphore, #tpu.memory_space<semaphore_mem>>) src(%dma_wait3A_356 : memref<128xi32, #tpu.memory_space<hbm>>) dst(%dma_wait3A_354 : memref<128xi32, #tpu.memory_space<vmem>>)
      %dma_start3A_357 = arith.constant 0 : i32
      %dma_start3A_358 = arith.constant 0 : i32
      %dma_start3A_359 = tpu.memref_slice %arg7[%dma_start3A_357, %dma_start3A_358] : memref<1x128xi32, #tpu.memory_space<vmem>> -> memref<1x128xi32, #tpu.memory_space<vmem>>
      %dma_start3A_360 = tpu.memref_squeeze %dma_start3A_359 : memref<1x128xi32, #tpu.memory_space<vmem>> -> memref<128xi32, #tpu.memory_space<vmem>>
      %dma_start3A_361 = arith.constant 0 : i32
      %dma_start3A_362 = arith.constant 0 : i32
      %dma_start3A_363 = tpu.memref_slice %arg2[%dma_start3A_361, %dma_start3A_362] : memref<10240x128xf32, #tpu.memory_space<hbm>> -> memref<10240x128xf32, #tpu.memory_space<hbm>>
      tpu.enqueue_indirect_dma source(%dma_start3A_363 : memref<10240x128xf32, #tpu.memory_space<hbm>>) target(%arg11 : memref<128x128xf32, #tpu.memory_space<vmem>>) offsets(%dma_start3A_360 : memref<128xi32, #tpu.memory_space<vmem>>) semaphore(%arg16 : memref<!tpu.dma_semaphore, #tpu.memory_space<semaphore_mem>>)
    }
    %while3A_165 = arith.constant 1 : i32
    scf.for %while3A_211 = %while3A_163 to %while3A_159 step %while3A_165  : i32 {
      %mul3A_212 = arith.constant 2 : i32
      %mul3A_213 = arith.muli %mul3A_212, %while3A_211 : i32
      %dma_wait3A_214 = arith.constant 0 : i32
      %dma_wait3A_215 = arith.constant 0 : i32
      %dma_wait3A_216 = tpu.memref_slice %arg6[%dma_wait3A_214, %dma_wait3A_215] : memref<1x128xi32, #tpu.memory_space<vmem>> -> memref<1x128xi32, #tpu.memory_space<vmem>>
      %dma_wait3A_217 = tpu.memref_squeeze %dma_wait3A_216 : memref<1x128xi32, #tpu.memory_space<vmem>> -> memref<128xi32, #tpu.memory_space<vmem>>
      %dma_wait3A_218 = arith.constant 0 : i32
      %dma_wait3A_219 = arith.constant 0 : i32
      %dma_wait3A_220 = tpu.memref_slice %arg2[%dma_wait3A_218, %dma_wait3A_219] : memref<10240x128xf32, #tpu.memory_space<hbm>> -> memref<10240x128xf32, #tpu.memory_space<hbm>>
      tpu.wait_indirect_dma semaphore(%arg15 : memref<!tpu.dma_semaphore, #tpu.memory_space<semaphore_mem>>) src(%dma_wait3A_220 : memref<10240x128xf32, #tpu.memory_space<hbm>>) dst(%arg10 : memref<128x128xf32, #tpu.memory_space<vmem>>)
      %dma_start3A_221 = arith.constant 0 : i32
      %dma_start3A_222 = arith.constant 0 : i32
      %dma_start3A_223 = tpu.memref_slice %arg8[%dma_start3A_221, %dma_start3A_222] : memref<1x128xi32, #tpu.memory_space<vmem>> -> memref<1x128xi32, #tpu.memory_space<vmem>>
      %dma_start3A_224 = tpu.memref_squeeze %dma_start3A_223 : memref<1x128xi32, #tpu.memory_space<vmem>> -> memref<128xi32, #tpu.memory_space<vmem>>
      %dma_start3A_225 = arith.constant 0 : i32
      %dma_start3A_226 = arith.constant 0 : i32
      %dma_start3A_227 = tpu.memref_slice %arg12[%dma_start3A_225, %dma_start3A_226] : memref<10240x128xf32, #tpu.memory_space<vmem_shared>> -> memref<10240x128xf32, #tpu.memory_space<vmem_shared>>
      tpu.enqueue_indirect_dma source(%arg10 : memref<128x128xf32, #tpu.memory_space<vmem>>) target(%dma_start3A_227 : memref<10240x128xf32, #tpu.memory_space<vmem_shared>>) offsets(%dma_start3A_224 : memref<128xi32, #tpu.memory_space<vmem>>) semaphore(%arg17 : memref<!tpu.dma_semaphore, #tpu.memory_space<semaphore_mem>>) {add = true}
      %dma_wait3A_228 = arith.constant 0 : i32
      %dma_wait3A_229 = arith.constant 0 : i32
      %dma_wait3A_230 = tpu.memref_slice %arg7[%dma_wait3A_228, %dma_wait3A_229] : memref<1x128xi32, #tpu.memory_space<vmem>> -> memref<1x128xi32, #tpu.memory_space<vmem>>
      %dma_wait3A_231 = tpu.memref_squeeze %dma_wait3A_230 : memref<1x128xi32, #tpu.memory_space<vmem>> -> memref<128xi32, #tpu.memory_space<vmem>>
      %dma_wait3A_232 = arith.constant 0 : i32
      %dma_wait3A_233 = arith.constant 0 : i32
      %dma_wait3A_234 = tpu.memref_slice %arg2[%dma_wait3A_232, %dma_wait3A_233] : memref<10240x128xf32, #tpu.memory_space<hbm>> -> memref<10240x128xf32, #tpu.memory_space<hbm>>
      tpu.wait_indirect_dma semaphore(%arg16 : memref<!tpu.dma_semaphore, #tpu.memory_space<semaphore_mem>>) src(%dma_wait3A_234 : memref<10240x128xf32, #tpu.memory_space<hbm>>) dst(%arg11 : memref<128x128xf32, #tpu.memory_space<vmem>>)
      %dma_start3A_235 = arith.constant 0 : i32
      %dma_start3A_236 = arith.constant 0 : i32
      %dma_start3A_237 = tpu.memref_slice %arg9[%dma_start3A_235, %dma_start3A_236] : memref<1x128xi32, #tpu.memory_space<vmem>> -> memref<1x128xi32, #tpu.memory_space<vmem>>
      %dma_start3A_238 = tpu.memref_squeeze %dma_start3A_237 : memref<1x128xi32, #tpu.memory_space<vmem>> -> memref<128xi32, #tpu.memory_space<vmem>>
      %dma_start3A_239 = arith.constant 0 : i32
      %dma_start3A_240 = arith.constant 0 : i32
      %dma_start3A_241 = tpu.memref_slice %arg12[%dma_start3A_239, %dma_start3A_240] : memref<10240x128xf32, #tpu.memory_space<vmem_shared>> -> memref<10240x128xf32, #tpu.memory_space<vmem_shared>>
      tpu.enqueue_indirect_dma source(%arg11 : memref<128x128xf32, #tpu.memory_space<vmem>>) target(%dma_start3A_241 : memref<10240x128xf32, #tpu.memory_space<vmem_shared>>) offsets(%dma_start3A_238 : memref<128xi32, #tpu.memory_space<vmem>>) semaphore(%arg18 : memref<!tpu.dma_semaphore, #tpu.memory_space<semaphore_mem>>) {add = true}
      %dma_wait3A_242 = arith.constant 0 : i32
      %dma_wait3A_243 = arith.constant 0 : i32
      %dma_wait3A_244 = tpu.memref_slice %arg12[%dma_wait3A_242, %dma_wait3A_243] : memref<10240x128xf32, #tpu.memory_space<vmem_shared>> -> memref<128x128xf32, #tpu.memory_space<vmem_shared>>
      %dma_wait3A_245 = arith.constant 0 : i32
      %dma_wait3A_246 = arith.constant 0 : i32
      %dma_wait3A_247 = tpu.memref_slice %arg12[%dma_wait3A_245, %dma_wait3A_246] : memref<10240x128xf32, #tpu.memory_space<vmem_shared>> -> memref<128x128xf32, #tpu.memory_space<vmem_shared>>
      tpu.wait_dma2 semaphore(%arg17 : memref<!tpu.dma_semaphore, #tpu.memory_space<semaphore_mem>>) src(%arg10 : memref<128x128xf32, #tpu.memory_space<vmem>>) dst(%dma_wait3A_247 : memref<128x128xf32, #tpu.memory_space<vmem_shared>>)
      %add3A_248 = arith.constant 2 : i32
      %add3A_249 = arith.addi %mul3A_213, %add3A_248 : i32
      %mul3A_250 = arith.constant 128 : i32
      %mul3A_251 = arith.muli %add3A_249, %mul3A_250 : i32
      %add3A_252 = arith.addi %mul3A_10, %mul3A_251 : i32
      %dma_start3A_253 = arith.constant 0 : i32
      %dma_start3A_254 = arith.constant 0 : i32
      %dma_start3A_255 = tpu.memref_slice %arg6[%dma_start3A_253, %dma_start3A_254] : memref<1x128xi32, #tpu.memory_space<vmem>> -> memref<1x128xi32, #tpu.memory_space<vmem>>
      %dma_start3A_256 = tpu.memref_squeeze %dma_start3A_255 : memref<1x128xi32, #tpu.memory_space<vmem>> -> memref<128xi32, #tpu.memory_space<vmem>>
      %dma_start3A_257 = tpu.memref_slice %arg3[%add3A_252] : memref<327680xi32, #tpu.memory_space<hbm>> -> memref<128xi32, #tpu.memory_space<hbm>>
      %dma_start3A_258 = arith.constant 0 : i32
      %dma_start3A_259 = tpu.memref_slice %arg6[%dma_start3A_253, %dma_start3A_258] : memref<1x128xi32, #tpu.memory_space<vmem>> -> memref<1x128xi32, #tpu.memory_space<vmem>>
      %dma_start3A_260 = tpu.memref_squeeze %dma_start3A_259 : memref<1x128xi32, #tpu.memory_space<vmem>> -> memref<128xi32, #tpu.memory_space<vmem>>
      %dma_start3A_261 = tpu.memref_slice %arg3[%add3A_252] : memref<327680xi32, #tpu.memory_space<hbm>> -> memref<128xi32, #tpu.memory_space<hbm>>
      tpu.enqueue_dma source(%dma_start3A_261 : memref<128xi32, #tpu.memory_space<hbm>>) target(%dma_start3A_260 : memref<128xi32, #tpu.memory_space<vmem>>) target_semaphore(%arg13 : memref<!tpu.dma_semaphore, #tpu.memory_space<semaphore_mem>>)
      %mul3A_262 = arith.constant 128 : i32
      %mul3A_263 = arith.muli %add3A_249, %mul3A_262 : i32
      %add3A_264 = arith.addi %mul3A_10, %mul3A_263 : i32
      %dma_start3A_265 = arith.constant 0 : i32
      %dma_start3A_266 = arith.constant 0 : i32
      %dma_start3A_267 = tpu.memref_slice %arg8[%dma_start3A_265, %dma_start3A_266] : memref<1x128xi32, #tpu.memory_space<vmem>> -> memref<1x128xi32, #tpu.memory_space<vmem>>
      %dma_start3A_268 = tpu.memref_squeeze %dma_start3A_267 : memref<1x128xi32, #tpu.memory_space<vmem>> -> memref<128xi32, #tpu.memory_space<vmem>>
      %dma_start3A_269 = tpu.memref_slice %arg4[%add3A_264] : memref<327680xi32, #tpu.memory_space<hbm>> -> memref<128xi32, #tpu.memory_space<hbm>>
      %dma_start3A_270 = arith.constant 0 : i32
      %dma_start3A_271 = tpu.memref_slice %arg8[%dma_start3A_265, %dma_start3A_270] : memref<1x128xi32, #tpu.memory_space<vmem>> -> memref<1x128xi32, #tpu.memory_space<vmem>>
      %dma_start3A_272 = tpu.memref_squeeze %dma_start3A_271 : memref<1x128xi32, #tpu.memory_space<vmem>> -> memref<128xi32, #tpu.memory_space<vmem>>
      %dma_start3A_273 = tpu.memref_slice %arg4[%add3A_264] : memref<327680xi32, #tpu.memory_space<hbm>> -> memref<128xi32, #tpu.memory_space<hbm>>
      tpu.enqueue_dma source(%dma_start3A_273 : memref<128xi32, #tpu.memory_space<hbm>>) target(%dma_start3A_272 : memref<128xi32, #tpu.memory_space<vmem>>) target_semaphore(%arg13 : memref<!tpu.dma_semaphore, #tpu.memory_space<semaphore_mem>>)
      %dma_wait3A_274 = arith.constant 0 : i32
      %dma_wait3A_275 = arith.constant 0 : i32
      %dma_wait3A_276 = tpu.memref_slice %arg12[%dma_wait3A_274, %dma_wait3A_275] : memref<10240x128xf32, #tpu.memory_space<vmem_shared>> -> memref<128x128xf32, #tpu.memory_space<vmem_shared>>
      %dma_wait3A_277 = arith.constant 0 : i32
      %dma_wait3A_278 = arith.constant 0 : i32
      %dma_wait3A_279 = tpu.memref_slice %arg12[%dma_wait3A_277, %dma_wait3A_278] : memref<10240x128xf32, #tpu.memory_space<vmem_shared>> -> memref<128x128xf32, #tpu.memory_space<vmem_shared>>
      tpu.wait_dma2 semaphore(%arg18 : memref<!tpu.dma_semaphore, #tpu.memory_space<semaphore_mem>>) src(%arg11 : memref<128x128xf32, #tpu.memory_space<vmem>>) dst(%dma_wait3A_279 : memref<128x128xf32, #tpu.memory_space<vmem_shared>>)
      %add3A_280 = arith.constant 3 : i32
      %add3A_281 = arith.addi %mul3A_213, %add3A_280 : i32
      %mul3A_282 = arith.constant 128 : i32
      %mul3A_283 = arith.muli %add3A_281, %mul3A_282 : i32
      %add3A_284 = arith.addi %mul3A_10, %mul3A_283 : i32
      %dma_start3A_285 = arith.constant 0 : i32
      %dma_start3A_286 = arith.constant 0 : i32
      %dma_start3A_287 = tpu.memref_slice %arg7[%dma_start3A_285, %dma_start3A_286] : memref<1x128xi32, #tpu.memory_space<vmem>> -> memref<1x128xi32, #tpu.memory_space<vmem>>
      %dma_start3A_288 = tpu.memref_squeeze %dma_start3A_287 : memref<1x128xi32, #tpu.memory_space<vmem>> -> memref<128xi32, #tpu.memory_space<vmem>>
      %dma_start3A_289 = tpu.memref_slice %arg3[%add3A_284] : memref<327680xi32, #tpu.memory_space<hbm>> -> memref<128xi32, #tpu.memory_space<hbm>>
      %dma_start3A_290 = arith.constant 0 : i32
      %dma_start3A_291 = tpu.memref_slice %arg7[%dma_start3A_285, %dma_start3A_290] : memref<1x128xi32, #tpu.memory_space<vmem>> -> memref<1x128xi32, #tpu.memory_space<vmem>>
      %dma_start3A_292 = tpu.memref_squeeze %dma_start3A_291 : memref<1x128xi32, #tpu.memory_space<vmem>> -> memref<128xi32, #tpu.memory_space<vmem>>
      %dma_start3A_293 = tpu.memref_slice %arg3[%add3A_284] : memref<327680xi32, #tpu.memory_space<hbm>> -> memref<128xi32, #tpu.memory_space<hbm>>
      tpu.enqueue_dma source(%dma_start3A_293 : memref<128xi32, #tpu.memory_space<hbm>>) target(%dma_start3A_292 : memref<128xi32, #tpu.memory_space<vmem>>) target_semaphore(%arg14 : memref<!tpu.dma_semaphore, #tpu.memory_space<semaphore_mem>>)
      %mul3A_294 = arith.constant 128 : i32
      %mul3A_295 = arith.muli %add3A_281, %mul3A_294 : i32
      %add3A_296 = arith.addi %mul3A_10, %mul3A_295 : i32
      %dma_start3A_297 = arith.constant 0 : i32
      %dma_start3A_298 = arith.constant 0 : i32
      %dma_start3A_299 = tpu.memref_slice %arg9[%dma_start3A_297, %dma_start3A_298] : memref<1x128xi32, #tpu.memory_space<vmem>> -> memref<1x128xi32, #tpu.memory_space<vmem>>
      %dma_start3A_300 = tpu.memref_squeeze %dma_start3A_299 : memref<1x128xi32, #tpu.memory_space<vmem>> -> memref<128xi32, #tpu.memory_space<vmem>>
      %dma_start3A_301 = tpu.memref_slice %arg4[%add3A_296] : memref<327680xi32, #tpu.memory_space<hbm>> -> memref<128xi32, #tpu.memory_space<hbm>>
      %dma_start3A_302 = arith.constant 0 : i32
      %dma_start3A_303 = tpu.memref_slice %arg9[%dma_start3A_297, %dma_start3A_302] : memref<1x128xi32, #tpu.memory_space<vmem>> -> memref<1x128xi32, #tpu.memory_space<vmem>>
      %dma_start3A_304 = tpu.memref_squeeze %dma_start3A_303 : memref<1x128xi32, #tpu.memory_space<vmem>> -> memref<128xi32, #tpu.memory_space<vmem>>
      %dma_start3A_305 = tpu.memref_slice %arg4[%add3A_296] : memref<327680xi32, #tpu.memory_space<hbm>> -> memref<128xi32, #tpu.memory_space<hbm>>
      tpu.enqueue_dma source(%dma_start3A_305 : memref<128xi32, #tpu.memory_space<hbm>>) target(%dma_start3A_304 : memref<128xi32, #tpu.memory_space<vmem>>) target_semaphore(%arg14 : memref<!tpu.dma_semaphore, #tpu.memory_space<semaphore_mem>>)
      %dma_wait3A_306 = arith.constant 0 : i32
      %dma_wait3A_307 = arith.constant 0 : i32
      %dma_wait3A_308 = tpu.memref_slice %arg6[%dma_wait3A_306, %dma_wait3A_307] : memref<1x128xi32, #tpu.memory_space<vmem>> -> memref<1x128xi32, #tpu.memory_space<vmem>>
      %dma_wait3A_309 = tpu.memref_squeeze %dma_wait3A_308 : memref<1x128xi32, #tpu.memory_space<vmem>> -> memref<128xi32, #tpu.memory_space<vmem>>
      %dma_wait3A_310 = arith.constant 0 : i32
      %dma_wait3A_311 = tpu.memref_slice %arg3[%dma_wait3A_310] : memref<327680xi32, #tpu.memory_space<hbm>> -> memref<128xi32, #tpu.memory_space<hbm>>
      %dma_wait3A_312 = arith.constant 0 : i32
      %dma_wait3A_313 = tpu.memref_slice %arg6[%dma_wait3A_306, %dma_wait3A_312] : memref<1x128xi32, #tpu.memory_space<vmem>> -> memref<1x128xi32, #tpu.memory_space<vmem>>
      %dma_wait3A_314 = tpu.memref_squeeze %dma_wait3A_313 : memref<1x128xi32, #tpu.memory_space<vmem>> -> memref<128xi32, #tpu.memory_space<vmem>>
      %dma_wait3A_315 = arith.constant 0 : i32
      %dma_wait3A_316 = tpu.memref_slice %arg3[%dma_wait3A_315] : memref<327680xi32, #tpu.memory_space<hbm>> -> memref<128xi32, #tpu.memory_space<hbm>>
      tpu.wait_dma2 semaphore(%arg13 : memref<!tpu.dma_semaphore, #tpu.memory_space<semaphore_mem>>) src(%dma_wait3A_316 : memref<128xi32, #tpu.memory_space<hbm>>) dst(%dma_wait3A_314 : memref<128xi32, #tpu.memory_space<vmem>>)
      %dma_wait3A_317 = arith.constant 0 : i32
      %dma_wait3A_318 = arith.constant 0 : i32
      %dma_wait3A_319 = tpu.memref_slice %arg8[%dma_wait3A_317, %dma_wait3A_318] : memref<1x128xi32, #tpu.memory_space<vmem>> -> memref<1x128xi32, #tpu.memory_space<vmem>>
      %dma_wait3A_320 = tpu.memref_squeeze %dma_wait3A_319 : memref<1x128xi32, #tpu.memory_space<vmem>> -> memref<128xi32, #tpu.memory_space<vmem>>
      %dma_wait3A_321 = arith.constant 0 : i32
      %dma_wait3A_322 = tpu.memref_slice %arg3[%dma_wait3A_321] : memref<327680xi32, #tpu.memory_space<hbm>> -> memref<128xi32, #tpu.memory_space<hbm>>
      %dma_wait3A_323 = arith.constant 0 : i32
      %dma_wait3A_324 = tpu.memref_slice %arg8[%dma_wait3A_317, %dma_wait3A_323] : memref<1x128xi32, #tpu.memory_space<vmem>> -> memref<1x128xi32, #tpu.memory_space<vmem>>
      %dma_wait3A_325 = tpu.memref_squeeze %dma_wait3A_324 : memref<1x128xi32, #tpu.memory_space<vmem>> -> memref<128xi32, #tpu.memory_space<vmem>>
      %dma_wait3A_326 = arith.constant 0 : i32
      %dma_wait3A_327 = tpu.memref_slice %arg3[%dma_wait3A_326] : memref<327680xi32, #tpu.memory_space<hbm>> -> memref<128xi32, #tpu.memory_space<hbm>>
      tpu.wait_dma2 semaphore(%arg13 : memref<!tpu.dma_semaphore, #tpu.memory_space<semaphore_mem>>) src(%dma_wait3A_327 : memref<128xi32, #tpu.memory_space<hbm>>) dst(%dma_wait3A_325 : memref<128xi32, #tpu.memory_space<vmem>>)
      %dma_start3A_328 = arith.constant 0 : i32
      %dma_start3A_329 = arith.constant 0 : i32
      %dma_start3A_330 = tpu.memref_slice %arg6[%dma_start3A_328, %dma_start3A_329] : memref<1x128xi32, #tpu.memory_space<vmem>> -> memref<1x128xi32, #tpu.memory_space<vmem>>
      %dma_start3A_331 = tpu.memref_squeeze %dma_start3A_330 : memref<1x128xi32, #tpu.memory_space<vmem>> -> memref<128xi32, #tpu.memory_space<vmem>>
      %dma_start3A_332 = arith.constant 0 : i32
      %dma_start3A_333 = arith.constant 0 : i32
      %dma_start3A_334 = tpu.memref_slice %arg2[%dma_start3A_332, %dma_start3A_333] : memref<10240x128xf32, #tpu.memory_space<hbm>> -> memref<10240x128xf32, #tpu.memory_space<hbm>>
      tpu.enqueue_indirect_dma source(%dma_start3A_334 : memref<10240x128xf32, #tpu.memory_space<hbm>>) target(%arg10 : memref<128x128xf32, #tpu.memory_space<vmem>>) offsets(%dma_start3A_331 : memref<128xi32, #tpu.memory_space<vmem>>) semaphore(%arg15 : memref<!tpu.dma_semaphore, #tpu.memory_space<semaphore_mem>>)
      %dma_wait3A_335 = arith.constant 0 : i32
      %dma_wait3A_336 = arith.constant 0 : i32
      %dma_wait3A_337 = tpu.memref_slice %arg7[%dma_wait3A_335, %dma_wait3A_336] : memref<1x128xi32, #tpu.memory_space<vmem>> -> memref<1x128xi32, #tpu.memory_space<vmem>>
      %dma_wait3A_338 = tpu.memref_squeeze %dma_wait3A_337 : memref<1x128xi32, #tpu.memory_space<vmem>> -> memref<128xi32, #tpu.memory_space<vmem>>
      %dma_wait3A_339 = arith.constant 0 : i32
      %dma_wait3A_340 = tpu.memref_slice %arg3[%dma_wait3A_339] : memref<327680xi32, #tpu.memory_space<hbm>> -> memref<128xi32, #tpu.memory_space<hbm>>
      %dma_wait3A_341 = arith.constant 0 : i32
      %dma_wait3A_342 = tpu.memref_slice %arg7[%dma_wait3A_335, %dma_wait3A_341] : memref<1x128xi32, #tpu.memory_space<vmem>> -> memref<1x128xi32, #tpu.memory_space<vmem>>
      %dma_wait3A_343 = tpu.memref_squeeze %dma_wait3A_342 : memref<1x128xi32, #tpu.memory_space<vmem>> -> memref<128xi32, #tpu.memory_space<vmem>>
      %dma_wait3A_344 = arith.constant 0 : i32
      %dma_wait3A_345 = tpu.memref_slice %arg3[%dma_wait3A_344] : memref<327680xi32, #tpu.memory_space<hbm>> -> memref<128xi32, #tpu.memory_space<hbm>>
      tpu.wait_dma2 semaphore(%arg14 : memref<!tpu.dma_semaphore, #tpu.memory_space<semaphore_mem>>) src(%dma_wait3A_345 : memref<128xi32, #tpu.memory_space<hbm>>) dst(%dma_wait3A_343 : memref<128xi32, #tpu.memory_space<vmem>>)
      %dma_wait3A_346 = arith.constant 0 : i32
      %dma_wait3A_347 = arith.constant 0 : i32
      %dma_wait3A_348 = tpu.memref_slice %arg9[%dma_wait3A_346, %dma_wait3A_347] : memref<1x128xi32, #tpu.memory_space<vmem>> -> memref<1x128xi32, #tpu.memory_space<vmem>>
      %dma_wait3A_349 = tpu.memref_squeeze %dma_wait3A_348 : memref<1x128xi32, #tpu.memory_space<vmem>> -> memref<128xi32, #tpu.memory_space<vmem>>
      %dma_wait3A_350 = arith.constant 0 : i32
      %dma_wait3A_351 = tpu.memref_slice %arg3[%dma_wait3A_350] : memref<327680xi32, #tpu.memory_space<hbm>> -> memref<128xi32, #tpu.memory_space<hbm>>
      %dma_wait3A_352 = arith.constant 0 : i32
      %dma_wait3A_353 = tpu.memref_slice %arg9[%dma_wait3A_346, %dma_wait3A_352] : memref<1x128xi32, #tpu.memory_space<vmem>> -> memref<1x128xi32, #tpu.memory_space<vmem>>
      %dma_wait3A_354 = tpu.memref_squeeze %dma_wait3A_353 : memref<1x128xi32, #tpu.memory_space<vmem>> -> memref<128xi32, #tpu.memory_space<vmem>>
      %dma_wait3A_355 = arith.constant 0 : i32
      %dma_wait3A_356 = tpu.memref_slice %arg3[%dma_wait3A_355] : memref<327680xi32, #tpu.memory_space<hbm>> -> memref<128xi32, #tpu.memory_space<hbm>>
      tpu.wait_dma2 semaphore(%arg14 : memref<!tpu.dma_semaphore, #tpu.memory_space<semaphore_mem>>) src(%dma_wait3A_356 : memref<128xi32, #tpu.memory_space<hbm>>) dst(%dma_wait3A_354 : memref<128xi32, #tpu.memory_space<vmem>>)
      %dma_start3A_357 = arith.constant 0 : i32
      %dma_start3A_358 = arith.constant 0 : i32
      %dma_start3A_359 = tpu.memref_slice %arg7[%dma_start3A_357, %dma_start3A_358] : memref<1x128xi32, #tpu.memory_space<vmem>> -> memref<1x128xi32, #tpu.memory_space<vmem>>
      %dma_start3A_360 = tpu.memref_squeeze %dma_start3A_359 : memref<1x128xi32, #tpu.memory_space<vmem>> -> memref<128xi32, #tpu.memory_space<vmem>>
      %dma_start3A_361 = arith.constant 0 : i32
      %dma_start3A_362 = arith.constant 0 : i32
      %dma_start3A_363 = tpu.memref_slice %arg2[%dma_start3A_361, %dma_start3A_362] : memref<10240x128xf32, #tpu.memory_space<hbm>> -> memref<10240x128xf32, #tpu.memory_space<hbm>>
      tpu.enqueue_indirect_dma source(%dma_start3A_363 : memref<10240x128xf32, #tpu.memory_space<hbm>>) target(%arg11 : memref<128x128xf32, #tpu.memory_space<vmem>>) offsets(%dma_start3A_360 : memref<128xi32, #tpu.memory_space<vmem>>) semaphore(%arg16 : memref<!tpu.dma_semaphore, #tpu.memory_space<semaphore_mem>>)
    }
    %dma_wait3A_166 = arith.constant 0 : i32
    %dma_wait3A_167 = arith.constant 0 : i32
    %dma_wait3A_168 = tpu.memref_slice %arg6[%dma_wait3A_166, %dma_wait3A_167] : memref<1x128xi32, #tpu.memory_space<vmem>> -> memref<1x128xi32, #tpu.memory_space<vmem>>
    %dma_wait3A_169 = tpu.memref_squeeze %dma_wait3A_168 : memref<1x128xi32, #tpu.memory_space<vmem>> -> memref<128xi32, #tpu.memory_space<vmem>>
    %dma_wait3A_170 = arith.constant 0 : i32
    %dma_wait3A_171 = arith.constant 0 : i32
    %dma_wait3A_172 = tpu.memref_slice %arg2[%dma_wait3A_170, %dma_wait3A_171] : memref<10240x128xf32, #tpu.memory_space<hbm>> -> memref<10240x128xf32, #tpu.memory_space<hbm>>
    tpu.wait_indirect_dma semaphore(%arg15 : memref<!tpu.dma_semaphore, #tpu.memory_space<semaphore_mem>>) src(%dma_wait3A_172 : memref<10240x128xf32, #tpu.memory_space<hbm>>) dst(%arg10 : memref<128x128xf32, #tpu.memory_space<vmem>>)
    %dma_start3A_173 = arith.constant 0 : i32
    %dma_start3A_174 = arith.constant 0 : i32
    %dma_start3A_175 = tpu.memref_slice %arg8[%dma_start3A_173, %dma_start3A_174] : memref<1x128xi32, #tpu.memory_space<vmem>> -> memref<1x128xi32, #tpu.memory_space<vmem>>
    %dma_start3A_176 = tpu.memref_squeeze %dma_start3A_175 : memref<1x128xi32, #tpu.memory_space<vmem>> -> memref<128xi32, #tpu.memory_space<vmem>>
    %dma_start3A_177 = arith.constant 0 : i32
    %dma_start3A_178 = arith.constant 0 : i32
    %dma_start3A_179 = tpu.memref_slice %arg12[%dma_start3A_177, %dma_start3A_178] : memref<10240x128xf32, #tpu.memory_space<vmem_shared>> -> memref<10240x128xf32, #tpu.memory_space<vmem_shared>>
    tpu.enqueue_indirect_dma source(%arg10 : memref<128x128xf32, #tpu.memory_space<vmem>>) target(%dma_start3A_179 : memref<10240x128xf32, #tpu.memory_space<vmem_shared>>) offsets(%dma_start3A_176 : memref<128xi32, #tpu.memory_space<vmem>>) semaphore(%arg17 : memref<!tpu.dma_semaphore, #tpu.memory_space<semaphore_mem>>) {add = true}
    %dma_wait3A_180 = arith.constant 0 : i32
    %dma_wait3A_181 = arith.constant 0 : i32
    %dma_wait3A_182 = tpu.memref_slice %arg7[%dma_wait3A_180, %dma_wait3A_181] : memref<1x128xi32, #tpu.memory_space<vmem>> -> memref<1x128xi32, #tpu.memory_space<vmem>>
    %dma_wait3A_183 = tpu.memref_squeeze %dma_wait3A_182 : memref<1x128xi32, #tpu.memory_space<vmem>> -> memref<128xi32, #tpu.memory_space<vmem>>
    %dma_wait3A_184 = arith.constant 0 : i32
    %dma_wait3A_185 = arith.constant 0 : i32
    %dma_wait3A_186 = tpu.memref_slice %arg2[%dma_wait3A_184, %dma_wait3A_185] : memref<10240x128xf32, #tpu.memory_space<hbm>> -> memref<10240x128xf32, #tpu.memory_space<hbm>>
    tpu.wait_indirect_dma semaphore(%arg16 : memref<!tpu.dma_semaphore, #tpu.memory_space<semaphore_mem>>) src(%dma_wait3A_186 : memref<10240x128xf32, #tpu.memory_space<hbm>>) dst(%arg11 : memref<128x128xf32, #tpu.memory_space<vmem>>)
    %dma_start3A_187 = arith.constant 0 : i32
    %dma_start3A_188 = arith.constant 0 : i32
    %dma_start3A_189 = tpu.memref_slice %arg9[%dma_start3A_187, %dma_start3A_188] : memref<1x128xi32, #tpu.memory_space<vmem>> -> memref<1x128xi32, #tpu.memory_space<vmem>>
    %dma_start3A_190 = tpu.memref_squeeze %dma_start3A_189 : memref<1x128xi32, #tpu.memory_space<vmem>> -> memref<128xi32, #tpu.memory_space<vmem>>
    %dma_start3A_191 = arith.constant 0 : i32
    %dma_start3A_192 = arith.constant 0 : i32
    %dma_start3A_193 = tpu.memref_slice %arg12[%dma_start3A_191, %dma_start3A_192] : memref<10240x128xf32, #tpu.memory_space<vmem_shared>> -> memref<10240x128xf32, #tpu.memory_space<vmem_shared>>
    tpu.enqueue_indirect_dma source(%arg11 : memref<128x128xf32, #tpu.memory_space<vmem>>) target(%dma_start3A_193 : memref<10240x128xf32, #tpu.memory_space<vmem_shared>>) offsets(%dma_start3A_190 : memref<128xi32, #tpu.memory_space<vmem>>) semaphore(%arg18 : memref<!tpu.dma_semaphore, #tpu.memory_space<semaphore_mem>>) {add = true}
    %dma_wait3A_194 = arith.constant 0 : i32
    %dma_wait3A_195 = arith.constant 0 : i32
    %dma_wait3A_196 = tpu.memref_slice %arg12[%dma_wait3A_194, %dma_wait3A_195] : memref<10240x128xf32, #tpu.memory_space<vmem_shared>> -> memref<128x128xf32, #tpu.memory_space<vmem_shared>>
    %dma_wait3A_197 = arith.constant 0 : i32
    %dma_wait3A_198 = arith.constant 0 : i32
    %dma_wait3A_199 = tpu.memref_slice %arg12[%dma_wait3A_197, %dma_wait3A_198] : memref<10240x128xf32, #tpu.memory_space<vmem_shared>> -> memref<128x128xf32, #tpu.memory_space<vmem_shared>>
    tpu.wait_dma2 semaphore(%arg17 : memref<!tpu.dma_semaphore, #tpu.memory_space<semaphore_mem>>) src(%arg10 : memref<128x128xf32, #tpu.memory_space<vmem>>) dst(%dma_wait3A_199 : memref<128x128xf32, #tpu.memory_space<vmem_shared>>)
    %dma_wait3A_200 = arith.constant 0 : i32
    %dma_wait3A_201 = arith.constant 0 : i32
    %dma_wait3A_202 = tpu.memref_slice %arg12[%dma_wait3A_200, %dma_wait3A_201] : memref<10240x128xf32, #tpu.memory_space<vmem_shared>> -> memref<128x128xf32, #tpu.memory_space<vmem_shared>>
    %dma_wait3A_203 = arith.constant 0 : i32
    %dma_wait3A_204 = arith.constant 0 : i32
    %dma_wait3A_205 = tpu.memref_slice %arg12[%dma_wait3A_203, %dma_wait3A_204] : memref<10240x128xf32, #tpu.memory_space<vmem_shared>> -> memref<128x128xf32, #tpu.memory_space<vmem_shared>>
    tpu.wait_dma2 semaphore(%arg18 : memref<!tpu.dma_semaphore, #tpu.memory_space<semaphore_mem>>) src(%arg11 : memref<128x128xf32, #tpu.memory_space<vmem>>) dst(%dma_wait3A_205 : memref<128x128xf32, #tpu.memory_space<vmem_shared>>)
    %barrier3A_206 = arith.constant 0 : index
    tpu.barrier barrier_id(%barrier3A_206)
    %mul3A_207 = arith.constant 640 : i32
    %mul3A_208 = arith.muli %arg1, %mul3A_207 : i32
    %mul3A_209 = arith.constant 640 : i32
    %mul3A_210 = arith.muli %arg1, %mul3A_209 : i32
    "tpu.region"() ({
      %run_scoped3A = tpu.sem_alloc : memref<!tpu.dma_semaphore, #tpu.memory_space<semaphore_mem>>
      %dma_start3A_211 = arith.constant 0 : i32
      %dma_start3A_212 = tpu.memref_slice %arg5[%arg0, %mul3A_210, %dma_start3A_211] : memref<2x10240x128xf32, #tpu.memory_space<hbm>> -> memref<1x640x128xf32, #tpu.memory_space<hbm>>
      %dma_start3A_213 = tpu.memref_squeeze %dma_start3A_212 : memref<1x640x128xf32, #tpu.memory_space<hbm>> -> memref<640x128xf32, #tpu.memory_space<hbm>>
      %dma_start3A_214 = arith.constant 0 : i32
      %dma_start3A_215 = tpu.memref_slice %arg12[%mul3A_208, %dma_start3A_214] : memref<10240x128xf32, #tpu.memory_space<vmem_shared>> -> memref<640x128xf32, #tpu.memory_space<vmem_shared>>
      tpu.enqueue_dma source(%dma_start3A_215 : memref<640x128xf32, #tpu.memory_space<vmem_shared>>) target(%dma_start3A_213 : memref<640x128xf32, #tpu.memory_space<hbm>>) target_semaphore(%run_scoped3A : memref<!tpu.dma_semaphore, #tpu.memory_space<semaphore_mem>>)
      %dma_wait3A_216 = arith.constant 0 : i32
      %dma_wait3A_217 = tpu.memref_slice %arg5[%arg0, %mul3A_210, %dma_wait3A_216] : memref<2x10240x128xf32, #tpu.memory_space<hbm>> -> memref<1x640x128xf32, #tpu.memory_space<hbm>>
      %dma_wait3A_218 = tpu.memref_squeeze %dma_wait3A_217 : memref<1x640x128xf32, #tpu.memory_space<hbm>> -> memref<640x128xf32, #tpu.memory_space<hbm>>
      %dma_wait3A_219 = arith.constant 0 : i32
      %dma_wait3A_220 = tpu.memref_slice %arg12[%mul3A_208, %dma_wait3A_219] : memref<10240x128xf32, #tpu.memory_space<vmem_shared>> -> memref<640x128xf32, #tpu.memory_space<vmem_shared>>
      tpu.wait_dma2 semaphore(%run_scoped3A : memref<!tpu.dma_semaphore, #tpu.memory_space<semaphore_mem>>) src(%dma_wait3A_220 : memref<640x128xf32, #tpu.memory_space<vmem_shared>>) dst(%dma_wait3A_218 : memref<640x128xf32, #tpu.memory_space<hbm>>)
      tpu.yield
    }) : () -> ()
    return
  }
}

#map = affine_map<(d0, d1) -> (0, 0, 0)>
module attributes {stable_mosaic.version = 14 : i64} {
  func.func @deg_kernel(%arg0: i32, %arg1: i32, %arg2: memref<32x80x128xi32, #tpu.memory_space<hbm>>, %arg3: memref<2x10240x128xf32, #tpu.memory_space<hbm>>, %arg4: memref<82x128xi32, #tpu.memory_space<vmem>>, %arg5: memref<128x128xf32, #tpu.memory_space<vmem>>, %arg6: memref<10240x128xf32, #tpu.memory_space<vmem_shared>>, %arg7: memref<!tpu.dma_semaphore, #tpu.memory_space<semaphore_mem>>, %arg8: memref<!tpu.dma_semaphore, #tpu.memory_space<semaphore_mem>>) attributes {dimension_semantics = [#tpu.dimension_semantics<core_parallel>, #tpu.dimension_semantics<subcore_parallel>], iteration_bounds = array<i64: 2, 16>, scalar_prefetch = 0 : i64, scratch_operands = 5 : i64, tpu.core_type = #tpu.core_type<sc_vector_subcore>, window_params = [{transform_indices = #map}, {transform_indices = #map}]} {
    %mul3A = arith.constant 2 : i32
    %mul3A_0 = arith.muli %arg1, %mul3A : i32
    %add3A = arith.addi %mul3A_0, %arg0 : i32
    %broadcast_in_dim3A = arith.constant 0.000000e+00 : f32
    %broadcast_in_dim3A_1 = vector.broadcast %broadcast_in_dim3A : f32 to vector<16xf32>
    %scan3A = arith.constant 0 : i32
    %scan3A_2 = arith.constant 0 : i32
    %scan3A_3 = arith.constant 128 : i32
    %scan3A_4 = arith.addi %scan3A_2, %scan3A_3 : i32
    %scan3A_5 = arith.constant 1 : i32
    scf.for %scan3A_167 = %scan3A_2 to %scan3A_4 step %scan3A_5  : i32 {
      %swap3A_168 = arith.index_cast %scan3A_167 : i32 to index
      %swap3A_169 = arith.constant 0 : index
      %swap3A_170 = tpu.vector_load %arg5[%swap3A_168, %swap3A_169] {strides = array<i32>} : memref<128x128xf32, #tpu.memory_space<vmem>>, vector<1x16xf32>,
      %swap3A_171 = vector.shape_cast %swap3A_170 : vector<1x16xf32> to vector<16xf32>
      %swap3A_172 = vector.shape_cast %broadcast_in_dim3A_1 : vector<16xf32> to vector<1x16xf32>
      tpu.vector_store %arg5[%swap3A_168, %swap3A_169], %swap3A_172 {strides = array<i32>} : memref<128x128xf32, #tpu.memory_space<vmem>>, vector<1x16xf32>,
      %swap3A_173 = arith.index_cast %scan3A_167 : i32 to index
      %swap3A_174 = arith.constant 16 : index
      %swap3A_175 = tpu.vector_load %arg5[%swap3A_173, %swap3A_174] {strides = array<i32>} : memref<128x128xf32, #tpu.memory_space<vmem>>, vector<1x16xf32>,
      %swap3A_176 = vector.shape_cast %swap3A_175 : vector<1x16xf32> to vector<16xf32>
      %swap3A_177 = vector.shape_cast %broadcast_in_dim3A_1 : vector<16xf32> to vector<1x16xf32>
      tpu.vector_store %arg5[%swap3A_173, %swap3A_174], %swap3A_177 {strides = array<i32>} : memref<128x128xf32, #tpu.memory_space<vmem>>, vector<1x16xf32>,
      %swap3A_178 = arith.index_cast %scan3A_167 : i32 to index
      %swap3A_179 = arith.constant 32 : index
      %swap3A_180 = tpu.vector_load %arg5[%swap3A_178, %swap3A_179] {strides = array<i32>} : memref<128x128xf32, #tpu.memory_space<vmem>>, vector<1x16xf32>,
      %swap3A_181 = vector.shape_cast %swap3A_180 : vector<1x16xf32> to vector<16xf32>
      %swap3A_182 = vector.shape_cast %broadcast_in_dim3A_1 : vector<16xf32> to vector<1x16xf32>
      tpu.vector_store %arg5[%swap3A_178, %swap3A_179], %swap3A_182 {strides = array<i32>} : memref<128x128xf32, #tpu.memory_space<vmem>>, vector<1x16xf32>,
      %swap3A_183 = arith.index_cast %scan3A_167 : i32 to index
      %swap3A_184 = arith.constant 48 : index
      %swap3A_185 = tpu.vector_load %arg5[%swap3A_183, %swap3A_184] {strides = array<i32>} : memref<128x128xf32, #tpu.memory_space<vmem>>, vector<1x16xf32>,
      %swap3A_186 = vector.shape_cast %swap3A_185 : vector<1x16xf32> to vector<16xf32>
      %swap3A_187 = vector.shape_cast %broadcast_in_dim3A_1 : vector<16xf32> to vector<1x16xf32>
      tpu.vector_store %arg5[%swap3A_183, %swap3A_184], %swap3A_187 {strides = array<i32>} : memref<128x128xf32, #tpu.memory_space<vmem>>, vector<1x16xf32>,
      %swap3A_188 = arith.index_cast %scan3A_167 : i32 to index
      %swap3A_189 = arith.constant 64 : index
      %swap3A_190 = tpu.vector_load %arg5[%swap3A_188, %swap3A_189] {strides = array<i32>} : memref<128x128xf32, #tpu.memory_space<vmem>>, vector<1x16xf32>,
      %swap3A_191 = vector.shape_cast %swap3A_190 : vector<1x16xf32> to vector<16xf32>
      %swap3A_192 = vector.shape_cast %broadcast_in_dim3A_1 : vector<16xf32> to vector<1x16xf32>
      tpu.vector_store %arg5[%swap3A_188, %swap3A_189], %swap3A_192 {strides = array<i32>} : memref<128x128xf32, #tpu.memory_space<vmem>>, vector<1x16xf32>,
      %swap3A_193 = arith.index_cast %scan3A_167 : i32 to index
      %swap3A_194 = arith.constant 80 : index
      %swap3A_195 = tpu.vector_load %arg5[%swap3A_193, %swap3A_194] {strides = array<i32>} : memref<128x128xf32, #tpu.memory_space<vmem>>, vector<1x16xf32>,
      %swap3A_196 = vector.shape_cast %swap3A_195 : vector<1x16xf32> to vector<16xf32>
      %swap3A_197 = vector.shape_cast %broadcast_in_dim3A_1 : vector<16xf32> to vector<1x16xf32>
      tpu.vector_store %arg5[%swap3A_193, %swap3A_194], %swap3A_197 {strides = array<i32>} : memref<128x128xf32, #tpu.memory_space<vmem>>, vector<1x16xf32>,
      %swap3A_198 = arith.index_cast %scan3A_167 : i32 to index
      %swap3A_199 = arith.constant 96 : index
      %swap3A_200 = tpu.vector_load %arg5[%swap3A_198, %swap3A_199] {strides = array<i32>} : memref<128x128xf32, #tpu.memory_space<vmem>>, vector<1x16xf32>,
      %swap3A_201 = vector.shape_cast %swap3A_200 : vector<1x16xf32> to vector<16xf32>
      %swap3A_202 = vector.shape_cast %broadcast_in_dim3A_1 : vector<16xf32> to vector<1x16xf32>
      tpu.vector_store %arg5[%swap3A_198, %swap3A_199], %swap3A_202 {strides = array<i32>} : memref<128x128xf32, #tpu.memory_space<vmem>>, vector<1x16xf32>,
      %swap3A_203 = arith.index_cast %scan3A_167 : i32 to index
      %swap3A_204 = arith.constant 112 : index
      %swap3A_205 = tpu.vector_load %arg5[%swap3A_203, %swap3A_204] {strides = array<i32>} : memref<128x128xf32, #tpu.memory_space<vmem>>, vector<1x16xf32>,
      %swap3A_206 = vector.shape_cast %swap3A_205 : vector<1x16xf32> to vector<16xf32>
      %swap3A_207 = vector.shape_cast %broadcast_in_dim3A_1 : vector<16xf32> to vector<1x16xf32>
      tpu.vector_store %arg5[%swap3A_203, %swap3A_204], %swap3A_207 {strides = array<i32>} : memref<128x128xf32, #tpu.memory_space<vmem>>, vector<1x16xf32>,
    }
    %scan3A_6 = arith.constant 128 : i32
    %mul3A_7 = arith.constant 640 : i32
    %mul3A_8 = arith.muli %arg1, %mul3A_7 : i32
    %add3A_9 = arith.constant 0 : i32
    %add3A_10 = arith.addi %mul3A_8, %add3A_9 : i32
    "tpu.region"() ({
      %run_scoped3A = tpu.sem_alloc : memref<!tpu.dma_semaphore, #tpu.memory_space<semaphore_mem>>
      %dma_start3A_167 = arith.constant 0 : i32
      %dma_start3A_168 = tpu.memref_slice %arg6[%add3A_10, %dma_start3A_167] : memref<10240x128xf32, #tpu.memory_space<vmem_shared>> -> memref<128x128xf32, #tpu.memory_space<vmem_shared>>
      %dma_start3A_169 = arith.constant 0 : i32
      %dma_start3A_170 = tpu.memref_slice %arg6[%add3A_10, %dma_start3A_169] : memref<10240x128xf32, #tpu.memory_space<vmem_shared>> -> memref<128x128xf32, #tpu.memory_space<vmem_shared>>
      tpu.enqueue_dma source(%arg5 : memref<128x128xf32, #tpu.memory_space<vmem>>) target(%dma_start3A_170 : memref<128x128xf32, #tpu.memory_space<vmem_shared>>) target_semaphore(%run_scoped3A : memref<!tpu.dma_semaphore, #tpu.memory_space<semaphore_mem>>)
      %dma_wait3A_171 = arith.constant 0 : i32
      %dma_wait3A_172 = tpu.memref_slice %arg6[%add3A_10, %dma_wait3A_171] : memref<10240x128xf32, #tpu.memory_space<vmem_shared>> -> memref<128x128xf32, #tpu.memory_space<vmem_shared>>
      %dma_wait3A_173 = arith.constant 0 : i32
      %dma_wait3A_174 = tpu.memref_slice %arg6[%add3A_10, %dma_wait3A_173] : memref<10240x128xf32, #tpu.memory_space<vmem_shared>> -> memref<128x128xf32, #tpu.memory_space<vmem_shared>>
      tpu.wait_dma2 semaphore(%run_scoped3A : memref<!tpu.dma_semaphore, #tpu.memory_space<semaphore_mem>>) src(%arg5 : memref<128x128xf32, #tpu.memory_space<vmem>>) dst(%dma_wait3A_174 : memref<128x128xf32, #tpu.memory_space<vmem_shared>>)
      tpu.yield
    }) : () -> ()
    %mul3A_11 = arith.constant 640 : i32
    %mul3A_12 = arith.muli %arg1, %mul3A_11 : i32
    %add3A_13 = arith.constant 128 : i32
    %add3A_14 = arith.addi %mul3A_12, %add3A_13 : i32
    "tpu.region"() ({
      %run_scoped3A = tpu.sem_alloc : memref<!tpu.dma_semaphore, #tpu.memory_space<semaphore_mem>>
      %dma_start3A_167 = arith.constant 0 : i32
      %dma_start3A_168 = tpu.memref_slice %arg6[%add3A_14, %dma_start3A_167] : memref<10240x128xf32, #tpu.memory_space<vmem_shared>> -> memref<128x128xf32, #tpu.memory_space<vmem_shared>>
      %dma_start3A_169 = arith.constant 0 : i32
      %dma_start3A_170 = tpu.memref_slice %arg6[%add3A_14, %dma_start3A_169] : memref<10240x128xf32, #tpu.memory_space<vmem_shared>> -> memref<128x128xf32, #tpu.memory_space<vmem_shared>>
      tpu.enqueue_dma source(%arg5 : memref<128x128xf32, #tpu.memory_space<vmem>>) target(%dma_start3A_170 : memref<128x128xf32, #tpu.memory_space<vmem_shared>>) target_semaphore(%run_scoped3A : memref<!tpu.dma_semaphore, #tpu.memory_space<semaphore_mem>>)
      %dma_wait3A_171 = arith.constant 0 : i32
      %dma_wait3A_172 = tpu.memref_slice %arg6[%add3A_14, %dma_wait3A_171] : memref<10240x128xf32, #tpu.memory_space<vmem_shared>> -> memref<128x128xf32, #tpu.memory_space<vmem_shared>>
      %dma_wait3A_173 = arith.constant 0 : i32
      %dma_wait3A_174 = tpu.memref_slice %arg6[%add3A_14, %dma_wait3A_173] : memref<10240x128xf32, #tpu.memory_space<vmem_shared>> -> memref<128x128xf32, #tpu.memory_space<vmem_shared>>
      tpu.wait_dma2 semaphore(%run_scoped3A : memref<!tpu.dma_semaphore, #tpu.memory_space<semaphore_mem>>) src(%arg5 : memref<128x128xf32, #tpu.memory_space<vmem>>) dst(%dma_wait3A_174 : memref<128x128xf32, #tpu.memory_space<vmem_shared>>)
      tpu.yield
    }) : () -> ()
    %mul3A_15 = arith.constant 640 : i32
    %mul3A_16 = arith.muli %arg1, %mul3A_15 : i32
    %add3A_17 = arith.constant 256 : i32
    %add3A_18 = arith.addi %mul3A_16, %add3A_17 : i32
    "tpu.region"() ({
      %run_scoped3A = tpu.sem_alloc : memref<!tpu.dma_semaphore, #tpu.memory_space<semaphore_mem>>
      %dma_start3A_167 = arith.constant 0 : i32
      %dma_start3A_168 = tpu.memref_slice %arg6[%add3A_18, %dma_start3A_167] : memref<10240x128xf32, #tpu.memory_space<vmem_shared>> -> memref<128x128xf32, #tpu.memory_space<vmem_shared>>
      %dma_start3A_169 = arith.constant 0 : i32
      %dma_start3A_170 = tpu.memref_slice %arg6[%add3A_18, %dma_start3A_169] : memref<10240x128xf32, #tpu.memory_space<vmem_shared>> -> memref<128x128xf32, #tpu.memory_space<vmem_shared>>
      tpu.enqueue_dma source(%arg5 : memref<128x128xf32, #tpu.memory_space<vmem>>) target(%dma_start3A_170 : memref<128x128xf32, #tpu.memory_space<vmem_shared>>) target_semaphore(%run_scoped3A : memref<!tpu.dma_semaphore, #tpu.memory_space<semaphore_mem>>)
      %dma_wait3A_171 = arith.constant 0 : i32
      %dma_wait3A_172 = tpu.memref_slice %arg6[%add3A_18, %dma_wait3A_171] : memref<10240x128xf32, #tpu.memory_space<vmem_shared>> -> memref<128x128xf32, #tpu.memory_space<vmem_shared>>
      %dma_wait3A_173 = arith.constant 0 : i32
      %dma_wait3A_174 = tpu.memref_slice %arg6[%add3A_18, %dma_wait3A_173] : memref<10240x128xf32, #tpu.memory_space<vmem_shared>> -> memref<128x128xf32, #tpu.memory_space<vmem_shared>>
      tpu.wait_dma2 semaphore(%run_scoped3A : memref<!tpu.dma_semaphore, #tpu.memory_space<semaphore_mem>>) src(%arg5 : memref<128x128xf32, #tpu.memory_space<vmem>>) dst(%dma_wait3A_174 : memref<128x128xf32, #tpu.memory_space<vmem_shared>>)
      tpu.yield
    }) : () -> ()
    %mul3A_19 = arith.constant 640 : i32
    %mul3A_20 = arith.muli %arg1, %mul3A_19 : i32
    %add3A_21 = arith.constant 384 : i32
    %add3A_22 = arith.addi %mul3A_20, %add3A_21 : i32
    "tpu.region"() ({
      %run_scoped3A = tpu.sem_alloc : memref<!tpu.dma_semaphore, #tpu.memory_space<semaphore_mem>>
      %dma_start3A_167 = arith.constant 0 : i32
      %dma_start3A_168 = tpu.memref_slice %arg6[%add3A_22, %dma_start3A_167] : memref<10240x128xf32, #tpu.memory_space<vmem_shared>> -> memref<128x128xf32, #tpu.memory_space<vmem_shared>>
      %dma_start3A_169 = arith.constant 0 : i32
      %dma_start3A_170 = tpu.memref_slice %arg6[%add3A_22, %dma_start3A_169] : memref<10240x128xf32, #tpu.memory_space<vmem_shared>> -> memref<128x128xf32, #tpu.memory_space<vmem_shared>>
      tpu.enqueue_dma source(%arg5 : memref<128x128xf32, #tpu.memory_space<vmem>>) target(%dma_start3A_170 : memref<128x128xf32, #tpu.memory_space<vmem_shared>>) target_semaphore(%run_scoped3A : memref<!tpu.dma_semaphore, #tpu.memory_space<semaphore_mem>>)
      %dma_wait3A_171 = arith.constant 0 : i32
      %dma_wait3A_172 = tpu.memref_slice %arg6[%add3A_22, %dma_wait3A_171] : memref<10240x128xf32, #tpu.memory_space<vmem_shared>> -> memref<128x128xf32, #tpu.memory_space<vmem_shared>>
      %dma_wait3A_173 = arith.constant 0 : i32
      %dma_wait3A_174 = tpu.memref_slice %arg6[%add3A_22, %dma_wait3A_173] : memref<10240x128xf32, #tpu.memory_space<vmem_shared>> -> memref<128x128xf32, #tpu.memory_space<vmem_shared>>
      tpu.wait_dma2 semaphore(%run_scoped3A : memref<!tpu.dma_semaphore, #tpu.memory_space<semaphore_mem>>) src(%arg5 : memref<128x128xf32, #tpu.memory_space<vmem>>) dst(%dma_wait3A_174 : memref<128x128xf32, #tpu.memory_space<vmem_shared>>)
      tpu.yield
    }) : () -> ()
    %mul3A_23 = arith.constant 640 : i32
    %mul3A_24 = arith.muli %arg1, %mul3A_23 : i32
    %add3A_25 = arith.constant 512 : i32
    %add3A_26 = arith.addi %mul3A_24, %add3A_25 : i32
    "tpu.region"() ({
      %run_scoped3A = tpu.sem_alloc : memref<!tpu.dma_semaphore, #tpu.memory_space<semaphore_mem>>
      %dma_start3A_167 = arith.constant 0 : i32
      %dma_start3A_168 = tpu.memref_slice %arg6[%add3A_26, %dma_start3A_167] : memref<10240x128xf32, #tpu.memory_space<vmem_shared>> -> memref<128x128xf32, #tpu.memory_space<vmem_shared>>
      %dma_start3A_169 = arith.constant 0 : i32
      %dma_start3A_170 = tpu.memref_slice %arg6[%add3A_26, %dma_start3A_169] : memref<10240x128xf32, #tpu.memory_space<vmem_shared>> -> memref<128x128xf32, #tpu.memory_space<vmem_shared>>
      tpu.enqueue_dma source(%arg5 : memref<128x128xf32, #tpu.memory_space<vmem>>) target(%dma_start3A_170 : memref<128x128xf32, #tpu.memory_space<vmem_shared>>) target_semaphore(%run_scoped3A : memref<!tpu.dma_semaphore, #tpu.memory_space<semaphore_mem>>)
      %dma_wait3A_171 = arith.constant 0 : i32
      %dma_wait3A_172 = tpu.memref_slice %arg6[%add3A_26, %dma_wait3A_171] : memref<10240x128xf32, #tpu.memory_space<vmem_shared>> -> memref<128x128xf32, #tpu.memory_space<vmem_shared>>
      %dma_wait3A_173 = arith.constant 0 : i32
      %dma_wait3A_174 = tpu.memref_slice %arg6[%add3A_26, %dma_wait3A_173] : memref<10240x128xf32, #tpu.memory_space<vmem_shared>> -> memref<128x128xf32, #tpu.memory_space<vmem_shared>>
      tpu.wait_dma2 semaphore(%run_scoped3A : memref<!tpu.dma_semaphore, #tpu.memory_space<semaphore_mem>>) src(%arg5 : memref<128x128xf32, #tpu.memory_space<vmem>>) dst(%dma_wait3A_174 : memref<128x128xf32, #tpu.memory_space<vmem_shared>>)
      tpu.yield
    }) : () -> ()
    %broadcast_in_dim3A_27 = arith.constant 1.000000e+00 : f32
    %broadcast_in_dim3A_28 = vector.broadcast %broadcast_in_dim3A_27 : f32 to vector<16xf32>
    %scan3A_29 = arith.constant 0 : i32
    %scan3A_30 = arith.constant 0 : i32
    %scan3A_31 = arith.constant 128 : i32
    %scan3A_32 = arith.addi %scan3A_30, %scan3A_31 : i32
    %scan3A_33 = arith.constant 1 : i32
    scf.for %scan3A_167 = %scan3A_30 to %scan3A_32 step %scan3A_33  : i32 {
      %swap3A_168 = arith.index_cast %scan3A_167 : i32 to index
      %swap3A_169 = arith.constant 0 : index
      %swap3A_170 = tpu.vector_load %arg5[%swap3A_168, %swap3A_169] {strides = array<i32>} : memref<128x128xf32, #tpu.memory_space<vmem>>, vector<1x16xf32>,
      %swap3A_171 = vector.shape_cast %swap3A_170 : vector<1x16xf32> to vector<16xf32>
      %swap3A_172 = vector.shape_cast %broadcast_in_dim3A_28 : vector<16xf32> to vector<1x16xf32>
      tpu.vector_store %arg5[%swap3A_168, %swap3A_169], %swap3A_172 {strides = array<i32>} : memref<128x128xf32, #tpu.memory_space<vmem>>, vector<1x16xf32>,
      %swap3A_173 = arith.index_cast %scan3A_167 : i32 to index
      %swap3A_174 = arith.constant 16 : index
      %swap3A_175 = tpu.vector_load %arg5[%swap3A_173, %swap3A_174] {strides = array<i32>} : memref<128x128xf32, #tpu.memory_space<vmem>>, vector<1x16xf32>,
      %swap3A_176 = vector.shape_cast %swap3A_175 : vector<1x16xf32> to vector<16xf32>
      %swap3A_177 = vector.shape_cast %broadcast_in_dim3A_28 : vector<16xf32> to vector<1x16xf32>
      tpu.vector_store %arg5[%swap3A_173, %swap3A_174], %swap3A_177 {strides = array<i32>} : memref<128x128xf32, #tpu.memory_space<vmem>>, vector<1x16xf32>,
      %swap3A_178 = arith.index_cast %scan3A_167 : i32 to index
      %swap3A_179 = arith.constant 32 : index
      %swap3A_180 = tpu.vector_load %arg5[%swap3A_178, %swap3A_179] {strides = array<i32>} : memref<128x128xf32, #tpu.memory_space<vmem>>, vector<1x16xf32>,
      %swap3A_181 = vector.shape_cast %swap3A_180 : vector<1x16xf32> to vector<16xf32>
      %swap3A_182 = vector.shape_cast %broadcast_in_dim3A_28 : vector<16xf32> to vector<1x16xf32>
      tpu.vector_store %arg5[%swap3A_178, %swap3A_179], %swap3A_182 {strides = array<i32>} : memref<128x128xf32, #tpu.memory_space<vmem>>, vector<1x16xf32>,
      %swap3A_183 = arith.index_cast %scan3A_167 : i32 to index
      %swap3A_184 = arith.constant 48 : index
      %swap3A_185 = tpu.vector_load %arg5[%swap3A_183, %swap3A_184] {strides = array<i32>} : memref<128x128xf32, #tpu.memory_space<vmem>>, vector<1x16xf32>,
      %swap3A_186 = vector.shape_cast %swap3A_185 : vector<1x16xf32> to vector<16xf32>
      %swap3A_187 = vector.shape_cast %broadcast_in_dim3A_28 : vector<16xf32> to vector<1x16xf32>
      tpu.vector_store %arg5[%swap3A_183, %swap3A_184], %swap3A_187 {strides = array<i32>} : memref<128x128xf32, #tpu.memory_space<vmem>>, vector<1x16xf32>,
      %swap3A_188 = arith.index_cast %scan3A_167 : i32 to index
      %swap3A_189 = arith.constant 64 : index
      %swap3A_190 = tpu.vector_load %arg5[%swap3A_188, %swap3A_189] {strides = array<i32>} : memref<128x128xf32, #tpu.memory_space<vmem>>, vector<1x16xf32>,
      %swap3A_191 = vector.shape_cast %swap3A_190 : vector<1x16xf32> to vector<16xf32>
      %swap3A_192 = vector.shape_cast %broadcast_in_dim3A_28 : vector<16xf32> to vector<1x16xf32>
      tpu.vector_store %arg5[%swap3A_188, %swap3A_189], %swap3A_192 {strides = array<i32>} : memref<128x128xf32, #tpu.memory_space<vmem>>, vector<1x16xf32>,
      %swap3A_193 = arith.index_cast %scan3A_167 : i32 to index
      %swap3A_194 = arith.constant 80 : index
      %swap3A_195 = tpu.vector_load %arg5[%swap3A_193, %swap3A_194] {strides = array<i32>} : memref<128x128xf32, #tpu.memory_space<vmem>>, vector<1x16xf32>,
      %swap3A_196 = vector.shape_cast %swap3A_195 : vector<1x16xf32> to vector<16xf32>
      %swap3A_197 = vector.shape_cast %broadcast_in_dim3A_28 : vector<16xf32> to vector<1x16xf32>
      tpu.vector_store %arg5[%swap3A_193, %swap3A_194], %swap3A_197 {strides = array<i32>} : memref<128x128xf32, #tpu.memory_space<vmem>>, vector<1x16xf32>,
      %swap3A_198 = arith.index_cast %scan3A_167 : i32 to index
      %swap3A_199 = arith.constant 96 : index
      %swap3A_200 = tpu.vector_load %arg5[%swap3A_198, %swap3A_199] {strides = array<i32>} : memref<128x128xf32, #tpu.memory_space<vmem>>, vector<1x16xf32>,
      %swap3A_201 = vector.shape_cast %swap3A_200 : vector<1x16xf32> to vector<16xf32>
      %swap3A_202 = vector.shape_cast %broadcast_in_dim3A_28 : vector<16xf32> to vector<1x16xf32>
      tpu.vector_store %arg5[%swap3A_198, %swap3A_199], %swap3A_202 {strides = array<i32>} : memref<128x128xf32, #tpu.memory_space<vmem>>, vector<1x16xf32>,
      %swap3A_203 = arith.index_cast %scan3A_167 : i32 to index
      %swap3A_204 = arith.constant 112 : index
      %swap3A_205 = tpu.vector_load %arg5[%swap3A_203, %swap3A_204] {strides = array<i32>} : memref<128x128xf32, #tpu.memory_space<vmem>>, vector<1x16xf32>,
      %swap3A_206 = vector.shape_cast %swap3A_205 : vector<1x16xf32> to vector<16xf32>
      %swap3A_207 = vector.shape_cast %broadcast_in_dim3A_28 : vector<16xf32> to vector<1x16xf32>
      tpu.vector_store %arg5[%swap3A_203, %swap3A_204], %swap3A_207 {strides = array<i32>} : memref<128x128xf32, #tpu.memory_space<vmem>>, vector<1x16xf32>,
    }
    %scan3A_34 = arith.constant 128 : i32
    "tpu.region"() ({
      %run_scoped3A = tpu.sem_alloc : memref<!tpu.dma_semaphore, #tpu.memory_space<semaphore_mem>>
      %dma_start3A_167 = arith.constant 0 : i32
      %dma_start3A_168 = arith.constant 0 : i32
      %dma_start3A_169 = tpu.memref_slice %arg4[%dma_start3A_167, %dma_start3A_168] : memref<82x128xi32, #tpu.memory_space<vmem>> -> memref<80x128xi32, #tpu.memory_space<vmem>>
      %dma_start3A_170 = arith.constant 0 : i32
      %dma_start3A_171 = arith.constant 0 : i32
      %dma_start3A_172 = tpu.memref_slice %arg2[%add3A, %dma_start3A_170, %dma_start3A_171] : memref<32x80x128xi32, #tpu.memory_space<hbm>> -> memref<1x80x128xi32, #tpu.memory_space<hbm>>
      %dma_start3A_173 = tpu.memref_squeeze %dma_start3A_172 : memref<1x80x128xi32, #tpu.memory_space<hbm>> -> memref<80x128xi32, #tpu.memory_space<hbm>>
      %dma_start3A_174 = arith.constant 0 : i32
      %dma_start3A_175 = arith.constant 0 : i32
      %dma_start3A_176 = tpu.memref_slice %arg4[%dma_start3A_174, %dma_start3A_175] : memref<82x128xi32, #tpu.memory_space<vmem>> -> memref<80x128xi32, #tpu.memory_space<vmem>>
      %dma_start3A_177 = arith.constant 0 : i32
      %dma_start3A_178 = arith.constant 0 : i32
      %dma_start3A_179 = tpu.memref_slice %arg2[%add3A, %dma_start3A_177, %dma_start3A_178] : memref<32x80x128xi32, #tpu.memory_space<hbm>> -> memref<1x80x128xi32, #tpu.memory_space<hbm>>
      %dma_start3A_180 = tpu.memref_squeeze %dma_start3A_179 : memref<1x80x128xi32, #tpu.memory_space<hbm>> -> memref<80x128xi32, #tpu.memory_space<hbm>>
      tpu.enqueue_dma source(%dma_start3A_180 : memref<80x128xi32, #tpu.memory_space<hbm>>) target(%dma_start3A_176 : memref<80x128xi32, #tpu.memory_space<vmem>>) target_semaphore(%run_scoped3A : memref<!tpu.dma_semaphore, #tpu.memory_space<semaphore_mem>>)
      %dma_wait3A_181 = arith.constant 0 : i32
      %dma_wait3A_182 = arith.constant 0 : i32
      %dma_wait3A_183 = tpu.memref_slice %arg4[%dma_wait3A_181, %dma_wait3A_182] : memref<82x128xi32, #tpu.memory_space<vmem>> -> memref<80x128xi32, #tpu.memory_space<vmem>>
      %dma_wait3A_184 = arith.constant 0 : i32
      %dma_wait3A_185 = arith.constant 0 : i32
      %dma_wait3A_186 = tpu.memref_slice %arg2[%add3A, %dma_wait3A_184, %dma_wait3A_185] : memref<32x80x128xi32, #tpu.memory_space<hbm>> -> memref<1x80x128xi32, #tpu.memory_space<hbm>>
      %dma_wait3A_187 = tpu.memref_squeeze %dma_wait3A_186 : memref<1x80x128xi32, #tpu.memory_space<hbm>> -> memref<80x128xi32, #tpu.memory_space<hbm>>
      %dma_wait3A_188 = arith.constant 0 : i32
      %dma_wait3A_189 = arith.constant 0 : i32
      %dma_wait3A_190 = tpu.memref_slice %arg4[%dma_wait3A_188, %dma_wait3A_189] : memref<82x128xi32, #tpu.memory_space<vmem>> -> memref<80x128xi32, #tpu.memory_space<vmem>>
      %dma_wait3A_191 = arith.constant 0 : i32
      %dma_wait3A_192 = arith.constant 0 : i32
      %dma_wait3A_193 = tpu.memref_slice %arg2[%add3A, %dma_wait3A_191, %dma_wait3A_192] : memref<32x80x128xi32, #tpu.memory_space<hbm>> -> memref<1x80x128xi32, #tpu.memory_space<hbm>>
      %dma_wait3A_194 = tpu.memref_squeeze %dma_wait3A_193 : memref<1x80x128xi32, #tpu.memory_space<hbm>> -> memref<80x128xi32, #tpu.memory_space<hbm>>
      tpu.wait_dma2 semaphore(%run_scoped3A : memref<!tpu.dma_semaphore, #tpu.memory_space<semaphore_mem>>) src(%dma_wait3A_194 : memref<80x128xi32, #tpu.memory_space<hbm>>) dst(%dma_wait3A_190 : memref<80x128xi32, #tpu.memory_space<vmem>>)
      tpu.yield
    }) : () -> ()
    %broadcast_in_dim3A_35 = arith.constant 10000 : i32
    %broadcast_in_dim3A_36 = vector.broadcast %broadcast_in_dim3A_35 : i32 to vector<16xi32>
    %swap3A = arith.constant 80 : i32
    %swap3A_37 = arith.index_cast %swap3A : i32 to index
    %swap3A_38 = arith.constant 0 : index
    %swap3A_39 = tpu.vector_load %arg4[%swap3A_37, %swap3A_38] {strides = array<i32>} : memref<82x128xi32, #tpu.memory_space<vmem>>, vector<1x16xi32>,
    %swap3A_40 = vector.shape_cast %swap3A_39 : vector<1x16xi32> to vector<16xi32>
    %swap3A_41 = vector.shape_cast %broadcast_in_dim3A_36 : vector<16xi32> to vector<1x16xi32>
    tpu.vector_store %arg4[%swap3A_37, %swap3A_38], %swap3A_41 {strides = array<i32>} : memref<82x128xi32, #tpu.memory_space<vmem>>, vector<1x16xi32>,
    %swap3A_42 = arith.constant 80 : i32
    %swap3A_43 = arith.index_cast %swap3A_42 : i32 to index
    %swap3A_44 = arith.constant 16 : index
    %swap3A_45 = tpu.vector_load %arg4[%swap3A_43, %swap3A_44] {strides = array<i32>} : memref<82x128xi32, #tpu.memory_space<vmem>>, vector<1x16xi32>,
    %swap3A_46 = vector.shape_cast %swap3A_45 : vector<1x16xi32> to vector<16xi32>
    %swap3A_47 = vector.shape_cast %broadcast_in_dim3A_36 : vector<16xi32> to vector<1x16xi32>
    tpu.vector_store %arg4[%swap3A_43, %swap3A_44], %swap3A_47 {strides = array<i32>} : memref<82x128xi32, #tpu.memory_space<vmem>>, vector<1x16xi32>,
    %swap3A_48 = arith.constant 80 : i32
    %swap3A_49 = arith.index_cast %swap3A_48 : i32 to index
    %swap3A_50 = arith.constant 32 : index
    %swap3A_51 = tpu.vector_load %arg4[%swap3A_49, %swap3A_50] {strides = array<i32>} : memref<82x128xi32, #tpu.memory_space<vmem>>, vector<1x16xi32>,
    %swap3A_52 = vector.shape_cast %swap3A_51 : vector<1x16xi32> to vector<16xi32>
    %swap3A_53 = vector.shape_cast %broadcast_in_dim3A_36 : vector<16xi32> to vector<1x16xi32>
    tpu.vector_store %arg4[%swap3A_49, %swap3A_50], %swap3A_53 {strides = array<i32>} : memref<82x128xi32, #tpu.memory_space<vmem>>, vector<1x16xi32>,
    %swap3A_54 = arith.constant 80 : i32
    %swap3A_55 = arith.index_cast %swap3A_54 : i32 to index
    %swap3A_56 = arith.constant 48 : index
    %swap3A_57 = tpu.vector_load %arg4[%swap3A_55, %swap3A_56] {strides = array<i32>} : memref<82x128xi32, #tpu.memory_space<vmem>>, vector<1x16xi32>,
    %swap3A_58 = vector.shape_cast %swap3A_57 : vector<1x16xi32> to vector<16xi32>
    %swap3A_59 = vector.shape_cast %broadcast_in_dim3A_36 : vector<16xi32> to vector<1x16xi32>
    tpu.vector_store %arg4[%swap3A_55, %swap3A_56], %swap3A_59 {strides = array<i32>} : memref<82x128xi32, #tpu.memory_space<vmem>>, vector<1x16xi32>,
    %swap3A_60 = arith.constant 80 : i32
    %swap3A_61 = arith.index_cast %swap3A_60 : i32 to index
    %swap3A_62 = arith.constant 64 : index
    %swap3A_63 = tpu.vector_load %arg4[%swap3A_61, %swap3A_62] {strides = array<i32>} : memref<82x128xi32, #tpu.memory_space<vmem>>, vector<1x16xi32>,
    %swap3A_64 = vector.shape_cast %swap3A_63 : vector<1x16xi32> to vector<16xi32>
    %swap3A_65 = vector.shape_cast %broadcast_in_dim3A_36 : vector<16xi32> to vector<1x16xi32>
    tpu.vector_store %arg4[%swap3A_61, %swap3A_62], %swap3A_65 {strides = array<i32>} : memref<82x128xi32, #tpu.memory_space<vmem>>, vector<1x16xi32>,
    %swap3A_66 = arith.constant 80 : i32
    %swap3A_67 = arith.index_cast %swap3A_66 : i32 to index
    %swap3A_68 = arith.constant 80 : index
    %swap3A_69 = tpu.vector_load %arg4[%swap3A_67, %swap3A_68] {strides = array<i32>} : memref<82x128xi32, #tpu.memory_space<vmem>>, vector<1x16xi32>,
    %swap3A_70 = vector.shape_cast %swap3A_69 : vector<1x16xi32> to vector<16xi32>
    %swap3A_71 = vector.shape_cast %broadcast_in_dim3A_36 : vector<16xi32> to vector<1x16xi32>
    tpu.vector_store %arg4[%swap3A_67, %swap3A_68], %swap3A_71 {strides = array<i32>} : memref<82x128xi32, #tpu.memory_space<vmem>>, vector<1x16xi32>,
    %swap3A_72 = arith.constant 80 : i32
    %swap3A_73 = arith.index_cast %swap3A_72 : i32 to index
    %swap3A_74 = arith.constant 96 : index
    %swap3A_75 = tpu.vector_load %arg4[%swap3A_73, %swap3A_74] {strides = array<i32>} : memref<82x128xi32, #tpu.memory_space<vmem>>, vector<1x16xi32>,
    %swap3A_76 = vector.shape_cast %swap3A_75 : vector<1x16xi32> to vector<16xi32>
    %swap3A_77 = vector.shape_cast %broadcast_in_dim3A_36 : vector<16xi32> to vector<1x16xi32>
    tpu.vector_store %arg4[%swap3A_73, %swap3A_74], %swap3A_77 {strides = array<i32>} : memref<82x128xi32, #tpu.memory_space<vmem>>, vector<1x16xi32>,
    %swap3A_78 = arith.constant 80 : i32
    %swap3A_79 = arith.index_cast %swap3A_78 : i32 to index
    %swap3A_80 = arith.constant 112 : index
    %swap3A_81 = tpu.vector_load %arg4[%swap3A_79, %swap3A_80] {strides = array<i32>} : memref<82x128xi32, #tpu.memory_space<vmem>>, vector<1x16xi32>,
    %swap3A_82 = vector.shape_cast %swap3A_81 : vector<1x16xi32> to vector<16xi32>
    %swap3A_83 = vector.shape_cast %broadcast_in_dim3A_36 : vector<16xi32> to vector<1x16xi32>
    tpu.vector_store %arg4[%swap3A_79, %swap3A_80], %swap3A_83 {strides = array<i32>} : memref<82x128xi32, #tpu.memory_space<vmem>>, vector<1x16xi32>,
    %swap3A_84 = arith.constant 81 : i32
    %swap3A_85 = arith.index_cast %swap3A_84 : i32 to index
    %swap3A_86 = arith.constant 0 : index
    %swap3A_87 = tpu.vector_load %arg4[%swap3A_85, %swap3A_86] {strides = array<i32>} : memref<82x128xi32, #tpu.memory_space<vmem>>, vector<1x16xi32>,
    %swap3A_88 = vector.shape_cast %swap3A_87 : vector<1x16xi32> to vector<16xi32>
    %swap3A_89 = vector.shape_cast %broadcast_in_dim3A_36 : vector<16xi32> to vector<1x16xi32>
    tpu.vector_store %arg4[%swap3A_85, %swap3A_86], %swap3A_89 {strides = array<i32>} : memref<82x128xi32, #tpu.memory_space<vmem>>, vector<1x16xi32>,
    %swap3A_90 = arith.constant 81 : i32
    %swap3A_91 = arith.index_cast %swap3A_90 : i32 to index
    %swap3A_92 = arith.constant 16 : index
    %swap3A_93 = tpu.vector_load %arg4[%swap3A_91, %swap3A_92] {strides = array<i32>} : memref<82x128xi32, #tpu.memory_space<vmem>>, vector<1x16xi32>,
    %swap3A_94 = vector.shape_cast %swap3A_93 : vector<1x16xi32> to vector<16xi32>
    %swap3A_95 = vector.shape_cast %broadcast_in_dim3A_36 : vector<16xi32> to vector<1x16xi32>
    tpu.vector_store %arg4[%swap3A_91, %swap3A_92], %swap3A_95 {strides = array<i32>} : memref<82x128xi32, #tpu.memory_space<vmem>>, vector<1x16xi32>,
    %swap3A_96 = arith.constant 81 : i32
    %swap3A_97 = arith.index_cast %swap3A_96 : i32 to index
    %swap3A_98 = arith.constant 32 : index
    %swap3A_99 = tpu.vector_load %arg4[%swap3A_97, %swap3A_98] {strides = array<i32>} : memref<82x128xi32, #tpu.memory_space<vmem>>, vector<1x16xi32>,
    %swap3A_100 = vector.shape_cast %swap3A_99 : vector<1x16xi32> to vector<16xi32>
    %swap3A_101 = vector.shape_cast %broadcast_in_dim3A_36 : vector<16xi32> to vector<1x16xi32>
    tpu.vector_store %arg4[%swap3A_97, %swap3A_98], %swap3A_101 {strides = array<i32>} : memref<82x128xi32, #tpu.memory_space<vmem>>, vector<1x16xi32>,
    %swap3A_102 = arith.constant 81 : i32
    %swap3A_103 = arith.index_cast %swap3A_102 : i32 to index
    %swap3A_104 = arith.constant 48 : index
    %swap3A_105 = tpu.vector_load %arg4[%swap3A_103, %swap3A_104] {strides = array<i32>} : memref<82x128xi32, #tpu.memory_space<vmem>>, vector<1x16xi32>,
    %swap3A_106 = vector.shape_cast %swap3A_105 : vector<1x16xi32> to vector<16xi32>
    %swap3A_107 = vector.shape_cast %broadcast_in_dim3A_36 : vector<16xi32> to vector<1x16xi32>
    tpu.vector_store %arg4[%swap3A_103, %swap3A_104], %swap3A_107 {strides = array<i32>} : memref<82x128xi32, #tpu.memory_space<vmem>>, vector<1x16xi32>,
    %swap3A_108 = arith.constant 81 : i32
    %swap3A_109 = arith.index_cast %swap3A_108 : i32 to index
    %swap3A_110 = arith.constant 64 : index
    %swap3A_111 = tpu.vector_load %arg4[%swap3A_109, %swap3A_110] {strides = array<i32>} : memref<82x128xi32, #tpu.memory_space<vmem>>, vector<1x16xi32>,
    %swap3A_112 = vector.shape_cast %swap3A_111 : vector<1x16xi32> to vector<16xi32>
    %swap3A_113 = vector.shape_cast %broadcast_in_dim3A_36 : vector<16xi32> to vector<1x16xi32>
    tpu.vector_store %arg4[%swap3A_109, %swap3A_110], %swap3A_113 {strides = array<i32>} : memref<82x128xi32, #tpu.memory_space<vmem>>, vector<1x16xi32>,
    %swap3A_114 = arith.constant 81 : i32
    %swap3A_115 = arith.index_cast %swap3A_114 : i32 to index
    %swap3A_116 = arith.constant 80 : index
    %swap3A_117 = tpu.vector_load %arg4[%swap3A_115, %swap3A_116] {strides = array<i32>} : memref<82x128xi32, #tpu.memory_space<vmem>>, vector<1x16xi32>,
    %swap3A_118 = vector.shape_cast %swap3A_117 : vector<1x16xi32> to vector<16xi32>
    %swap3A_119 = vector.shape_cast %broadcast_in_dim3A_36 : vector<16xi32> to vector<1x16xi32>
    tpu.vector_store %arg4[%swap3A_115, %swap3A_116], %swap3A_119 {strides = array<i32>} : memref<82x128xi32, #tpu.memory_space<vmem>>, vector<1x16xi32>,
    %swap3A_120 = arith.constant 81 : i32
    %swap3A_121 = arith.index_cast %swap3A_120 : i32 to index
    %swap3A_122 = arith.constant 96 : index
    %swap3A_123 = tpu.vector_load %arg4[%swap3A_121, %swap3A_122] {strides = array<i32>} : memref<82x128xi32, #tpu.memory_space<vmem>>, vector<1x16xi32>,
    %swap3A_124 = vector.shape_cast %swap3A_123 : vector<1x16xi32> to vector<16xi32>
    %swap3A_125 = vector.shape_cast %broadcast_in_dim3A_36 : vector<16xi32> to vector<1x16xi32>
    tpu.vector_store %arg4[%swap3A_121, %swap3A_122], %swap3A_125 {strides = array<i32>} : memref<82x128xi32, #tpu.memory_space<vmem>>, vector<1x16xi32>,
    %swap3A_126 = arith.constant 81 : i32
    %swap3A_127 = arith.index_cast %swap3A_126 : i32 to index
    %swap3A_128 = arith.constant 112 : index
    %swap3A_129 = tpu.vector_load %arg4[%swap3A_127, %swap3A_128] {strides = array<i32>} : memref<82x128xi32, #tpu.memory_space<vmem>>, vector<1x16xi32>,
    %swap3A_130 = vector.shape_cast %swap3A_129 : vector<1x16xi32> to vector<16xi32>
    %swap3A_131 = vector.shape_cast %broadcast_in_dim3A_36 : vector<16xi32> to vector<1x16xi32>
    tpu.vector_store %arg4[%swap3A_127, %swap3A_128], %swap3A_131 {strides = array<i32>} : memref<82x128xi32, #tpu.memory_space<vmem>>, vector<1x16xi32>,
    %barrier3A = arith.constant 0 : index
    tpu.barrier barrier_id(%barrier3A)
    %dma_start3A = arith.constant 0 : i32
    %dma_start3A_132 = arith.constant 0 : i32
    %dma_start3A_133 = tpu.memref_slice %arg4[%dma_start3A, %dma_start3A_132] : memref<82x128xi32, #tpu.memory_space<vmem>> -> memref<1x128xi32, #tpu.memory_space<vmem>>
    %dma_start3A_134 = tpu.memref_squeeze %dma_start3A_133 : memref<1x128xi32, #tpu.memory_space<vmem>> -> memref<128xi32, #tpu.memory_space<vmem>>
    %dma_start3A_135 = arith.constant 0 : i32
    %dma_start3A_136 = arith.constant 0 : i32
    %dma_start3A_137 = tpu.memref_slice %arg6[%dma_start3A_135, %dma_start3A_136] : memref<10240x128xf32, #tpu.memory_space<vmem_shared>> -> memref<10240x128xf32, #tpu.memory_space<vmem_shared>>
    tpu.enqueue_indirect_dma source(%arg5 : memref<128x128xf32, #tpu.memory_space<vmem>>) target(%dma_start3A_137 : memref<10240x128xf32, #tpu.memory_space<vmem_shared>>) offsets(%dma_start3A_134 : memref<128xi32, #tpu.memory_space<vmem>>) semaphore(%arg7 : memref<!tpu.dma_semaphore, #tpu.memory_space<semaphore_mem>>) {add = true}
    %dma_start3A_138 = arith.constant 1 : i32
    %dma_start3A_139 = arith.constant 0 : i32
    %dma_start3A_140 = tpu.memref_slice %arg4[%dma_start3A_138, %dma_start3A_139] : memref<82x128xi32, #tpu.memory_space<vmem>> -> memref<1x128xi32, #tpu.memory_space<vmem>>
    %dma_start3A_141 = tpu.memref_squeeze %dma_start3A_140 : memref<1x128xi32, #tpu.memory_space<vmem>> -> memref<128xi32, #tpu.memory_space<vmem>>
    %dma_start3A_142 = arith.constant 0 : i32
    %dma_start3A_143 = arith.constant 0 : i32
    %dma_start3A_144 = tpu.memref_slice %arg6[%dma_start3A_142, %dma_start3A_143] : memref<10240x128xf32, #tpu.memory_space<vmem_shared>> -> memref<10240x128xf32, #tpu.memory_space<vmem_shared>>
    tpu.enqueue_indirect_dma source(%arg5 : memref<128x128xf32, #tpu.memory_space<vmem>>) target(%dma_start3A_144 : memref<10240x128xf32, #tpu.memory_space<vmem_shared>>) offsets(%dma_start3A_141 : memref<128xi32, #tpu.memory_space<vmem>>) semaphore(%arg8 : memref<!tpu.dma_semaphore, #tpu.memory_space<semaphore_mem>>) {add = true}
    %scan3A_145 = arith.constant 0 : i32
    %scan3A_146 = arith.constant 0 : i32
    %scan3A_147 = arith.constant 40 : i32
    %scan3A_148 = arith.addi %scan3A_146, %scan3A_147 : i32
    %scan3A_149 = arith.constant 1 : i32
    scf.for %scan3A_167 = %scan3A_146 to %scan3A_148 step %scan3A_149  : i32 {
      %mul3A_168 = arith.constant 2 : i32
      %mul3A_169 = arith.muli %mul3A_168, %scan3A_167 : i32
      %dma_wait3A_170 = arith.constant 0 : i32
      %dma_wait3A_171 = arith.constant 0 : i32
      %dma_wait3A_172 = tpu.memref_slice %arg6[%dma_wait3A_170, %dma_wait3A_171] : memref<10240x128xf32, #tpu.memory_space<vmem_shared>> -> memref<128x128xf32, #tpu.memory_space<vmem_shared>>
      %dma_wait3A_173 = arith.constant 0 : i32
      %dma_wait3A_174 = arith.constant 0 : i32
      %dma_wait3A_175 = tpu.memref_slice %arg6[%dma_wait3A_173, %dma_wait3A_174] : memref<10240x128xf32, #tpu.memory_space<vmem_shared>> -> memref<128x128xf32, #tpu.memory_space<vmem_shared>>
      tpu.wait_dma2 semaphore(%arg7 : memref<!tpu.dma_semaphore, #tpu.memory_space<semaphore_mem>>) src(%arg5 : memref<128x128xf32, #tpu.memory_space<vmem>>) dst(%dma_wait3A_175 : memref<128x128xf32, #tpu.memory_space<vmem_shared>>)
      %add3A_176 = arith.constant 2 : i32
      %add3A_177 = arith.addi %mul3A_169, %add3A_176 : i32
      %dma_start3A_178 = arith.constant 0 : i32
      %dma_start3A_179 = tpu.memref_slice %arg4[%add3A_177, %dma_start3A_178] : memref<82x128xi32, #tpu.memory_space<vmem>> -> memref<1x128xi32, #tpu.memory_space<vmem>>
      %dma_start3A_180 = tpu.memref_squeeze %dma_start3A_179 : memref<1x128xi32, #tpu.memory_space<vmem>> -> memref<128xi32, #tpu.memory_space<vmem>>
      %dma_start3A_181 = arith.constant 0 : i32
      %dma_start3A_182 = arith.constant 0 : i32
      %dma_start3A_183 = tpu.memref_slice %arg6[%dma_start3A_181, %dma_start3A_182] : memref<10240x128xf32, #tpu.memory_space<vmem_shared>> -> memref<10240x128xf32, #tpu.memory_space<vmem_shared>>
      tpu.enqueue_indirect_dma source(%arg5 : memref<128x128xf32, #tpu.memory_space<vmem>>) target(%dma_start3A_183 : memref<10240x128xf32, #tpu.memory_space<vmem_shared>>) offsets(%dma_start3A_180 : memref<128xi32, #tpu.memory_space<vmem>>) semaphore(%arg7 : memref<!tpu.dma_semaphore, #tpu.memory_space<semaphore_mem>>) {add = true}
      %dma_wait3A_184 = arith.constant 0 : i32
      %dma_wait3A_185 = arith.constant 0 : i32
      %dma_wait3A_186 = tpu.memref_slice %arg6[%dma_wait3A_184, %dma_wait3A_185] : memref<10240x128xf32, #tpu.memory_space<vmem_shared>> -> memref<128x128xf32, #tpu.memory_space<vmem_shared>>
      %dma_wait3A_187 = arith.constant 0 : i32
      %dma_wait3A_188 = arith.constant 0 : i32
      %dma_wait3A_189 = tpu.memref_slice %arg6[%dma_wait3A_187, %dma_wait3A_188] : memref<10240x128xf32, #tpu.memory_space<vmem_shared>> -> memref<128x128xf32, #tpu.memory_space<vmem_shared>>
      tpu.wait_dma2 semaphore(%arg8 : memref<!tpu.dma_semaphore, #tpu.memory_space<semaphore_mem>>) src(%arg5 : memref<128x128xf32, #tpu.memory_space<vmem>>) dst(%dma_wait3A_189 : memref<128x128xf32, #tpu.memory_space<vmem_shared>>)
      %add3A_190 = arith.constant 3 : i32
      %add3A_191 = arith.addi %mul3A_169, %add3A_190 : i32
      %dma_start3A_192 = arith.constant 0 : i32
      %dma_start3A_193 = tpu.memref_slice %arg4[%add3A_191, %dma_start3A_192] : memref<82x128xi32, #tpu.memory_space<vmem>> -> memref<1x128xi32, #tpu.memory_space<vmem>>
      %dma_start3A_194 = tpu.memref_squeeze %dma_start3A_193 : memref<1x128xi32, #tpu.memory_space<vmem>> -> memref<128xi32, #tpu.memory_space<vmem>>
      %dma_start3A_195 = arith.constant 0 : i32
      %dma_start3A_196 = arith.constant 0 : i32
      %dma_start3A_197 = tpu.memref_slice %arg6[%dma_start3A_195, %dma_start3A_196] : memref<10240x128xf32, #tpu.memory_space<vmem_shared>> -> memref<10240x128xf32, #tpu.memory_space<vmem_shared>>
      tpu.enqueue_indirect_dma source(%arg5 : memref<128x128xf32, #tpu.memory_space<vmem>>) target(%dma_start3A_197 : memref<10240x128xf32, #tpu.memory_space<vmem_shared>>) offsets(%dma_start3A_194 : memref<128xi32, #tpu.memory_space<vmem>>) semaphore(%arg8 : memref<!tpu.dma_semaphore, #tpu.memory_space<semaphore_mem>>) {add = true}
    }
    %scan3A_150 = arith.constant 40 : i32
    %dma_wait3A = arith.constant 0 : i32
    %dma_wait3A_151 = arith.constant 0 : i32
    %dma_wait3A_152 = tpu.memref_slice %arg6[%dma_wait3A, %dma_wait3A_151] : memref<10240x128xf32, #tpu.memory_space<vmem_shared>> -> memref<128x128xf32, #tpu.memory_space<vmem_shared>>
    %dma_wait3A_153 = arith.constant 0 : i32
    %dma_wait3A_154 = arith.constant 0 : i32
    %dma_wait3A_155 = tpu.memref_slice %arg6[%dma_wait3A_153, %dma_wait3A_154] : memref<10240x128xf32, #tpu.memory_space<vmem_shared>> -> memref<128x128xf32, #tpu.memory_space<vmem_shared>>
    tpu.wait_dma2 semaphore(%arg7 : memref<!tpu.dma_semaphore, #tpu.memory_space<semaphore_mem>>) src(%arg5 : memref<128x128xf32, #tpu.memory_space<vmem>>) dst(%dma_wait3A_155 : memref<128x128xf32, #tpu.memory_space<vmem_shared>>)
    %dma_wait3A_156 = arith.constant 0 : i32
    %dma_wait3A_157 = arith.constant 0 : i32
    %dma_wait3A_158 = tpu.memref_slice %arg6[%dma_wait3A_156, %dma_wait3A_157] : memref<10240x128xf32, #tpu.memory_space<vmem_shared>> -> memref<128x128xf32, #tpu.memory_space<vmem_shared>>
    %dma_wait3A_159 = arith.constant 0 : i32
    %dma_wait3A_160 = arith.constant 0 : i32
    %dma_wait3A_161 = tpu.memref_slice %arg6[%dma_wait3A_159, %dma_wait3A_160] : memref<10240x128xf32, #tpu.memory_space<vmem_shared>> -> memref<128x128xf32, #tpu.memory_space<vmem_shared>>
    tpu.wait_dma2 semaphore(%arg8 : memref<!tpu.dma_semaphore, #tpu.memory_space<semaphore_mem>>) src(%arg5 : memref<128x128xf32, #tpu.memory_space<vmem>>) dst(%dma_wait3A_161 : memref<128x128xf32, #tpu.memory_space<vmem_shared>>)
    %barrier3A_162 = arith.constant 0 : index
    tpu.barrier barrier_id(%barrier3A_162)
    %mul3A_163 = arith.constant 640 : i32
    %mul3A_164 = arith.muli %arg1, %mul3A_163 : i32
    %mul3A_165 = arith.constant 640 : i32
    %mul3A_166 = arith.muli %arg1, %mul3A_165 : i32
    "tpu.region"() ({
      %run_scoped3A = tpu.sem_alloc : memref<!tpu.dma_semaphore, #tpu.memory_space<semaphore_mem>>
      %dma_start3A_167 = arith.constant 0 : i32
      %dma_start3A_168 = tpu.memref_slice %arg3[%arg0, %mul3A_166, %dma_start3A_167] : memref<2x10240x128xf32, #tpu.memory_space<hbm>> -> memref<1x640x128xf32, #tpu.memory_space<hbm>>
      %dma_start3A_169 = tpu.memref_squeeze %dma_start3A_168 : memref<1x640x128xf32, #tpu.memory_space<hbm>> -> memref<640x128xf32, #tpu.memory_space<hbm>>
      %dma_start3A_170 = arith.constant 0 : i32
      %dma_start3A_171 = tpu.memref_slice %arg6[%mul3A_164, %dma_start3A_170] : memref<10240x128xf32, #tpu.memory_space<vmem_shared>> -> memref<640x128xf32, #tpu.memory_space<vmem_shared>>
      tpu.enqueue_dma source(%dma_start3A_171 : memref<640x128xf32, #tpu.memory_space<vmem_shared>>) target(%dma_start3A_169 : memref<640x128xf32, #tpu.memory_space<hbm>>) target_semaphore(%run_scoped3A : memref<!tpu.dma_semaphore, #tpu.memory_space<semaphore_mem>>)
      %dma_wait3A_172 = arith.constant 0 : i32
      %dma_wait3A_173 = tpu.memref_slice %arg3[%arg0, %mul3A_166, %dma_wait3A_172] : memref<2x10240x128xf32, #tpu.memory_space<hbm>> -> memref<1x640x128xf32, #tpu.memory_space<hbm>>
      %dma_wait3A_174 = tpu.memref_squeeze %dma_wait3A_173 : memref<1x640x128xf32, #tpu.memory_space<hbm>> -> memref<640x128xf32, #tpu.memory_space<hbm>>
      %dma_wait3A_175 = arith.constant 0 : i32
      %dma_wait3A_176 = tpu.memref_slice %arg6[%mul3A_164, %dma_wait3A_175] : memref<10240x128xf32, #tpu.memory_space<vmem_shared>> -> memref<640x128xf32, #tpu.memory_space<vmem_shared>>
      tpu.wait_dma2 semaphore(%run_scoped3A : memref<!tpu.dma_semaphore, #tpu.memory_space<semaphore_mem>>) src(%dma_wait3A_176 : memref<640x128xf32, #tpu.memory_space<vmem_shared>>) dst(%dma_wait3A_174 : memref<640x128xf32, #tpu.memory_space<hbm>>)
      tpu.yield
    }) : () -> ()
    return
  }
}

module attributes {stable_mosaic.version = 14 : i64} {
  func.func @_mm_body(%arg0: i32, %arg1: memref<1024x128xf32, #tpu.memory_space<vmem>>, %arg2: memref<128x128xf32, #tpu.memory_space<vmem>>, %arg3: memref<1024x128xf32, #tpu.memory_space<vmem>>) attributes {dimension_semantics = [#tpu.dimension_semantics<arbitrary>], iteration_bounds = array<i64: 10>, scalar_prefetch = 0 : i64, scratch_operands = 0 : i64, tpu.core_type = #tpu.core_type<tc>, window_params = [{transform_indices = @transform_0, window_bounds = array<i64: 1024, 128>}, {pipeline_mode = #tpu.pipeline_mode<synchronous>, transform_indices = @transform_1, window_bounds = array<i64: 128, 128>}, {transform_indices = @transform_2, window_bounds = array<i64: 1024, 128>}]} {
    %get3A = arith.constant 0 : index
    %get3A_0 = arith.constant 0 : index
    %get3A_1 = vector.load %arg1[%get3A, %get3A_0] : memref<1024x128xf32, #tpu.memory_space<vmem>>, vector<1024x128xf32>
    %get3A_2 = arith.constant 0 : index
    %get3A_3 = arith.constant 0 : index
    %get3A_4 = vector.load %arg2[%get3A_2, %get3A_3] : memref<128x128xf32, #tpu.memory_space<vmem>>, vector<128x128xf32>
    %dot_general3A = arith.constant dense<0.000000e+00> : vector<1024x128xf32>
    %dot_general3A_5 = tpu.matmul %get3A_1, %get3A_4, %dot_general3A {dimension_numbers = #tpu.dot_dimension_numbers<[1], [0], [0], [1], [0, 0, 1, 1], [], []>, transpose_lhs_hint = false} : vector<1024x128xf32>, vector<128x128xf32>, vector<1024x128xf32> -> vector<1024x128xf32>
    %swap3A = arith.constant 0 : index
    %swap3A_6 = arith.constant 0 : index
    %swap3A_7 = vector.load %arg3[%swap3A, %swap3A_6] : memref<1024x128xf32, #tpu.memory_space<vmem>>, vector<1024x128xf32>
    tpu.vector_store %arg3[%swap3A, %swap3A_6], %dot_general3A_5 {strides = array<i32>} : memref<1024x128xf32, #tpu.memory_space<vmem>>, vector<1024x128xf32>,
    return
  }
  func.func @transform_0(%arg0: i32) -> (i32, i32) {
    %c0_i32 = arith.constant 0 : i32
    %c0_i32_0 = arith.constant 0 : i32
    return %arg0, %c0_i32 : i32, i32
  }
  func.func @transform_1(%arg0: i32) -> (i32, i32) {
    %c0_i32 = arith.constant 0 : i32
    %c0_i32_0 = arith.constant 0 : i32
    %c0_i32_1 = arith.constant 0 : i32
    return %c0_i32, %c0_i32_0 : i32, i32
  }
  func.func @transform_2(%arg0: i32) -> (i32, i32) {
    %c0_i32 = arith.constant 0 : i32
    %c0_i32_0 = arith.constant 0 : i32
    return %arg0, %c0_i32 : i32, i32
  }
}

module attributes {stable_mosaic.version = 14 : i64} {
  func.func @_scale_body(%arg0: i32, %arg1: memref<1024x128xf32, #tpu.memory_space<vmem>>, %arg2: memref<2x1024x128xf32, #tpu.memory_space<vmem>>, %arg3: memref<1024x128xf32, #tpu.memory_space<vmem>>) attributes {dimension_semantics = [#tpu.dimension_semantics<arbitrary>], iteration_bounds = array<i64: 10>, scalar_prefetch = 0 : i64, scratch_operands = 0 : i64, tpu.core_type = #tpu.core_type<tc>, window_params = [{transform_indices = @transform_0, window_bounds = array<i64: 1024, 128>}, {transform_indices = @transform_1, window_bounds = array<i64: 2, 1024, 128>}, {transform_indices = @transform_2, window_bounds = array<i64: 1024, 128>}]} {
    %get3A = arith.constant 0 : index
    %get3A_0 = arith.constant 0 : index
    %get3A_1 = arith.constant 0 : index
    %get3A_2 = vector.load %arg2[%get3A, %get3A_0, %get3A_1] : memref<2x1024x128xf32, #tpu.memory_space<vmem>>, vector<1x1024x1xf32>
    %get3A_3 = vector.shape_cast %get3A_2 : vector<1x1024x1xf32> to vector<1024x1xf32>
    %get3A_4 = arith.constant 1 : index
    %get3A_5 = arith.constant 0 : index
    %get3A_6 = arith.constant 0 : index
    %get3A_7 = vector.load %arg2[%get3A_4, %get3A_5, %get3A_6] : memref<2x1024x128xf32, #tpu.memory_space<vmem>>, vector<1x1024x1xf32>
    %get3A_8 = vector.shape_cast %get3A_7 : vector<1x1024x1xf32> to vector<1024x1xf32>
    %add3A = arith.addf %get3A_3, %get3A_8 : vector<1024x1xf32>
    %add3A_9 = arith.constant 1.000000e+00 : f32
    %add3A_10 = vector.broadcast %add3A_9 : f32 to vector<1024x1xf32>
    %add3A_11 = arith.addf %add3A, %add3A_10 : vector<1024x1xf32>
    %rsqrt3A = math.rsqrt %add3A_11 : vector<1024x1xf32>
    %get3A_12 = arith.constant 0 : index
    %get3A_13 = arith.constant 0 : index
    %get3A_14 = vector.load %arg1[%get3A_12, %get3A_13] : memref<1024x128xf32, #tpu.memory_space<vmem>>, vector<1024x128xf32>
    %mul3A = vector.broadcast %rsqrt3A : vector<1024x1xf32> to vector<1024x128xf32>
    %mul3A_15 = arith.mulf %mul3A, %get3A_14 : vector<1024x128xf32>
    %swap3A = arith.constant 0 : index
    %swap3A_16 = arith.constant 0 : index
    %swap3A_17 = vector.load %arg3[%swap3A, %swap3A_16] : memref<1024x128xf32, #tpu.memory_space<vmem>>, vector<1024x128xf32>
    tpu.vector_store %arg3[%swap3A, %swap3A_16], %mul3A_15 {strides = array<i32>} : memref<1024x128xf32, #tpu.memory_space<vmem>>, vector<1024x128xf32>,
    return
  }
  func.func @transform_0(%arg0: i32) -> (i32, i32) {
    %c0_i32 = arith.constant 0 : i32
    %c0_i32_0 = arith.constant 0 : i32
    return %arg0, %c0_i32 : i32, i32
  }
  func.func @transform_1(%arg0: i32) -> (i32, i32, i32) {
    %c0_i32 = arith.constant 0 : i32
    %c0_i32_0 = arith.constant 0 : i32
    %c0_i32_1 = arith.constant 0 : i32
    return %c0_i32, %arg0, %c0_i32_0 : i32, i32, i32
  }
  func.func @transform_2(%arg0: i32) -> (i32, i32) {
    %c0_i32 = arith.constant 0 : i32
    %c0_i32_0 = arith.constant 0 : i32
    return %arg0, %c0_i32 : i32, i32
  }
}

module attributes {stable_mosaic.version = 14 : i64} {
  func.func @_mid_body(%arg0: i32, %arg1: memref<2x1024x128xf32, #tpu.memory_space<vmem>>, %arg2: memref<1024x128xf32, #tpu.memory_space<vmem>>, %arg3: memref<2x1024x128xf32, #tpu.memory_space<vmem>>, %arg4: memref<1x128xf32, #tpu.memory_space<vmem>>, %arg5: memref<128x128xf32, #tpu.memory_space<vmem>>, %arg6: memref<1024x128xf32, #tpu.memory_space<vmem>>) attributes {dimension_semantics = [#tpu.dimension_semantics<arbitrary>], iteration_bounds = array<i64: 10>, scalar_prefetch = 0 : i64, scratch_operands = 0 : i64, tpu.core_type = #tpu.core_type<tc>, window_params = [{transform_indices = @transform_0, window_bounds = array<i64: 2, 1024, 128>}, {transform_indices = @transform_1, window_bounds = array<i64: 1024, 128>}, {transform_indices = @transform_2, window_bounds = array<i64: 2, 1024, 128>}, {pipeline_mode = #tpu.pipeline_mode<synchronous>, transform_indices = @transform_3, window_bounds = array<i64: 1, 128>}, {pipeline_mode = #tpu.pipeline_mode<synchronous>, transform_indices = @transform_4, window_bounds = array<i64: 128, 128>}, {transform_indices = @transform_5, window_bounds = array<i64: 1024, 128>}]} {
    %get3A = arith.constant 0 : index
    %get3A_0 = arith.constant 0 : index
    %get3A_1 = arith.constant 0 : index
    %get3A_2 = vector.load %arg3[%get3A, %get3A_0, %get3A_1] : memref<2x1024x128xf32, #tpu.memory_space<vmem>>, vector<1x1024x1xf32>
    %get3A_3 = vector.shape_cast %get3A_2 : vector<1x1024x1xf32> to vector<1024x1xf32>
    %get3A_4 = arith.constant 1 : index
    %get3A_5 = arith.constant 0 : index
    %get3A_6 = arith.constant 0 : index
    %get3A_7 = vector.load %arg3[%get3A_4, %get3A_5, %get3A_6] : memref<2x1024x128xf32, #tpu.memory_space<vmem>>, vector<1x1024x1xf32>
    %get3A_8 = vector.shape_cast %get3A_7 : vector<1x1024x1xf32> to vector<1024x1xf32>
    %add3A = arith.addf %get3A_3, %get3A_8 : vector<1024x1xf32>
    %add3A_9 = arith.constant 1.000000e+00 : f32
    %add3A_10 = vector.broadcast %add3A_9 : f32 to vector<1024x1xf32>
    %add3A_11 = arith.addf %add3A, %add3A_10 : vector<1024x1xf32>
    %rsqrt3A = math.rsqrt %add3A_11 : vector<1024x1xf32>
    %get3A_12 = arith.constant 0 : index
    %get3A_13 = arith.constant 0 : index
    %get3A_14 = arith.constant 0 : index
    %get3A_15 = vector.load %arg1[%get3A_12, %get3A_13, %get3A_14] : memref<2x1024x128xf32, #tpu.memory_space<vmem>>, vector<1x1024x128xf32>
    %get3A_16 = vector.shape_cast %get3A_15 : vector<1x1024x128xf32> to vector<1024x128xf32>
    %get3A_17 = arith.constant 1 : index
    %get3A_18 = arith.constant 0 : index
    %get3A_19 = arith.constant 0 : index
    %get3A_20 = vector.load %arg1[%get3A_17, %get3A_18, %get3A_19] : memref<2x1024x128xf32, #tpu.memory_space<vmem>>, vector<1x1024x128xf32>
    %get3A_21 = vector.shape_cast %get3A_20 : vector<1x1024x128xf32> to vector<1024x128xf32>
    %add3A_22 = arith.addf %get3A_16, %get3A_21 : vector<1024x128xf32>
    %get3A_23 = arith.constant 0 : index
    %get3A_24 = arith.constant 0 : index
    %get3A_25 = vector.load %arg2[%get3A_23, %get3A_24] : memref<1024x128xf32, #tpu.memory_space<vmem>>, vector<1024x128xf32>
    %add3A_26 = arith.addf %add3A_22, %get3A_25 : vector<1024x128xf32>
    %mul3A = vector.broadcast %rsqrt3A : vector<1024x1xf32> to vector<1024x128xf32>
    %mul3A_27 = arith.mulf %mul3A, %add3A_26 : vector<1024x128xf32>
    %get3A_28 = arith.constant 0 : index
    %get3A_29 = arith.constant 0 : index
    %get3A_30 = vector.load %arg4[%get3A_28, %get3A_29] : memref<1x128xf32, #tpu.memory_space<vmem>>, vector<1x128xf32>
    %add3A_31 = vector.broadcast %get3A_30 : vector<1x128xf32> to vector<1024x128xf32>
    %add3A_32 = arith.addf %mul3A_27, %add3A_31 : vector<1024x128xf32>
    %max3A = arith.constant 0.000000e+00 : f32
    %max3A_33 = vector.broadcast %max3A : f32 to vector<1024x128xf32>
    %max3A_34 = arith.maximumf %add3A_32, %max3A_33 : vector<1024x128xf32>
    %get3A_35 = arith.constant 0 : index
    %get3A_36 = arith.constant 0 : index
    %get3A_37 = vector.load %arg5[%get3A_35, %get3A_36] : memref<128x128xf32, #tpu.memory_space<vmem>>, vector<128x128xf32>
    %dot_general3A = arith.constant dense<0.000000e+00> : vector<1024x128xf32>
    %dot_general3A_38 = tpu.matmul %max3A_34, %get3A_37, %dot_general3A {dimension_numbers = #tpu.dot_dimension_numbers<[1], [0], [0], [1], [0, 0, 1, 1], [], []>, transpose_lhs_hint = false} : vector<1024x128xf32>, vector<128x128xf32>, vector<1024x128xf32> -> vector<1024x128xf32>
    %mul3A_39 = vector.broadcast %rsqrt3A : vector<1024x1xf32> to vector<1024x128xf32>
    %mul3A_40 = arith.mulf %mul3A_39, %dot_general3A_38 : vector<1024x128xf32>
    %swap3A = arith.constant 0 : index
    %swap3A_41 = arith.constant 0 : index
    %swap3A_42 = vector.load %arg6[%swap3A, %swap3A_41] : memref<1024x128xf32, #tpu.memory_space<vmem>>, vector<1024x128xf32>
    tpu.vector_store %arg6[%swap3A, %swap3A_41], %mul3A_40 {strides = array<i32>} : memref<1024x128xf32, #tpu.memory_space<vmem>>, vector<1024x128xf32>,
    return
  }
  func.func @transform_0(%arg0: i32) -> (i32, i32, i32) {
    %c0_i32 = arith.constant 0 : i32
    %c0_i32_0 = arith.constant 0 : i32
    %c0_i32_1 = arith.constant 0 : i32
    return %c0_i32, %arg0, %c0_i32_0 : i32, i32, i32
  }
  func.func @transform_1(%arg0: i32) -> (i32, i32) {
    %c0_i32 = arith.constant 0 : i32
    %c0_i32_0 = arith.constant 0 : i32
    return %arg0, %c0_i32 : i32, i32
  }
  func.func @transform_2(%arg0: i32) -> (i32, i32, i32) {
    %c0_i32 = arith.constant 0 : i32
    %c0_i32_0 = arith.constant 0 : i32
    %c0_i32_1 = arith.constant 0 : i32
    return %c0_i32, %arg0, %c0_i32_0 : i32, i32, i32
  }
  func.func @transform_3(%arg0: i32) -> (i32, i32) {
    %c0_i32 = arith.constant 0 : i32
    %c0_i32_0 = arith.constant 0 : i32
    %c0_i32_1 = arith.constant 0 : i32
    return %c0_i32, %c0_i32_0 : i32, i32
  }
  func.func @transform_4(%arg0: i32) -> (i32, i32) {
    %c0_i32 = arith.constant 0 : i32
    %c0_i32_0 = arith.constant 0 : i32
    %c0_i32_1 = arith.constant 0 : i32
    return %c0_i32, %c0_i32_0 : i32, i32
  }
  func.func @transform_5(%arg0: i32) -> (i32, i32) {
    %c0_i32 = arith.constant 0 : i32
    %c0_i32_0 = arith.constant 0 : i32
    return %arg0, %c0_i32 : i32, i32
  }
}

module attributes {stable_mosaic.version = 14 : i64} {
  func.func @_head_body(%arg0: i32, %arg1: memref<2x1024x128xf32, #tpu.memory_space<vmem>>, %arg2: memref<1024x128xf32, #tpu.memory_space<vmem>>, %arg3: memref<2x1024x128xf32, #tpu.memory_space<vmem>>, %arg4: memref<1x128xf32, #tpu.memory_space<vmem>>, %arg5: memref<128x16xf32, #tpu.memory_space<vmem>>, %arg6: memref<1x16xf32, #tpu.memory_space<vmem>>, %arg7: memref<1024x16xf32, #tpu.memory_space<vmem>>) attributes {dimension_semantics = [#tpu.dimension_semantics<arbitrary>], iteration_bounds = array<i64: 10>, scalar_prefetch = 0 : i64, scratch_operands = 0 : i64, tpu.core_type = #tpu.core_type<tc>, window_params = [{transform_indices = @transform_0, window_bounds = array<i64: 2, 1024, 128>}, {transform_indices = @transform_1, window_bounds = array<i64: 1024, 128>}, {transform_indices = @transform_2, window_bounds = array<i64: 2, 1024, 128>}, {pipeline_mode = #tpu.pipeline_mode<synchronous>, transform_indices = @transform_3, window_bounds = array<i64: 1, 128>}, {pipeline_mode = #tpu.pipeline_mode<synchronous>, transform_indices = @transform_4, window_bounds = array<i64: 128, 16>}, {pipeline_mode = #tpu.pipeline_mode<synchronous>, transform_indices = @transform_5, window_bounds = array<i64: 1, 16>}, {transform_indices = @transform_6, window_bounds = array<i64: 1024, 16>}]} {
    %get3A = arith.constant 0 : index
    %get3A_0 = arith.constant 0 : index
    %get3A_1 = arith.constant 0 : index
    %get3A_2 = vector.load %arg3[%get3A, %get3A_0, %get3A_1] : memref<2x1024x128xf32, #tpu.memory_space<vmem>>, vector<1x1024x1xf32>
    %get3A_3 = vector.shape_cast %get3A_2 : vector<1x1024x1xf32> to vector<1024x1xf32>
    %get3A_4 = arith.constant 1 : index
    %get3A_5 = arith.constant 0 : index
    %get3A_6 = arith.constant 0 : index
    %get3A_7 = vector.load %arg3[%get3A_4, %get3A_5, %get3A_6] : memref<2x1024x128xf32, #tpu.memory_space<vmem>>, vector<1x1024x1xf32>
    %get3A_8 = vector.shape_cast %get3A_7 : vector<1x1024x1xf32> to vector<1024x1xf32>
    %add3A = arith.addf %get3A_3, %get3A_8 : vector<1024x1xf32>
    %add3A_9 = arith.constant 1.000000e+00 : f32
    %add3A_10 = vector.broadcast %add3A_9 : f32 to vector<1024x1xf32>
    %add3A_11 = arith.addf %add3A, %add3A_10 : vector<1024x1xf32>
    %rsqrt3A = math.rsqrt %add3A_11 : vector<1024x1xf32>
    %get3A_12 = arith.constant 0 : index
    %get3A_13 = arith.constant 0 : index
    %get3A_14 = arith.constant 0 : index
    %get3A_15 = vector.load %arg1[%get3A_12, %get3A_13, %get3A_14] : memref<2x1024x128xf32, #tpu.memory_space<vmem>>, vector<1x1024x128xf32>
    %get3A_16 = vector.shape_cast %get3A_15 : vector<1x1024x128xf32> to vector<1024x128xf32>
    %get3A_17 = arith.constant 1 : index
    %get3A_18 = arith.constant 0 : index
    %get3A_19 = arith.constant 0 : index
    %get3A_20 = vector.load %arg1[%get3A_17, %get3A_18, %get3A_19] : memref<2x1024x128xf32, #tpu.memory_space<vmem>>, vector<1x1024x128xf32>
    %get3A_21 = vector.shape_cast %get3A_20 : vector<1x1024x128xf32> to vector<1024x128xf32>
    %add3A_22 = arith.addf %get3A_16, %get3A_21 : vector<1024x128xf32>
    %get3A_23 = arith.constant 0 : index
    %get3A_24 = arith.constant 0 : index
    %get3A_25 = vector.load %arg2[%get3A_23, %get3A_24] : memref<1024x128xf32, #tpu.memory_space<vmem>>, vector<1024x128xf32>
    %add3A_26 = arith.addf %add3A_22, %get3A_25 : vector<1024x128xf32>
    %mul3A = vector.broadcast %rsqrt3A : vector<1024x1xf32> to vector<1024x128xf32>
    %mul3A_27 = arith.mulf %mul3A, %add3A_26 : vector<1024x128xf32>
    %get3A_28 = arith.constant 0 : index
    %get3A_29 = arith.constant 0 : index
    %get3A_30 = vector.load %arg4[%get3A_28, %get3A_29] : memref<1x128xf32, #tpu.memory_space<vmem>>, vector<1x128xf32>
    %add3A_31 = vector.broadcast %get3A_30 : vector<1x128xf32> to vector<1024x128xf32>
    %add3A_32 = arith.addf %mul3A_27, %add3A_31 : vector<1024x128xf32>
    %max3A = arith.constant 0.000000e+00 : f32
    %max3A_33 = vector.broadcast %max3A : f32 to vector<1024x128xf32>
    %max3A_34 = arith.maximumf %add3A_32, %max3A_33 : vector<1024x128xf32>
    %get3A_35 = arith.constant 0 : index
    %get3A_36 = arith.constant 0 : index
    %get3A_37 = vector.load %arg5[%get3A_35, %get3A_36] : memref<128x16xf32, #tpu.memory_space<vmem>>, vector<128x16xf32>
    %dot_general3A = arith.constant dense<0.000000e+00> : vector<1024x16xf32>
    %dot_general3A_38 = tpu.matmul %max3A_34, %get3A_37, %dot_general3A {dimension_numbers = #tpu.dot_dimension_numbers<[1], [0], [0], [1], [0, 0, 1, 1], [], []>, transpose_lhs_hint = false} : vector<1024x128xf32>, vector<128x16xf32>, vector<1024x16xf32> -> vector<1024x16xf32>
    %get3A_39 = arith.constant 0 : index
    %get3A_40 = arith.constant 0 : index
    %get3A_41 = vector.load %arg6[%get3A_39, %get3A_40] : memref<1x16xf32, #tpu.memory_space<vmem>>, vector<1x16xf32>
    %add3A_42 = vector.broadcast %get3A_41 : vector<1x16xf32> to vector<1024x16xf32>
    %add3A_43 = arith.addf %dot_general3A_38, %add3A_42 : vector<1024x16xf32>
    %swap3A = arith.constant 0 : index
    %swap3A_44 = arith.constant 0 : index
    %swap3A_45 = vector.load %arg7[%swap3A, %swap3A_44] : memref<1024x16xf32, #tpu.memory_space<vmem>>, vector<1024x16xf32>
    tpu.vector_store %arg7[%swap3A, %swap3A_44], %add3A_43 {strides = array<i32>} : memref<1024x16xf32, #tpu.memory_space<vmem>>, vector<1024x16xf32>,
    return
  }
  func.func @transform_0(%arg0: i32) -> (i32, i32, i32) {
    %c0_i32 = arith.constant 0 : i32
    %c0_i32_0 = arith.constant 0 : i32
    %c0_i32_1 = arith.constant 0 : i32
    return %c0_i32, %arg0, %c0_i32_0 : i32, i32, i32
  }
  func.func @transform_1(%arg0: i32) -> (i32, i32) {
    %c0_i32 = arith.constant 0 : i32
    %c0_i32_0 = arith.constant 0 : i32
    return %arg0, %c0_i32 : i32, i32
  }
  func.func @transform_2(%arg0: i32) -> (i32, i32, i32) {
    %c0_i32 = arith.constant 0 : i32
    %c0_i32_0 = arith.constant 0 : i32
    %c0_i32_1 = arith.constant 0 : i32
    return %c0_i32, %arg0, %c0_i32_0 : i32, i32, i32
  }
  func.func @transform_3(%arg0: i32) -> (i32, i32) {
    %c0_i32 = arith.constant 0 : i32
    %c0_i32_0 = arith.constant 0 : i32
    %c0_i32_1 = arith.constant 0 : i32
    return %c0_i32, %c0_i32_0 : i32, i32
  }
  func.func @transform_4(%arg0: i32) -> (i32, i32) {
    %c0_i32 = arith.constant 0 : i32
    %c0_i32_0 = arith.constant 0 : i32
    %c0_i32_1 = arith.constant 0 : i32
    return %c0_i32, %c0_i32_0 : i32, i32
  }
  func.func @transform_5(%arg0: i32) -> (i32, i32) {
    %c0_i32 = arith.constant 0 : i32
    %c0_i32_0 = arith.constant 0 : i32
    %c0_i32_1 = arith.constant 0 : i32
    return %c0_i32, %c0_i32_0 : i32, i32
  }
  func.func @transform_6(%arg0: i32) -> (i32, i32) {
    %c0_i32 = arith.constant 0 : i32
    %c0_i32_0 = arith.constant 0 : i32
    return %arg0, %c0_i32 : i32, i32
  }
}

</mosaic_0001>

<sc_bundles>
// kernel: kernel.12.cloned.1.call-start
scs
__scs_entry_jumppad:
0x0: {  	(pc) =	sbr.rel $0x88, $3  }
0x1: {  	(tag) =	ssettag $0x0;
	lr =	simm.s32 $0x1  }
0x2: {  	[smem:$0x3F99] =	sst lr;
	_ =	strace $0xD0000000  }
0x3: {  	_ = 	snop  }
0x4: {  	_ = 	snop  }
0x5: {  	_ = 	snop  }
0x6: {  	_ = 	snop  }
0x7: {  	_ = 	snop  }
__scs_overlays_trampoline_lowered:
0x8: {  	[smem:$0x3FA8] =	sst s0  }
0x9: {  	[smem:$0x3FA9] =	sst s1  }
0xa: {  	[smem:$0x3FAA] =	sst s2  }
0xb: {  	[smem:$0x3FAB] =	sst s3  }
0xc: {  	[smem:$0x3FAC] =	sst s4  }
0xd: {  	[smem:$0x3FAD] =	sst s5  }
0xe: {  	[smem:$0x3FAE] =	sst s6  }
0xf: {  	[smem:$0x3FAF] =	sst s7  }
0x10: {  	[smem:$0x3FB0] =	sst s8  }
0x11: {  	[smem:$0x3FB1] =	sst s9;
	s0 =	simm.s32 @!p0 $0x0  }
0x12: {  	s1 =	sld [smem:$0x3F97];
	s0 =	simm.s32 @p0 $0x1  }
0x13: {  	[smem:$0x3FB2] =	sst s0;
	s0 =	simm.s32 @!p1 $0x0  }
0x14: {  	s2 =	sld [smem:$0x3F96];
	s0 =	simm.s32 @p1 $0x1  }
0x15: {  	[smem:$0x3FB3] =	sst s0;
	s0 =	simm.s32 @!p2 $0x0  }
0x16: {  	s3 =	sld [smem:$0x3FDB];
	s0 =	simm.s32 @p2 $0x1  }
0x17: {  	s4 =	simm.s32 $0x1BF5;
	[smem:$0x3FB5] =	sst s0  }
0x18: {  	s0 =	sld [smem:$0x3F98];
	_ =	swait.ge [sflag:s4], $0x0  }
0x19: {  	s7 =	sld [smem:$0x3F99]  }
0x1a: {  	s8 =	sadd.s32 $0xFFFFE003, lr  }
0x1b: {  	s9 =	sadd.s32 $0xFFFFFEF7, lr;
	s5 =	simm.s32 $0xFFFFFFFF;
	p2 =	slt.u32 s8, $0xFFFFF086  }
0x1c: {  	p1 =	slt.u32 s9, $0xF7A;
	s5 =	simm.s32 @!p2 $0x0  }
0x1d: {  	s5 =	simm.s32 @p1 $0x1;
	p0 =	seq.s32 s7, s2  }
0x1e: {  	s7 =	smul.u32 @!p0 $0xF7A, s2;
	p2 =	seq.s32 @!p0 s5, $0x0  }
0x1f: {  	s9 =	smul.u32 $0xF7A, s1;
	s8 =	simm.s32 @!p0 $0x1BF5;
	p2 =	por !p2, p0  }
0x20: {  	[sflag:s8] =	ssyncset.s32 @!p0 $0xFFFFF086;
	s6 =	sadd.s32 @!p0 s3, s7;
	s7 =	simm.s32 @!p0 $0x108  }
0x21: {  	s3 =	sadd.s32 s3, s9;
	s6 =	sadd.s32 @!p0 $0x88, s6;
	s7 =	simm.s32 @p2 $0x1082  }
0x22: {  	[simem:s7], [sflag:s8] =	dma.local @!p0 [hbm:s6], $0xF7A  }
0x23: {  	s9 =	sor.u32 $0xD0000000, s2;
	s6 =	simm.s32 $0x108;
	_ =	swait.ge @!p0 [sflag:s8], $0x0  }
0x24: {  	s3 =	sadd.s32 $0x88, s3;
	s6 =	simm.s32 @!p1 $0x1082;
	[sflag:s4] =	ssyncset.s32 $0xFFFFF086  }
0x25: {  	[simem:s6], [sflag:s4] =	dma.local [hbm:s3], $0xF7A  }
0x26: {  	[smem:$0x3F99] =	sst s1;
	(tag) =	ssettag s2;
	_ =	strace s9  }
0x27: {  	s1 =	sld [smem:$0x3FA9]  }
0x28: {  	s2 =	sld [smem:$0x3FAA]  }
0x29: {  	s4 =	sld [smem:$0x3FAC]  }
0x2a: {  	p0 =	seq.s32 s5, $0x0;
	s5 =	sld [smem:$0x3FAD]  }
0x2b: {  	s6 =	sld [smem:$0x3FAE]  }
0x2c: {  	s7 =	sld [smem:$0x3FAF]  }
0x2d: {  	s3 =	simm.s32 $0x108;
	s8 =	sld [smem:$0x3FB0]  }
0x2e: {  	s3 =	simm.s32 @!p0 $0x1082;
	s9 =	sld [smem:$0x3FB1]  }
0x2f: {  	lr =	sadd.s32 s0, s3;
	s0 =	sld [smem:$0x3FA8]  }
0x30: {  	s3 =	sld [smem:$0x3FAB]  }
0x31: {  	[smem:$0x3FB4] =	sst s10  }
0x32: {  	s10 =	sld [smem:$0x3FB2];
	_ =	sdelay $0x3  }
0x33: {  	p0 =	seq.s32 s10, $0x1;
	s10 =	sld [smem:$0x3FB4];
	_ =	sdelay $0x3  }
0x34: {  	[smem:$0x3FB4] =	sst s10  }
0x35: {  	s10 =	sld [smem:$0x3FB3];
	_ =	sdelay $0x3  }
0x36: {  	p1 =	seq.s32 s10, $0x1;
	s10 =	sld [smem:$0x3FB4];
	_ =	sdelay $0x3  }
0x37: {  	[smem:$0x3FB4] =	sst s10  }
0x38: {  	s10 =	sld [smem:$0x3FB5]  }
0x39: {  	_ = 	snop;
	(pc) =	sbr.ind lr, $3  }
0x3a: {  	_ = 	snop  }
0x3b: {  	_ = 	snop  }
0x3c: {  	p2 =	seq.s32 s10, $0x1;
	s10 =	sld [smem:$0x3FB4]  }
0x3d: {  	_ =	shalt  }
0x3e: {  	_ =	shalt  }
0x3f: {  	_ =	shalt  }
0x40: {  	_ =	shalt  }
0x41: {  	_ =	shalt  }
0x42: {  	_ =	shalt  }
0x43: {  	_ =	shalt  }
0x44: {  	_ =	shalt  }
0x45: {  	_ =	shalt  }
0x46: {  	_ =	shalt  }
0x47: {  	_ =	shalt  }
0x48: {  	_ =	shalt  }
0x49: {  	_ =	shalt  }
0x4a: {  	_ =	shalt  }
0x4b: {  	_ =	shalt  }
0x4c: {  	_ =	shalt  }
0x4d: {  	_ =	shalt  }
0x4e: {  	_ =	shalt  }
0x4f: {  	_ =	shalt  }
0x50: {  	_ =	shalt  }
0x51: {  	_ =	shalt  }
0x52: {  	_ =	shalt  }
0x53: {  	_ =	shalt  }
0x54: {  	_ =	shalt  }
0x55: {  	_ =	shalt  }
0x56: {  	_ =	shalt  }
0x57: {  	_ =	shalt  }
0x58: {  	_ =	shalt  }
0x59: {  	_ =	shalt  }
0x5a: {  	_ =	shalt  }
0x5b: {  	_ =	shalt  }
0x5c: {  	_ =	shalt  }
0x5d: {  	_ =	shalt  }
0x5e: {  	_ =	shalt  }
0x5f: {  	_ =	shalt  }
0x60: {  	_ =	shalt  }
0x61: {  	_ =	shalt  }
0x62: {  	_ =	shalt  }
0x63: {  	_ =	shalt  }
0x64: {  	_ =	shalt  }
0x65: {  	_ =	shalt  }
0x66: {  	_ =	shalt  }
0x67: {  	_ =	shalt  }
0x68: {  	_ =	shalt  }
0x69: {  	_ =	shalt  }
0x6a: {  	_ =	shalt  }
0x6b: {  	_ =	shalt  }
0x6c: {  	_ =	shalt  }
0x6d: {  	_ =	shalt  }
0x6e: {  	_ =	shalt  }
0x6f: {  	_ =	shalt  }
0x70: {  	_ =	shalt  }
0x71: {  	_ =	shalt  }
0x72: {  	_ =	shalt  }
0x73: {  	_ =	shalt  }
0x74: {  	_ =	shalt  }
0x75: {  	_ =	shalt  }
0x76: {  	_ =	shalt  }
0x77: {  	_ =	shalt  }
0x78: {  	_ =	shalt  }
0x79: {  	_ =	shalt  }
0x7a: {  	_ =	shalt  }
0x7b: {  	_ =	shalt  }
0x7c: {  	_ =	shalt  }
0x7d: {  	_ =	shalt  }
0x7e: {  	_ =	shalt  }
0x7f: {  	_ =	shalt  }
0x80: {  	_ =	shalt  }
0x81: {  	_ =	shalt  }
0x82: {  	_ =	shalt  }
0x83: {  	_ =	shalt  }
0x84: {  	_ =	shalt  }
0x85: {  	_ =	shalt  }
0x86: {  	_ =	shalt  }
0x87: {  	_ =	shalt  }
.Lfunc_end0:
.L_simem_size_0:
called_computation.1_lowered:
.L_overlay_start_0:
0x88: {  	s2 =	sld [smem:$0x3FD9]  }
0x89: {  	s3 =	sld [smem:$0x3FFE];
	_ =	sdelay $0x1  }
0x8a: {  	s1 =	srdreg.scid  }
0x8b: {  	s0 =	sand.u32 $0x1, s1  }
0x8c: {  	s16 =	sshll.u32 s0, $0xA;
	s2 =	sadd.s32 s3, s2  }
0x8d: {  	s2 =	sadd.s32 s2, s16  }
0x8e: {  	[smem:$0x3FC0] =	sst s2  }
0x8f: {  	_ = 	snop  }
0x90: {  	(tm) =	ssettm $0x1  }
0x91: {  	s17 =	sld [smem:$0x3FFB];
	_ =	sdelay $0x3  }
0x92: {  	_ =	strace s17  }
0x93: {  	s2 =	sld [smem:$0x3FFC];
	_ =	sdelay $0x3  }
0x94: {  	_ =	strace s2  }
0x95: {  	s2 =	sld [smem:$0x3FFD];
	_ =	sdelay $0x3  }
0x96: {  	_ =	strace s2  }
0x97: {  	_ =	strace $0x8FFFFFFF  }
0x98: {  	s18 =	sld [smem:$0x3FDB];
	_ =	sdelay $0x1  }
0x99: {  	s19 =	simm.s32 $_scs_section_size  }
0x9a: {  	s4 =	simm.s32 $_size__tile_overlayer_lowered;
	s5 =	simm.s32 $_tile_overlayer_lowered  }
0x9b: {  	s22 =	simm.s32 $0x1BFF;
	s21 =	sshll.u32 s5, $0x1;
	s2 =	sadd.s32 s19, s18  }
0x9c: {  	s6 =	simm.s32 $0x0;
	s20 =	sshll.u32 s4, $0x1;
	s4 =	sadd.s32 s21, s2  }
0x9d: {  	[timem:s6], [sflag:s22] =	dma.local [hbm:s4], s20  }
0x9e: {  	_ =	swait.ge [sflag:s22], s20  }
0x9f: {  	s3 =	ssub.s32 $0x0, s20;
	[sflag:s22] =	ssyncset.done $0x0  }
0xa0: {  	[sflag:s22] =	ssyncadd.s32 s3;
	_ =	sdelay $0x1  }
0xa1: {  	s23 =	simm.s32 $0x1B8B  }
0xa2: {  	_ =	swait.ge [sflag:s23], $0x1  }
0xa3: {  	[sflag:s23] =	ssyncset.done $0x0  }
0xa4: {  	s25 =	simm.s32 $0x1B8E;
	s24 =	sld [smem:$0x3FFE];
	[sflag:s23] =	ssyncadd.s32 $0xFFFFFFFF  }
0xa5: {  	s26 =	simm.s32 $execute0_lowered;
	[smem:$0x3FD2] =	sst s25  }
0xa6: {  	s4 =	sshll.u32 s26, $0x1;
	_ =	strace $0x80000049;
	[dreg:$0x1] =	wrdreg $0xFFFFFFFF  }
0xa7: {  	s28 =	simm.s32 $_size_execute0_lowered;
	s2 =	sadd.s32 s2, s4;
	[dreg:$0x0] =	wrdreg $0x0  }
0xa8: {  	s4 =	sshll.u32 s28, $0x1;
	[dreg:$0x2] =	wrdreg s2  }
0xa9: {  	[dreg:$0x3] =	wrdreg s4  }
0xaa: {  	[dreg:$0x4] =	wrdreg $0xC0  }
0xab: {  	_ =	task [dreg:s6], $0x5FFFF  }
0xac: {  	[dreg:$0x1] =	wrdreg $0xFFFFFFFF  }
0xad: {  	[dreg:$0x0] =	wrdreg $0x60  }
0xae: {  	[dreg:$0x2] =	wrdreg s24  }
0xaf: {  	[dreg:$0x3] =	wrdreg $0x82000  }
0xb0: {  	[dreg:$0x4] =	wrdreg $0x9  }
0xb1: {  	_ =	task.clear_ibuf [dreg:s6], $0x5FFFF;
	_ =	strace $0x90000049  }
0xb2: {  	s29 =	simm.s32 $0x9;
	_ =	strace $0x8000004B  }
0xb3: {  	_ =	swait.ge [sflag:s29], $0x1  }
0xb4: {  	[sflag:s29] =	ssyncadd.s32 $0xFFFFFFFF  }
0xb5: {  	_ =	strace $0x9000004B  }
0xb6: {  	_ =	sfence  }
0xb7: {  	s30 =	sld [smem:$0x0];
	_ =	sdelay $0x2  }
0xb8: {  	s31 =	sshll.u32 s1, $0xD;
	s1 =	sshrl.u32 s1, $0x2  }
0xb9: {  	s3 =	sand.u32 $0x4000, s31;
	s1 =	sadd.s32 s1, s30  }
0xba: {  	s0 =	sor.u32 s3, s0;
	s1 =	sshll.u32 s1, $0x11  }
0xbb: {  	s0 =	sor.u32 s1, s0  }
0xbc: {  	s0 =	sadd.s32 $0x8F2B, s0  }
0xbd: {  	[sflag:s0] =	ssyncadd.remote.s32 $0x1  }
0xbe: {  	_ =	sfence.sel $0xFFFF  }
0xbf: {  	[dreg:$0x0] =	wrdreg $0xFFFFFFFF;
	(pc) =	sbr.abs _section_cstart, $3  }
0xc0: {  	[dreg:$0x1] =	wrdreg $0xFFFFFFFF  }
0xc1: {  	_ =	task.clear_ibuf [dreg:s6], $0x2FFFF;
	_ =	strace $0x9FFFFFFF  }
0xc2: {  	(tm) =	ssettm $0x7FFFFFFF  }
0xc3: {  	_ =	shalt  }
tec
execute0_lowered:
.L_overlay_start_1:
0x0: {  	(tag) =	ssettag $0x1  }
0x1: {  	s0 =	rddreg [dreg:$0x0]  }
0x2: {  	s1 =	rddreg [dreg:$0x1]  }
0x3: {  	s2 =	srdreg.scid;
	s3 =	simm.s32 $0x0;
	s10 =	stileid.u32  }
0x4: {  	s14 =	simm.s32 $0x49;
	s19 =	simm.s32 $0x200;
	s20 =	simm.s32 $0x7  }
0x5: {  	s28 =	simm.s32 $0x3;
	s29 =	simm.s32 $0x4;
	s6 =	smul.u32 $0x14000, s10  }
0x6: {  	s30 =	simm.s32 $0x5;
	s31 =	simm.s32 $0x6;
	s8 =	smul.u32 $0x50000, s10  }
0x7: {  	s2 =	sand.u32 $0x1, s2;
	[smem:$0x7FF] =	sst s3;
	s9 =	smul.u32 $0xC, s10  }
0x8: {  	s4 =	sadd.s32 $0x66600, s0;
	s7 =	sadd.s32 $0x5C600, s0;
	s10 =	smul.u32 $0x94, s10  }
0x9: {  	s13 =	sadd.s32 $0x2600, s0;
	s5 =	smul.u32 $0x140000, s2;
	s21 =	ssub.s32 $0x2, s2  }
0xa: {  	_ =	strace $0x8000004A;
	p0 =	seq.s32 s2, $0x0;
	s22 =	sshrl.u32 s21, $0x1  }
0xb: {  	s23 =	sshrl.u32 s8, $0x2;
	s2 =	sadd.s32 $0x940, s9;
	s14 =	simm.s32 @!p0 $0x5  }
0xc: {  	s5 =	sadd.s32 s6, s5;
	s6 =	ssub.s32 s21, s22;
	s2 =	smov.u32 @p0 s10  }
0xd: {  	s21 =	simm.s32 $0x100;
	s22 =	simm.s32 $0x80;
	s5 =	sshrl.u32 s5, $0x3  }
0xe: {  	s2 =	sshll.u32 s2, $0x4;
	s16 =	smax.u32 s6, $0x1;
	s0 =	sadd.s32 s5, s0  }
0xf: {  	s5 =	sadd.s32 s23, s1;
	s10 =	sadd.s32 s7, s2;
	s11 =	sadd.s32 s13, s2  }
0x10: {  	s2 =	sor.u32 $0x10, s2;
	s23 =	simm.s32 $0x180;
	s24 =	sadd.s32 $0x4000, s5  }
0x11: {  	s25 =	sadd.s32 $0x8000, s5;
	s26 =	sadd.s32 $0xC000, s5;
	s9 =	sadd.s32 $0x10000, s5  }
0x12: {  	s12 =	sadd.s32 s7, s2;
	s13 =	sadd.s32 s13, s2;
	[dreg:$0x3] =	wrdreg s24  }
0x13: {  	s15 =	sadd.s32 $0x8E600, s0;
	s17 =	sadd.s32 $0x30, s11;
	[dreg:$0x4] =	wrdreg s25  }
0x14: {  	s18 =	sadd.s32 $0x30, s10;
	s0 =	simm.s32 $0x0;
	[dreg:$0x5] =	wrdreg s26  }
0x15: {  	v0 =	vimm.f32 $0.0e+00;
	s24 =	simm.s32 $0x1;
	s25 =	simm.s32 $0x2;
	s26 =	simm.s32 $0x4200  }
.LBB2_1:
0x16: {  	s2 =	simm.s32 $0x0;
	s6 =	simm.s32 $0x200  }
.LBB2_2:
0x17: {  	p0 =	sne.s32 s6, $0xFE00;
	[tilespmem:s2+$0x270] =	vst v0  }
0x18: {  	[tilespmem:s2+$0x200] =	vst v0  }
0x19: {  	[tilespmem:s2+$0x210] =	vst v0  }
.Ltmp0:
0x1a: {  	[tilespmem:s2+$0x220] =	vst v0;
	(pc) =	sbr.rel @p0 .LBB2_2-.Ltmp0, $4  }
0x1b: {  	[tilespmem:s2+$0x230] =	vst v0  }
0x1c: {  	[tilespmem:s2+$0x240] =	vst v0  }
0x1d: {  	[tilespmem:s2+$0x250] =	vst v0  }
0x1e: {  	[tilespmem:s2+$0x260] =	vst v0;
	s2 =	sshra.s32 s6, $0x2;
	s6 =	sadd.s32 $0x200, s6  }
0x1f: {  	[tilespmem:s2+$0x270] =	vst v0  }
0x20: {  	[tilespmem:s2+$0x200] =	vst v0  }
0x21: {  	[tilespmem:s2+$0x210] =	vst v0  }
0x22: {  	[tilespmem:s2+$0x220] =	vst v0  }
0x23: {  	[tilespmem:s2+$0x230] =	vst v0  }
0x24: {  	[tilespmem:s2+$0x240] =	vst v0  }
0x25: {  	[tilespmem:s2+$0x250] =	vst v0  }
0x26: {  	[tilespmem:s2+$0x260] =	vst v0  }
0x27: {  	[spmem:s5] =	stream.linear.scatter [tilespmem:s19], [sflag:$0x7], $0x4000, $0x38;
	[tilespmem:$0x1C200] =	vst v63  }
0x28: {  	_ =	swait.ge [sflag:s20], $0x4000  }
0x29: {  	[sflag:s20] =	ssyncset.done $0x0  }
0x2a: {  	s7 =	rddreg [dreg:$0x3];
	[sflag:s20] =	ssyncadd.s32 $0xFFFFC000  }
0x2b: {  	[spmem:s7] =	stream.linear.scatter [tilespmem:s19], [sflag:$0x7], $0x4000, $0x38;
	[tilespmem:$0x1C200] =	vst v63  }
0x2c: {  	_ =	swait.ge [sflag:s20], $0x4000  }
0x2d: {  	[sflag:s20] =	ssyncset.done $0x0  }
0x2e: {  	s8 =	rddreg [dreg:$0x4];
	[sflag:s20] =	ssyncadd.s32 $0xFFFFC000  }
0x2f: {  	[spmem:s8] =	stream.linear.scatter [tilespmem:s19], [sflag:$0x7], $0x4000, $0x38;
	[tilespmem:$0x1C200] =	vst v63  }
0x30: {  	_ =	swait.ge [sflag:s20], $0x4000  }
0x31: {  	[sflag:s20] =	ssyncset.done $0x0  }
0x32: {  	s6 =	rddreg [dreg:$0x5];
	[sflag:s20] =	ssyncadd.s32 $0xFFFFC000  }
0x33: {  	[spmem:s6] =	stream.linear.scatter [tilespmem:s19], [sflag:$0x7], $0x4000, $0x38;
	[tilespmem:$0x1C200] =	vst v63  }
0x34: {  	_ =	swait.ge [sflag:s20], $0x4000  }
0x35: {  	[sflag:s20] =	ssyncset.done $0x0  }
0x36: {  	[sflag:s20] =	ssyncadd.s32 $0xFFFFC000  }
0x37: {  	[spmem:s9] =	stream.linear.scatter [tilespmem:s19], [sflag:$0x7], $0x4000, $0x38;
	[tilespmem:$0x1C200] =	vst v63  }
0x38: {  	_ =	swait.ge [sflag:s20], $0x4000  }
0x39: {  	[sflag:s20] =	ssyncset.done $0x0  }
0x3a: {  	[sflag:s20] =	ssyncadd.s32 $0xFFFFC000  }
0x3b: {  	[bflag:$0x0] =	sbarrier.arrive $0xFFFF  }
0x3c: {  	[tilespmem:s3], [sflag:$0x1] =	stream.linear.gather [hbm4b:s10+s3], $0x80, $0x38;
	[tilespmem:$0x1C200] =	vst v63  }
0x3d: {  	_ = 	snop  }
0x3e: {  	[tilespmem:s21], [sflag:$0x1] =	stream.linear.gather [hbm4b:s11+s3], $0x80, $0x38;
	[tilespmem:$0x1C200] =	vst v63  }
0x3f: {  	_ = 	snop  }
0x40: {  	[tilespmem:s22], [sflag:$0x2] =	stream.linear.gather [hbm4b:s12+s3], $0x80, $0x38;
	[tilespmem:$0x1C200] =	vst v63  }
0x41: {  	_ = 	snop  }
0x42: {  	[tilespmem:s23], [sflag:$0x2] =	stream.linear.gather [hbm4b:s13+s3], $0x80, $0x38;
	[tilespmem:$0x1C200] =	vst v63  }
0x43: {  	_ =	swait.ge [sflag:s24], $0x80  }
0x44: {  	[sflag:s24] =	ssyncset.done $0x0  }
0x45: {  	[sflag:s24] =	ssyncadd.s32 $0xFFFFFF80  }
0x46: {  	_ =	swait.ge [sflag:s24], $0x80  }
0x47: {  	[sflag:s24] =	ssyncset.done $0x0  }
0x48: {  	[sflag:s24] =	ssyncadd.s32 $0xFFFFFF80  }
0x49: {  	[tilespmem:s19], [sflag:$0x3] =	stream.indirect.gather [hbm4b:s4+s22], $0x80, s3, s22, $0xb8;
	[tilespmem:$0x1C200] =	vst v63  }
0x4a: {  	_ =	swait.ge [sflag:s25], $0x80  }
0x4b: {  	[sflag:s25] =	ssyncset.done $0x0  }
0x4c: {  	[sflag:s25] =	ssyncadd.s32 $0xFFFFFF80  }
0x4d: {  	_ =	swait.ge [sflag:s25], $0x80  }
0x4e: {  	[sflag:s25] =	ssyncset.done $0x0  }
0x4f: {  	[sflag:s25] =	ssyncadd.s32 $0xFFFFFF80  }
0x50: {  	[tilespmem:s26], [sflag:$0x4] =	stream.indirect.gather [hbm4b:s4+s22], $0x80, s22, s22, $0xb8;
	[tilespmem:$0x1C200] =	vst v63  }
0x51: {  	_ =	swait.ge [sflag:s28], $0x4000  }
0x52: {  	[sflag:s28] =	ssyncset.done $0x0  }
0x53: {  	[sflag:s28] =	ssyncadd.s32 $0xFFFFC000  }
0x54: {  	[spmem:s1] =	stream.indirect.scatter.add.f32 [tilespmem:s19], [sflag:$0x5], $0x80, s21, s22, $0xb8;
	[tilespmem:$0x1C200] =	vst v63  }
0x55: {  	_ =	swait.ge [sflag:s29], $0x4000  }
0x56: {  	[sflag:s29] =	ssyncset.done $0x0  }
0x57: {  	[sflag:s29] =	ssyncadd.s32 $0xFFFFC000  }
0x58: {  	[spmem:s1] =	stream.indirect.scatter.add.f32 [tilespmem:s26], [sflag:$0x6], $0x80, s23, s22, $0xb8;
	[tilespmem:$0x1C200] =	vst v63  }
0x59: {  	_ =	swait.ge [sflag:s30], $0x4000  }
0x5a: {  	[sflag:s30] =	ssyncset.done $0x0  }
0x5b: {  	s7 =	sadd.s32 $0xFFFFFFF0, s18;
	[sflag:s30] =	ssyncadd.s32 $0xFFFFC000  }
0x5c: {  	[tilespmem:s3], [sflag:$0x1] =	stream.linear.gather [hbm4b:s7+s3], $0x80, $0x38;
	[tilespmem:$0x1C200] =	vst v63  }
0x5d: {  	s8 =	sadd.s32 $0xFFFFFFF0, s17  }
0x5e: {  	[tilespmem:s21], [sflag:$0x1] =	stream.linear.gather [hbm4b:s8+s3], $0x80, $0x38;
	[tilespmem:$0x1C200] =	vst v63  }
0x5f: {  	_ =	swait.ge [sflag:s31], $0x4000  }
0x60: {  	[sflag:s31] =	ssyncset.done $0x0  }
0x61: {  	[sflag:s31] =	ssyncadd.s32 $0xFFFFC000  }
0x62: {  	[tilespmem:s22], [sflag:$0x2] =	stream.linear.gather [hbm4b:s18+s3], $0x80, $0x38;
	[tilespmem:$0x1C200] =	vst v63  }
0x63: {  	_ = 	snop  }
0x64: {  	[tilespmem:s23], [sflag:$0x2] =	stream.linear.gather [hbm4b:s17+s3], $0x80, $0x38;
	[tilespmem:$0x1C200] =	vst v63  }
0x65: {  	_ =	swait.ge [sflag:s24], $0x80  }
0x66: {  	[sflag:s24] =	ssyncset.done $0x0  }
0x67: {  	[sflag:s24] =	ssyncadd.s32 $0xFFFFFF80  }
0x68: {  	_ =	swait.ge [sflag:s24], $0x80  }
0x69: {  	[sflag:s24] =	ssyncset.done $0x0  }
0x6a: {  	[sflag:s24] =	ssyncadd.s32 $0xFFFFFF80  }
0x6b: {  	[tilespmem:s19], [sflag:$0x3] =	stream.indirect.gather [hbm4b:s4+s22], $0x80, s3, s22, $0xb8;
	[tilespmem:$0x1C200] =	vst v63  }
0x6c: {  	p0 =	sne.s32 s14, $0x1;
	_ =	swait.ge [sflag:s25], $0x80  }
.Ltmp1:
0x6d: {  	[sflag:s25] =	ssyncset.done $0x0;
	(pc) =	sbr.rel @!p0 .LBB2_5-.Ltmp1, $4  }
0x6e: {  	[sflag:s25] =	ssyncadd.s32 $0xFFFFFF80  }
0x6f: {  	_ =	swait.ge [sflag:s25], $0x80  }
0x70: {  	s2 =	sadd.s32 $0xFFFFFFFF, s14;
	[sflag:s25] =	ssyncset.done $0x0  }
0x71: {  	s6 =	sadd.s32 $0x20, s17;
	s7 =	sadd.s32 $0x20, s18;
	[sflag:s25] =	ssyncadd.s32 $0xFFFFFF80  }
.LBB2_4:
0x72: {  	[tilespmem:s26], [sflag:$0x4] =	stream.indirect.gather [hbm4b:s4+s22], $0x80, s22, s22, $0xb8;
	[tilespmem:$0x1C200] =	vst v63  }
0x73: {  	p0 =	sne.s32 s2, $0x1;
	s2 =	sadd.s32 $0xFFFFFFFF, s2;
	_ =	swait.ge [sflag:s28], $0x4000  }
0x74: {  	[sflag:s28] =	ssyncset.done $0x0  }
0x75: {  	[sflag:s28] =	ssyncadd.s32 $0xFFFFC000  }
0x76: {  	[spmem:s1] =	stream.indirect.scatter.add.f32 [tilespmem:s19], [sflag:$0x5], $0x80, s21, s22, $0xb8;
	[tilespmem:$0x1C200] =	vst v63  }
0x77: {  	_ =	swait.ge [sflag:s29], $0x4000  }
0x78: {  	[sflag:s29] =	ssyncset.done $0x0  }
0x79: {  	[sflag:s29] =	ssyncadd.s32 $0xFFFFC000  }
0x7a: {  	[spmem:s1] =	stream.indirect.scatter.add.f32 [tilespmem:s26], [sflag:$0x6], $0x80, s23, s22, $0xb8;
	[tilespmem:$0x1C200] =	vst v63  }
0x7b: {  	_ =	swait.ge [sflag:s30], $0x4000  }
0x7c: {  	[sflag:s30] =	ssyncset.done $0x0  }
0x7d: {  	s8 =	sadd.s32 $0xFFFFFFF0, s7;
	[sflag:s30] =	ssyncadd.s32 $0xFFFFC000  }
0x7e: {  	[tilespmem:s3], [sflag:$0x1] =	stream.linear.gather [hbm4b:s8+s3], $0x80, $0x38;
	[tilespmem:$0x1C200] =	vst v63  }
0x7f: {  	s8 =	sadd.s32 $0xFFFFFFF0, s6  }
0x80: {  	[tilespmem:s21], [sflag:$0x1] =	stream.linear.gather [hbm4b:s8+s3], $0x80, $0x38;
	[tilespmem:$0x1C200] =	vst v63  }
0x81: {  	_ =	swait.ge [sflag:s31], $0x4000  }
0x82: {  	[sflag:s31] =	ssyncset.done $0x0  }
0x83: {  	[sflag:s31] =	ssyncadd.s32 $0xFFFFC000  }
0x84: {  	[tilespmem:s22], [sflag:$0x2] =	stream.linear.gather [hbm4b:s7+s3], $0x80, $0x38;
	[tilespmem:$0x1C200] =	vst v63  }
0x85: {  	_ = 	snop  }
0x86: {  	[tilespmem:s23], [sflag:$0x2] =	stream.linear.gather [hbm4b:s6+s3], $0x80, $0x38;
	[tilespmem:$0x1C200] =	vst v63  }
0x87: {  	_ =	swait.ge [sflag:s24], $0x80  }
0x88: {  	[sflag:s24] =	ssyncset.done $0x0  }
0x89: {  	[sflag:s24] =	ssyncadd.s32 $0xFFFFFF80  }
0x8a: {  	_ =	swait.ge [sflag:s24], $0x80  }
0x8b: {  	[sflag:s24] =	ssyncset.done $0x0  }
0x8c: {  	[sflag:s24] =	ssyncadd.s32 $0xFFFFFF80  }
0x8d: {  	[tilespmem:s19], [sflag:$0x3] =	stream.indirect.gather [hbm4b:s4+s22], $0x80, s3, s22, $0xb8;
	[tilespmem:$0x1C200] =	vst v63  }
0x8e: {  	_ =	swait.ge [sflag:s25], $0x80  }
.Ltmp2:
0x8f: {  	[sflag:s25] =	ssyncset.done $0x0;
	(pc) =	sbr.rel @p0 .LBB2_4-.Ltmp2, $4  }
0x90: {  	[sflag:s25] =	ssyncadd.s32 $0xFFFFFF80  }
0x91: {  	_ =	swait.ge [sflag:s25], $0x80  }
0x92: {  	[sflag:s25] =	ssyncset.done $0x0  }
0x93: {  	s7 =	sadd.s32 $0x20, s7;
	s6 =	sadd.s32 $0x20, s6;
	[sflag:s25] =	ssyncadd.s32 $0xFFFFFF80  }
.LBB2_5:
0x94: {  	[tilespmem:s26], [sflag:$0x4] =	stream.indirect.gather [hbm4b:s4+s22], $0x80, s22, s22, $0xb8;
	[tilespmem:$0x1C200] =	vst v63  }
0x95: {  	_ =	swait.ge [sflag:s28], $0x4000  }
0x96: {  	[sflag:s28] =	ssyncset.done $0x0  }
0x97: {  	[sflag:s28] =	ssyncadd.s32 $0xFFFFC000  }
0x98: {  	[spmem:s1] =	stream.indirect.scatter.add.f32 [tilespmem:s19], [sflag:$0x5], $0x80, s21, s22, $0xb8;
	[tilespmem:$0x1C200] =	vst v63  }
0x99: {  	_ =	swait.ge [sflag:s29], $0x4000  }
0x9a: {  	[sflag:s29] =	ssyncset.done $0x0  }
0x9b: {  	[sflag:s29] =	ssyncadd.s32 $0xFFFFC000  }
0x9c: {  	[spmem:s1] =	stream.indirect.scatter.add.f32 [tilespmem:s26], [sflag:$0x6], $0x80, s23, s22, $0xb8;
	[tilespmem:$0x1C200] =	vst v63  }
0x9d: {  	_ =	swait.ge [sflag:s30], $0x4000  }
0x9e: {  	[sflag:s30] =	ssyncset.done $0x0  }
0x9f: {  	[sflag:s30] =	ssyncadd.s32 $0xFFFFC000  }
0xa0: {  	s2 =	stileid.u32;
	_ =	swait.ge [sflag:s31], $0x4000  }
0xa1: {  	s6 =	sshrl.u32 s5, $0x3;
	s0 =	sadd.s32 $0x1, s0;
	[sflag:s31] =	ssyncset.done $0x0  }
0xa2: {  	s2 =	sshll.u32 s2, $0x6;
	p0 =	sne.s32 s0, s16;
	[sflag:s31] =	ssyncadd.s32 $0xFFFFC000  }
.Ltmp3:
0xa3: {  	s2 =	sor.u32 $0x1C07, s2;
	[bflag:$0x0] =	sbarrier.arrive $0xFFFF;
	(pc) =	sbr.rel @p0 .LBB2_1-.Ltmp3, $4  }
0xa4: {  	[hbm:s15], [sflag:s2] =	dma.local [spmem:s6], $0x2800  }
0xa5: {  	_ =	swait.ge [sflag:s20], $0x2800  }
0xa6: {  	[sflag:s20] =	ssyncset.done $0x0  }
0xa7: {  	[sflag:s20] =	ssyncadd.s32 $0xFFFFD800  }
0xa8: {  	_ =	sfence.sel $0x180000  }
0xa9: {  	[bflag:$0x0] =	sbarrier.arrive $0xFFFF  }
0xaa: {  	_ =	strace $0x9000004A  }
0xab: {  	s0 =	stileid.u32;
	[bflag:$0x2] =	sbarrier.arrive $0xFFFF  }
0xac: {  	p0 =	sne.s32 s0, $0x0;
	s0 =	rddreg [dreg:$0x2]  }
0xad: {  	s0 =	sadd.s32 @!p0 $0x100000, s0  }
0xae: {  	[sflag:s0] =	ssyncadd.tile.s32 @!p0 $0x1;
	_ =	shalt  }
.Lfunc_end2:
_tile_overlayer_lowered:
.L_overlay_start_2:
0xaf: {  	(tag) =	ssettag $0x2  }
0xb0: {  	s0 =	rddreg [dreg:$0x0];
	s2 =	stileid.u32  }
0xb1: {  	s1 =	rddreg [dreg:$0x1];
	p0 =	sne.s32 s2, $0x0  }
0xb2: {  	s3 =	rddreg [dreg:$0x2];
	[bflag:$0x3] =	sbarrier.arrive $0xFFFF;
	s2 =	simm.s32 @!p0 $0x1C07  }
0xb3: {  	[timem:s3], [sflag:s2] =	dma.local @!p0 [hbm:s0], s1  }
0xb4: {  	s0 =	simm.s32 @!p0 $0x7  }
0xb5: {  	_ =	swait.ge @!p0 [sflag:s0], s1  }
0xb6: {  	s1 =	ssub.s32 @!p0 $0x0, s1;
	[sflag:s0] =	ssyncset.done @!p0 $0x0  }
0xb7: {  	[sflag:s0] =	ssyncadd.s32 @!p0 s1  }
0xb8: {  	[bflag:$0x3] =	sbarrier.arrive $0xFFFF  }
0xb9: {  	_ =	shalt  }

// kernel: kernel.15.cloned.1.call-start
scs
__scs_entry_jumppad:
0x0: {  	(pc) =	sbr.rel $0x88, $3  }
0x1: {  	(tag) =	ssettag $0x0;
	lr =	simm.s32 $0x1  }
0x2: {  	[smem:$0x3F99] =	sst lr;
	_ =	strace $0xD0000000  }
0x3: {  	_ = 	snop  }
0x4: {  	_ = 	snop  }
0x5: {  	_ = 	snop  }
0x6: {  	_ = 	snop  }
0x7: {  	_ = 	snop  }
__scs_overlays_trampoline_lowered:
0x8: {  	[smem:$0x3FA8] =	sst s0  }
0x9: {  	[smem:$0x3FA9] =	sst s1  }
0xa: {  	[smem:$0x3FAA] =	sst s2  }
0xb: {  	[smem:$0x3FAB] =	sst s3  }
0xc: {  	[smem:$0x3FAC] =	sst s4  }
0xd: {  	[smem:$0x3FAD] =	sst s5  }
0xe: {  	[smem:$0x3FAE] =	sst s6  }
0xf: {  	[smem:$0x3FAF] =	sst s7  }
0x10: {  	[smem:$0x3FB0] =	sst s8  }
0x11: {  	[smem:$0x3FB1] =	sst s9;
	s0 =	simm.s32 @!p0 $0x0  }
0x12: {  	s1 =	sld [smem:$0x3F97];
	s0 =	simm.s32 @p0 $0x1  }
0x13: {  	[smem:$0x3FB2] =	sst s0;
	s0 =	simm.s32 @!p1 $0x0  }
0x14: {  	s2 =	sld [smem:$0x3F96];
	s0 =	simm.s32 @p1 $0x1  }
0x15: {  	[smem:$0x3FB3] =	sst s0;
	s0 =	simm.s32 @!p2 $0x0  }
0x16: {  	s3 =	sld [smem:$0x3FDB];
	s0 =	simm.s32 @p2 $0x1  }
0x17: {  	s4 =	simm.s32 $0x1BF5;
	[smem:$0x3FB5] =	sst s0  }
0x18: {  	s0 =	sld [smem:$0x3F98];
	_ =	swait.ge [sflag:s4], $0x0  }
0x19: {  	s7 =	sld [smem:$0x3F99]  }
0x1a: {  	s8 =	sadd.s32 $0xFFFFE003, lr  }
0x1b: {  	s9 =	sadd.s32 $0xFFFFFEF7, lr;
	s5 =	simm.s32 $0xFFFFFFFF;
	p2 =	slt.u32 s8, $0xFFFFF086  }
0x1c: {  	p1 =	slt.u32 s9, $0xF7A;
	s5 =	simm.s32 @!p2 $0x0  }
0x1d: {  	s5 =	simm.s32 @p1 $0x1;
	p0 =	seq.s32 s7, s2  }
0x1e: {  	s7 =	smul.u32 @!p0 $0xF7A, s2;
	p2 =	seq.s32 @!p0 s5, $0x0  }
0x1f: {  	s9 =	smul.u32 $0xF7A, s1;
	s8 =	simm.s32 @!p0 $0x1BF5;
	p2 =	por !p2, p0  }
0x20: {  	[sflag:s8] =	ssyncset.s32 @!p0 $0xFFFFF086;
	s6 =	sadd.s32 @!p0 s3, s7;
	s7 =	simm.s32 @!p0 $0x108  }
0x21: {  	s3 =	sadd.s32 s3, s9;
	s6 =	sadd.s32 @!p0 $0x88, s6;
	s7 =	simm.s32 @p2 $0x1082  }
0x22: {  	[simem:s7], [sflag:s8] =	dma.local @!p0 [hbm:s6], $0xF7A  }
0x23: {  	s9 =	sor.u32 $0xD0000000, s2;
	s6 =	simm.s32 $0x108;
	_ =	swait.ge @!p0 [sflag:s8], $0x0  }
0x24: {  	s3 =	sadd.s32 $0x88, s3;
	s6 =	simm.s32 @!p1 $0x1082;
	[sflag:s4] =	ssyncset.s32 $0xFFFFF086  }
0x25: {  	[simem:s6], [sflag:s4] =	dma.local [hbm:s3], $0xF7A  }
0x26: {  	[smem:$0x3F99] =	sst s1;
	(tag) =	ssettag s2;
	_ =	strace s9  }
0x27: {  	s1 =	sld [smem:$0x3FA9]  }
0x28: {  	s2 =	sld [smem:$0x3FAA]  }
0x29: {  	s4 =	sld [smem:$0x3FAC]  }
0x2a: {  	p0 =	seq.s32 s5, $0x0;
	s5 =	sld [smem:$0x3FAD]  }
0x2b: {  	s6 =	sld [smem:$0x3FAE]  }
0x2c: {  	s7 =	sld [smem:$0x3FAF]  }
0x2d: {  	s3 =	simm.s32 $0x108;
	s8 =	sld [smem:$0x3FB0]  }
0x2e: {  	s3 =	simm.s32 @!p0 $0x1082;
	s9 =	sld [smem:$0x3FB1]  }
0x2f: {  	lr =	sadd.s32 s0, s3;
	s0 =	sld [smem:$0x3FA8]  }
0x30: {  	s3 =	sld [smem:$0x3FAB]  }
0x31: {  	[smem:$0x3FB4] =	sst s10  }
0x32: {  	s10 =	sld [smem:$0x3FB2];
	_ =	sdelay $0x3  }
0x33: {  	p0 =	seq.s32 s10, $0x1;
	s10 =	sld [smem:$0x3FB4];
	_ =	sdelay $0x3  }
0x34: {  	[smem:$0x3FB4] =	sst s10  }
0x35: {  	s10 =	sld [smem:$0x3FB3];
	_ =	sdelay $0x3  }
0x36: {  	p1 =	seq.s32 s10, $0x1;
	s10 =	sld [smem:$0x3FB4];
	_ =	sdelay $0x3  }
0x37: {  	[smem:$0x3FB4] =	sst s10  }
0x38: {  	s10 =	sld [smem:$0x3FB5]  }
0x39: {  	_ = 	snop;
	(pc) =	sbr.ind lr, $3  }
0x3a: {  	_ = 	snop  }
0x3b: {  	_ = 	snop  }
0x3c: {  	p2 =	seq.s32 s10, $0x1;
	s10 =	sld [smem:$0x3FB4]  }
0x3d: {  	_ =	shalt  }
0x3e: {  	_ =	shalt  }
0x3f: {  	_ =	shalt  }
0x40: {  	_ =	shalt  }
0x41: {  	_ =	shalt  }
0x42: {  	_ =	shalt  }
0x43: {  	_ =	shalt  }
0x44: {  	_ =	shalt  }
0x45: {  	_ =	shalt  }
0x46: {  	_ =	shalt  }
0x47: {  	_ =	shalt  }
0x48: {  	_ =	shalt  }
0x49: {  	_ =	shalt  }
0x4a: {  	_ =	shalt  }
0x4b: {  	_ =	shalt  }
0x4c: {  	_ =	shalt  }
0x4d: {  	_ =	shalt  }
0x4e: {  	_ =	shalt  }
0x4f: {  	_ =	shalt  }
0x50: {  	_ =	shalt  }
0x51: {  	_ =	shalt  }
0x52: {  	_ =	shalt  }
0x53: {  	_ =	shalt  }
0x54: {  	_ =	shalt  }
0x55: {  	_ =	shalt  }
0x56: {  	_ =	shalt  }
0x57: {  	_ =	shalt  }
0x58: {  	_ =	shalt  }
0x59: {  	_ =	shalt  }
0x5a: {  	_ =	shalt  }
0x5b: {  	_ =	shalt  }
0x5c: {  	_ =	shalt  }
0x5d: {  	_ =	shalt  }
0x5e: {  	_ =	shalt  }
0x5f: {  	_ =	shalt  }
0x60: {  	_ =	shalt  }
0x61: {  	_ =	shalt  }
0x62: {  	_ =	shalt  }
0x63: {  	_ =	shalt  }
0x64: {  	_ =	shalt  }
0x65: {  	_ =	shalt  }
0x66: {  	_ =	shalt  }
0x67: {  	_ =	shalt  }
0x68: {  	_ =	shalt  }
0x69: {  	_ =	shalt  }
0x6a: {  	_ =	shalt  }
0x6b: {  	_ =	shalt  }
0x6c: {  	_ =	shalt  }
0x6d: {  	_ =	shalt  }
0x6e: {  	_ =	shalt  }
0x6f: {  	_ =	shalt  }
0x70: {  	_ =	shalt  }
0x71: {  	_ =	shalt  }
0x72: {  	_ =	shalt  }
0x73: {  	_ =	shalt  }
0x74: {  	_ =	shalt  }
0x75: {  	_ =	shalt  }
0x76: {  	_ =	shalt  }
0x77: {  	_ =	shalt  }
0x78: {  	_ =	shalt  }
0x79: {  	_ =	shalt  }
0x7a: {  	_ =	shalt  }
0x7b: {  	_ =	shalt  }
0x7c: {  	_ =	shalt  }
0x7d: {  	_ =	shalt  }
0x7e: {  	_ =	shalt  }
0x7f: {  	_ =	shalt  }
0x80: {  	_ =	shalt  }
0x81: {  	_ =	shalt  }
0x82: {  	_ =	shalt  }
0x83: {  	_ =	shalt  }
0x84: {  	_ =	shalt  }
0x85: {  	_ =	shalt  }
0x86: {  	_ =	shalt  }
0x87: {  	_ =	shalt  }
.Lfunc_end0:
.L_simem_size_0:
called_computation.2_lowered:
.L_overlay_start_0:
0x88: {  	s2 =	sld [smem:$0x3FD9]  }
0x89: {  	s3 =	sld [smem:$0x3FFE];
	_ =	sdelay $0x1  }
0x8a: {  	s1 =	srdreg.scid  }
0x8b: {  	s0 =	sand.u32 $0x1, s1  }
0x8c: {  	s16 =	sshll.u32 s0, $0xA;
	s2 =	sadd.s32 s3, s2  }
0x8d: {  	s2 =	sadd.s32 s2, s16  }
0x8e: {  	[smem:$0x3FC0] =	sst s2  }
0x8f: {  	_ = 	snop  }
0x90: {  	(tm) =	ssettm $0x1  }
0x91: {  	s17 =	sld [smem:$0x3FFB];
	_ =	sdelay $0x3  }
0x92: {  	_ =	strace s17  }
0x93: {  	s2 =	sld [smem:$0x3FFC];
	_ =	sdelay $0x3  }
0x94: {  	_ =	strace s2  }
0x95: {  	s2 =	sld [smem:$0x3FFD];
	_ =	sdelay $0x3  }
0x96: {  	_ =	strace s2  }
0x97: {  	_ =	strace $0x8FFFFFFF  }
0x98: {  	s18 =	sld [smem:$0x3FDB];
	_ =	sdelay $0x1  }
0x99: {  	s19 =	simm.s32 $_scs_section_size  }
0x9a: {  	s4 =	simm.s32 $_size__tile_overlayer_lowered;
	s5 =	simm.s32 $_tile_overlayer_lowered  }
0x9b: {  	s22 =	simm.s32 $0x1BFF;
	s21 =	sshll.u32 s5, $0x1;
	s2 =	sadd.s32 s19, s18  }
0x9c: {  	s6 =	simm.s32 $0x0;
	s20 =	sshll.u32 s4, $0x1;
	s4 =	sadd.s32 s21, s2  }
0x9d: {  	[timem:s6], [sflag:s22] =	dma.local [hbm:s4], s20  }
0x9e: {  	_ =	swait.ge [sflag:s22], s20  }
0x9f: {  	s3 =	ssub.s32 $0x0, s20;
	[sflag:s22] =	ssyncset.done $0x0  }
0xa0: {  	[sflag:s22] =	ssyncadd.s32 s3;
	_ =	sdelay $0x1  }
0xa1: {  	s23 =	simm.s32 $0x1B8B  }
0xa2: {  	_ =	swait.ge [sflag:s23], $0x1  }
0xa3: {  	[sflag:s23] =	ssyncset.done $0x0  }
0xa4: {  	s25 =	simm.s32 $0x1B8E;
	s24 =	sld [smem:$0x3FFE];
	[sflag:s23] =	ssyncadd.s32 $0xFFFFFFFF  }
0xa5: {  	s26 =	simm.s32 $execute0_lowered;
	[smem:$0x3FD2] =	sst s25  }
0xa6: {  	s4 =	sshll.u32 s26, $0x1;
	_ =	strace $0x8000004C;
	[dreg:$0x1] =	wrdreg $0xFFFFFFFF  }
0xa7: {  	s28 =	simm.s32 $_size_execute0_lowered;
	s2 =	sadd.s32 s2, s4;
	[dreg:$0x0] =	wrdreg $0x0  }
0xa8: {  	s4 =	sshll.u32 s28, $0x1;
	[dreg:$0x2] =	wrdreg s2  }
0xa9: {  	[dreg:$0x3] =	wrdreg s4  }
0xaa: {  	[dreg:$0x4] =	wrdreg $0xC0  }
0xab: {  	_ =	task [dreg:s6], $0x5FFFF  }
0xac: {  	[dreg:$0x1] =	wrdreg $0xFFFFFFFF  }
0xad: {  	[dreg:$0x0] =	wrdreg $0x60  }
0xae: {  	[dreg:$0x2] =	wrdreg s24  }
0xaf: {  	[dreg:$0x3] =	wrdreg $0x82000  }
0xb0: {  	[dreg:$0x4] =	wrdreg $0x9  }
0xb1: {  	_ =	task.clear_ibuf [dreg:s6], $0x5FFFF;
	_ =	strace $0x9000004C  }
0xb2: {  	s29 =	simm.s32 $0x9;
	_ =	strace $0x8000004E  }
0xb3: {  	_ =	swait.ge [sflag:s29], $0x1  }
0xb4: {  	[sflag:s29] =	ssyncadd.s32 $0xFFFFFFFF  }
0xb5: {  	_ =	strace $0x9000004E  }
0xb6: {  	_ =	sfence  }
0xb7: {  	s30 =	sld [smem:$0x0];
	_ =	sdelay $0x2  }
0xb8: {  	s31 =	sshll.u32 s1, $0xD;
	s1 =	sshrl.u32 s1, $0x2  }
0xb9: {  	s3 =	sand.u32 $0x4000, s31;
	s1 =	sadd.s32 s1, s30  }
0xba: {  	s0 =	sor.u32 s3, s0;
	s1 =	sshll.u32 s1, $0x11  }
0xbb: {  	s0 =	sor.u32 s1, s0  }
0xbc: {  	s0 =	sadd.s32 $0x8F2B, s0  }
0xbd: {  	[sflag:s0] =	ssyncadd.remote.s32 $0x1  }
0xbe: {  	_ =	sfence.sel $0xFFFF  }
0xbf: {  	[dreg:$0x0] =	wrdreg $0xFFFFFFFF;
	(pc) =	sbr.abs _section_cstart, $3  }
0xc0: {  	[dreg:$0x1] =	wrdreg $0xFFFFFFFF  }
0xc1: {  	_ =	task.clear_ibuf [dreg:s6], $0x2FFFF;
	_ =	strace $0x9FFFFFFF  }
0xc2: {  	(tm) =	ssettm $0x7FFFFFFF  }
0xc3: {  	_ =	shalt  }
tec
execute0_lowered:
.L_overlay_start_1:
0x0: {  	(tag) =	ssettag $0x1  }
0x1: {  	s0 =	rddreg [dreg:$0x0]  }
0x2: {  	s1 =	rddreg [dreg:$0x1]  }
0x3: {  	s2 =	srdreg.scid;
	s3 =	simm.s32 $0x0;
	s10 =	stileid.u32  }
0x4: {  	s14 =	simm.s32 $0x49;
	s19 =	simm.s32 $0x200;
	s20 =	simm.s32 $0x7  }
0x5: {  	s28 =	simm.s32 $0x3;
	s29 =	simm.s32 $0x4;
	s6 =	smul.u32 $0x14000, s10  }
0x6: {  	s30 =	simm.s32 $0x5;
	s31 =	simm.s32 $0x6;
	s8 =	smul.u32 $0x50000, s10  }
0x7: {  	s2 =	sand.u32 $0x1, s2;
	[smem:$0x7FF] =	sst s3;
	s9 =	smul.u32 $0xC, s10  }
0x8: {  	s4 =	sadd.s32 $0x66600, s0;
	s7 =	sadd.s32 $0x5C600, s0;
	s10 =	smul.u32 $0x94, s10  }
0x9: {  	s13 =	sadd.s32 $0x2600, s0;
	s5 =	smul.u32 $0x140000, s2;
	s21 =	ssub.s32 $0x2, s2  }
0xa: {  	_ =	strace $0x8000004D;
	p0 =	seq.s32 s2, $0x0;
	s22 =	sshrl.u32 s21, $0x1  }
0xb: {  	s23 =	sshrl.u32 s8, $0x2;
	s2 =	sadd.s32 $0x940, s9;
	s14 =	simm.s32 @!p0 $0x5  }
0xc: {  	s5 =	sadd.s32 s6, s5;
	s6 =	ssub.s32 s21, s22;
	s2 =	smov.u32 @p0 s10  }
0xd: {  	s21 =	simm.s32 $0x100;
	s22 =	simm.s32 $0x80;
	s5 =	sshrl.u32 s5, $0x3  }
0xe: {  	s2 =	sshll.u32 s2, $0x4;
	s16 =	smax.u32 s6, $0x1;
	s0 =	sadd.s32 s5, s0  }
0xf: {  	s5 =	sadd.s32 s23, s1;
	s10 =	sadd.s32 s7, s2;
	s11 =	sadd.s32 s13, s2  }
0x10: {  	s2 =	sor.u32 $0x10, s2;
	s23 =	simm.s32 $0x180;
	s24 =	sadd.s32 $0x4000, s5  }
0x11: {  	s25 =	sadd.s32 $0x8000, s5;
	s26 =	sadd.s32 $0xC000, s5;
	s9 =	sadd.s32 $0x10000, s5  }
0x12: {  	s12 =	sadd.s32 s7, s2;
	s13 =	sadd.s32 s13, s2;
	[dreg:$0x3] =	wrdreg s24  }
0x13: {  	s15 =	sadd.s32 $0x8E600, s0;
	s17 =	sadd.s32 $0x30, s11;
	[dreg:$0x4] =	wrdreg s25  }
0x14: {  	s18 =	sadd.s32 $0x30, s10;
	s0 =	simm.s32 $0x0;
	[dreg:$0x5] =	wrdreg s26  }
0x15: {  	v0 =	vimm.f32 $0.0e+00;
	s24 =	simm.s32 $0x1;
	s25 =	simm.s32 $0x2;
	s26 =	simm.s32 $0x4200  }
.LBB2_1:
0x16: {  	s2 =	simm.s32 $0x0;
	s6 =	simm.s32 $0x200  }
.LBB2_2:
0x17: {  	p0 =	sne.s32 s6, $0xFE00;
	[tilespmem:s2+$0x270] =	vst v0  }
0x18: {  	[tilespmem:s2+$0x200] =	vst v0  }
0x19: {  	[tilespmem:s2+$0x210] =	vst v0  }
.Ltmp0:
0x1a: {  	[tilespmem:s2+$0x220] =	vst v0;
	(pc) =	sbr.rel @p0 .LBB2_2-.Ltmp0, $4  }
0x1b: {  	[tilespmem:s2+$0x230] =	vst v0  }
0x1c: {  	[tilespmem:s2+$0x240] =	vst v0  }
0x1d: {  	[tilespmem:s2+$0x250] =	vst v0  }
0x1e: {  	[tilespmem:s2+$0x260] =	vst v0;
	s2 =	sshra.s32 s6, $0x2;
	s6 =	sadd.s32 $0x200, s6  }
0x1f: {  	[tilespmem:s2+$0x270] =	vst v0  }
0x20: {  	[tilespmem:s2+$0x200] =	vst v0  }
0x21: {  	[tilespmem:s2+$0x210] =	vst v0  }
0x22: {  	[tilespmem:s2+$0x220] =	vst v0  }
0x23: {  	[tilespmem:s2+$0x230] =	vst v0  }
0x24: {  	[tilespmem:s2+$0x240] =	vst v0  }
0x25: {  	[tilespmem:s2+$0x250] =	vst v0  }
0x26: {  	[tilespmem:s2+$0x260] =	vst v0  }
0x27: {  	[spmem:s5] =	stream.linear.scatter [tilespmem:s19], [sflag:$0x7], $0x4000, $0x38;
	[tilespmem:$0x1C200] =	vst v63  }
0x28: {  	_ =	swait.ge [sflag:s20], $0x4000  }
0x29: {  	[sflag:s20] =	ssyncset.done $0x0  }
0x2a: {  	s7 =	rddreg [dreg:$0x3];
	[sflag:s20] =	ssyncadd.s32 $0xFFFFC000  }
0x2b: {  	[spmem:s7] =	stream.linear.scatter [tilespmem:s19], [sflag:$0x7], $0x4000, $0x38;
	[tilespmem:$0x1C200] =	vst v63  }
0x2c: {  	_ =	swait.ge [sflag:s20], $0x4000  }
0x2d: {  	[sflag:s20] =	ssyncset.done $0x0  }
0x2e: {  	s8 =	rddreg [dreg:$0x4];
	[sflag:s20] =	ssyncadd.s32 $0xFFFFC000  }
0x2f: {  	[spmem:s8] =	stream.linear.scatter [tilespmem:s19], [sflag:$0x7], $0x4000, $0x38;
	[tilespmem:$0x1C200] =	vst v63  }
0x30: {  	_ =	swait.ge [sflag:s20], $0x4000  }
0x31: {  	[sflag:s20] =	ssyncset.done $0x0  }
0x32: {  	s6 =	rddreg [dreg:$0x5];
	[sflag:s20] =	ssyncadd.s32 $0xFFFFC000  }
0x33: {  	[spmem:s6] =	stream.linear.scatter [tilespmem:s19], [sflag:$0x7], $0x4000, $0x38;
	[tilespmem:$0x1C200] =	vst v63  }
0x34: {  	_ =	swait.ge [sflag:s20], $0x4000  }
0x35: {  	[sflag:s20] =	ssyncset.done $0x0  }
0x36: {  	[sflag:s20] =	ssyncadd.s32 $0xFFFFC000  }
0x37: {  	[spmem:s9] =	stream.linear.scatter [tilespmem:s19], [sflag:$0x7], $0x4000, $0x38;
	[tilespmem:$0x1C200] =	vst v63  }
0x38: {  	_ =	swait.ge [sflag:s20], $0x4000  }
0x39: {  	[sflag:s20] =	ssyncset.done $0x0  }
0x3a: {  	[sflag:s20] =	ssyncadd.s32 $0xFFFFC000  }
0x3b: {  	[bflag:$0x0] =	sbarrier.arrive $0xFFFF  }
0x3c: {  	[tilespmem:s3], [sflag:$0x1] =	stream.linear.gather [hbm4b:s10+s3], $0x80, $0x38;
	[tilespmem:$0x1C200] =	vst v63  }
0x3d: {  	_ = 	snop  }
0x3e: {  	[tilespmem:s21], [sflag:$0x1] =	stream.linear.gather [hbm4b:s11+s3], $0x80, $0x38;
	[tilespmem:$0x1C200] =	vst v63  }
0x3f: {  	_ = 	snop  }
0x40: {  	[tilespmem:s22], [sflag:$0x2] =	stream.linear.gather [hbm4b:s12+s3], $0x80, $0x38;
	[tilespmem:$0x1C200] =	vst v63  }
0x41: {  	_ = 	snop  }
0x42: {  	[tilespmem:s23], [sflag:$0x2] =	stream.linear.gather [hbm4b:s13+s3], $0x80, $0x38;
	[tilespmem:$0x1C200] =	vst v63  }
0x43: {  	_ =	swait.ge [sflag:s24], $0x80  }
0x44: {  	[sflag:s24] =	ssyncset.done $0x0  }
0x45: {  	[sflag:s24] =	ssyncadd.s32 $0xFFFFFF80  }
0x46: {  	_ =	swait.ge [sflag:s24], $0x80  }
0x47: {  	[sflag:s24] =	ssyncset.done $0x0  }
0x48: {  	[sflag:s24] =	ssyncadd.s32 $0xFFFFFF80  }
0x49: {  	[tilespmem:s19], [sflag:$0x3] =	stream.indirect.gather [hbm4b:s4+s22], $0x80, s3, s22, $0xb8;
	[tilespmem:$0x1C200] =	vst v63  }
0x4a: {  	_ =	swait.ge [sflag:s25], $0x80  }
0x4b: {  	[sflag:s25] =	ssyncset.done $0x0  }
0x4c: {  	[sflag:s25] =	ssyncadd.s32 $0xFFFFFF80  }
0x4d: {  	_ =	swait.ge [sflag:s25], $0x80  }
0x4e: {  	[sflag:s25] =	ssyncset.done $0x0  }
0x4f: {  	[sflag:s25] =	ssyncadd.s32 $0xFFFFFF80  }
0x50: {  	[tilespmem:s26], [sflag:$0x4] =	stream.indirect.gather [hbm4b:s4+s22], $0x80, s22, s22, $0xb8;
	[tilespmem:$0x1C200] =	vst v63  }
0x51: {  	_ =	swait.ge [sflag:s28], $0x4000  }
0x52: {  	[sflag:s28] =	ssyncset.done $0x0  }
0x53: {  	[sflag:s28] =	ssyncadd.s32 $0xFFFFC000  }
0x54: {  	[spmem:s1] =	stream.indirect.scatter.add.f32 [tilespmem:s19], [sflag:$0x5], $0x80, s21, s22, $0xb8;
	[tilespmem:$0x1C200] =	vst v63  }
0x55: {  	_ =	swait.ge [sflag:s29], $0x4000  }
0x56: {  	[sflag:s29] =	ssyncset.done $0x0  }
0x57: {  	[sflag:s29] =	ssyncadd.s32 $0xFFFFC000  }
0x58: {  	[spmem:s1] =	stream.indirect.scatter.add.f32 [tilespmem:s26], [sflag:$0x6], $0x80, s23, s22, $0xb8;
	[tilespmem:$0x1C200] =	vst v63  }
0x59: {  	_ =	swait.ge [sflag:s30], $0x4000  }
0x5a: {  	[sflag:s30] =	ssyncset.done $0x0  }
0x5b: {  	s7 =	sadd.s32 $0xFFFFFFF0, s18;
	[sflag:s30] =	ssyncadd.s32 $0xFFFFC000  }
0x5c: {  	[tilespmem:s3], [sflag:$0x1] =	stream.linear.gather [hbm4b:s7+s3], $0x80, $0x38;
	[tilespmem:$0x1C200] =	vst v63  }
0x5d: {  	s8 =	sadd.s32 $0xFFFFFFF0, s17  }
0x5e: {  	[tilespmem:s21], [sflag:$0x1] =	stream.linear.gather [hbm4b:s8+s3], $0x80, $0x38;
	[tilespmem:$0x1C200] =	vst v63  }
0x5f: {  	_ =	swait.ge [sflag:s31], $0x4000  }
0x60: {  	[sflag:s31] =	ssyncset.done $0x0  }
0x61: {  	[sflag:s31] =	ssyncadd.s32 $0xFFFFC000  }
0x62: {  	[tilespmem:s22], [sflag:$0x2] =	stream.linear.gather [hbm4b:s18+s3], $0x80, $0x38;
	[tilespmem:$0x1C200] =	vst v63  }
0x63: {  	_ = 	snop  }
0x64: {  	[tilespmem:s23], [sflag:$0x2] =	stream.linear.gather [hbm4b:s17+s3], $0x80, $0x38;
	[tilespmem:$0x1C200] =	vst v63  }
0x65: {  	_ =	swait.ge [sflag:s24], $0x80  }
0x66: {  	[sflag:s24] =	ssyncset.done $0x0  }
0x67: {  	[sflag:s24] =	ssyncadd.s32 $0xFFFFFF80  }
0x68: {  	_ =	swait.ge [sflag:s24], $0x80  }
0x69: {  	[sflag:s24] =	ssyncset.done $0x0  }
0x6a: {  	[sflag:s24] =	ssyncadd.s32 $0xFFFFFF80  }
0x6b: {  	[tilespmem:s19], [sflag:$0x3] =	stream.indirect.gather [hbm4b:s4+s22], $0x80, s3, s22, $0xb8;
	[tilespmem:$0x1C200] =	vst v63  }
0x6c: {  	p0 =	sne.s32 s14, $0x1;
	_ =	swait.ge [sflag:s25], $0x80  }
.Ltmp1:
0x6d: {  	[sflag:s25] =	ssyncset.done $0x0;
	(pc) =	sbr.rel @!p0 .LBB2_5-.Ltmp1, $4  }
0x6e: {  	[sflag:s25] =	ssyncadd.s32 $0xFFFFFF80  }
0x6f: {  	_ =	swait.ge [sflag:s25], $0x80  }
0x70: {  	s2 =	sadd.s32 $0xFFFFFFFF, s14;
	[sflag:s25] =	ssyncset.done $0x0  }
0x71: {  	s6 =	sadd.s32 $0x20, s17;
	s7 =	sadd.s32 $0x20, s18;
	[sflag:s25] =	ssyncadd.s32 $0xFFFFFF80  }
.LBB2_4:
0x72: {  	[tilespmem:s26], [sflag:$0x4] =	stream.indirect.gather [hbm4b:s4+s22], $0x80, s22, s22, $0xb8;
	[tilespmem:$0x1C200] =	vst v63  }
0x73: {  	p0 =	sne.s32 s2, $0x1;
	s2 =	sadd.s32 $0xFFFFFFFF, s2;
	_ =	swait.ge [sflag:s28], $0x4000  }
0x74: {  	[sflag:s28] =	ssyncset.done $0x0  }
0x75: {  	[sflag:s28] =	ssyncadd.s32 $0xFFFFC000  }
0x76: {  	[spmem:s1] =	stream.indirect.scatter.add.f32 [tilespmem:s19], [sflag:$0x5], $0x80, s21, s22, $0xb8;
	[tilespmem:$0x1C200] =	vst v63  }
0x77: {  	_ =	swait.ge [sflag:s29], $0x4000  }
0x78: {  	[sflag:s29] =	ssyncset.done $0x0  }
0x79: {  	[sflag:s29] =	ssyncadd.s32 $0xFFFFC000  }
0x7a: {  	[spmem:s1] =	stream.indirect.scatter.add.f32 [tilespmem:s26], [sflag:$0x6], $0x80, s23, s22, $0xb8;
	[tilespmem:$0x1C200] =	vst v63  }
0x7b: {  	_ =	swait.ge [sflag:s30], $0x4000  }
0x7c: {  	[sflag:s30] =	ssyncset.done $0x0  }
0x7d: {  	s8 =	sadd.s32 $0xFFFFFFF0, s7;
	[sflag:s30] =	ssyncadd.s32 $0xFFFFC000  }
0x7e: {  	[tilespmem:s3], [sflag:$0x1] =	stream.linear.gather [hbm4b:s8+s3], $0x80, $0x38;
	[tilespmem:$0x1C200] =	vst v63  }
0x7f: {  	s8 =	sadd.s32 $0xFFFFFFF0, s6  }
0x80: {  	[tilespmem:s21], [sflag:$0x1] =	stream.linear.gather [hbm4b:s8+s3], $0x80, $0x38;
	[tilespmem:$0x1C200] =	vst v63  }
0x81: {  	_ =	swait.ge [sflag:s31], $0x4000  }
0x82: {  	[sflag:s31] =	ssyncset.done $0x0  }
0x83: {  	[sflag:s31] =	ssyncadd.s32 $0xFFFFC000  }
0x84: {  	[tilespmem:s22], [sflag:$0x2] =	stream.linear.gather [hbm4b:s7+s3], $0x80, $0x38;
	[tilespmem:$0x1C200] =	vst v63  }
0x85: {  	_ = 	snop  }
0x86: {  	[tilespmem:s23], [sflag:$0x2] =	stream.linear.gather [hbm4b:s6+s3], $0x80, $0x38;
	[tilespmem:$0x1C200] =	vst v63  }
0x87: {  	_ =	swait.ge [sflag:s24], $0x80  }
0x88: {  	[sflag:s24] =	ssyncset.done $0x0  }
0x89: {  	[sflag:s24] =	ssyncadd.s32 $0xFFFFFF80  }
0x8a: {  	_ =	swait.ge [sflag:s24], $0x80  }
0x8b: {  	[sflag:s24] =	ssyncset.done $0x0  }
0x8c: {  	[sflag:s24] =	ssyncadd.s32 $0xFFFFFF80  }
0x8d: {  	[tilespmem:s19], [sflag:$0x3] =	stream.indirect.gather [hbm4b:s4+s22], $0x80, s3, s22, $0xb8;
	[tilespmem:$0x1C200] =	vst v63  }
0x8e: {  	_ =	swait.ge [sflag:s25], $0x80  }
.Ltmp2:
0x8f: {  	[sflag:s25] =	ssyncset.done $0x0;
	(pc) =	sbr.rel @p0 .LBB2_4-.Ltmp2, $4  }
0x90: {  	[sflag:s25] =	ssyncadd.s32 $0xFFFFFF80  }
0x91: {  	_ =	swait.ge [sflag:s25], $0x80  }
0x92: {  	[sflag:s25] =	ssyncset.done $0x0  }
0x93: {  	s7 =	sadd.s32 $0x20, s7;
	s6 =	sadd.s32 $0x20, s6;
	[sflag:s25] =	ssyncadd.s32 $0xFFFFFF80  }
.LBB2_5:
0x94: {  	[tilespmem:s26], [sflag:$0x4] =	stream.indirect.gather [hbm4b:s4+s22], $0x80, s22, s22, $0xb8;
	[tilespmem:$0x1C200] =	vst v63  }
0x95: {  	_ =	swait.ge [sflag:s28], $0x4000  }
0x96: {  	[sflag:s28] =	ssyncset.done $0x0  }
0x97: {  	[sflag:s28] =	ssyncadd.s32 $0xFFFFC000  }
0x98: {  	[spmem:s1] =	stream.indirect.scatter.add.f32 [tilespmem:s19], [sflag:$0x5], $0x80, s21, s22, $0xb8;
	[tilespmem:$0x1C200] =	vst v63  }
0x99: {  	_ =	swait.ge [sflag:s29], $0x4000  }
0x9a: {  	[sflag:s29] =	ssyncset.done $0x0  }
0x9b: {  	[sflag:s29] =	ssyncadd.s32 $0xFFFFC000  }
0x9c: {  	[spmem:s1] =	stream.indirect.scatter.add.f32 [tilespmem:s26], [sflag:$0x6], $0x80, s23, s22, $0xb8;
	[tilespmem:$0x1C200] =	vst v63  }
0x9d: {  	_ =	swait.ge [sflag:s30], $0x4000  }
0x9e: {  	[sflag:s30] =	ssyncset.done $0x0  }
0x9f: {  	[sflag:s30] =	ssyncadd.s32 $0xFFFFC000  }
0xa0: {  	s2 =	stileid.u32;
	_ =	swait.ge [sflag:s31], $0x4000  }
0xa1: {  	s6 =	sshrl.u32 s5, $0x3;
	s0 =	sadd.s32 $0x1, s0;
	[sflag:s31] =	ssyncset.done $0x0  }
0xa2: {  	s2 =	sshll.u32 s2, $0x6;
	p0 =	sne.s32 s0, s16;
	[sflag:s31] =	ssyncadd.s32 $0xFFFFC000  }
.Ltmp3:
0xa3: {  	s2 =	sor.u32 $0x1C07, s2;
	[bflag:$0x0] =	sbarrier.arrive $0xFFFF;
	(pc) =	sbr.rel @p0 .LBB2_1-.Ltmp3, $4  }
0xa4: {  	[hbm:s15], [sflag:s2] =	dma.local [spmem:s6], $0x2800  }
0xa5: {  	_ =	swait.ge [sflag:s20], $0x2800  }
0xa6: {  	[sflag:s20] =	ssyncset.done $0x0  }
0xa7: {  	[sflag:s20] =	ssyncadd.s32 $0xFFFFD800  }
0xa8: {  	_ =	sfence.sel $0x180000  }
0xa9: {  	[bflag:$0x0] =	sbarrier.arrive $0xFFFF  }
0xaa: {  	_ =	strace $0x9000004D  }
0xab: {  	s0 =	stileid.u32;
	[bflag:$0x2] =	sbarrier.arrive $0xFFFF  }
0xac: {  	p0 =	sne.s32 s0, $0x0;
	s0 =	rddreg [dreg:$0x2]  }
0xad: {  	s0 =	sadd.s32 @!p0 $0x100000, s0  }
0xae: {  	[sflag:s0] =	ssyncadd.tile.s32 @!p0 $0x1;
	_ =	shalt  }
.Lfunc_end2:
_tile_overlayer_lowered:
.L_overlay_start_2:
0xaf: {  	(tag) =	ssettag $0x2  }
0xb0: {  	s0 =	rddreg [dreg:$0x0];
	s2 =	stileid.u32  }
0xb1: {  	s1 =	rddreg [dreg:$0x1];
	p0 =	sne.s32 s2, $0x0  }
0xb2: {  	s3 =	rddreg [dreg:$0x2];
	[bflag:$0x3] =	sbarrier.arrive $0xFFFF;
	s2 =	simm.s32 @!p0 $0x1C07  }
0xb3: {  	[timem:s3], [sflag:s2] =	dma.local @!p0 [hbm:s0], s1  }
0xb4: {  	s0 =	simm.s32 @!p0 $0x7  }
0xb5: {  	_ =	swait.ge @!p0 [sflag:s0], s1  }
0xb6: {  	s1 =	ssub.s32 @!p0 $0x0, s1;
	[sflag:s0] =	ssyncset.done @!p0 $0x0  }
0xb7: {  	[sflag:s0] =	ssyncadd.s32 @!p0 s1  }
0xb8: {  	[bflag:$0x3] =	sbarrier.arrive $0xFFFF  }
0xb9: {  	_ =	shalt  }

// kernel: kernel.9.cloned.1.call-start
scs
__scs_entry_jumppad:
0x0: {  	(pc) =	sbr.rel $0x88, $3  }
0x1: {  	(tag) =	ssettag $0x0;
	lr =	simm.s32 $0x1  }
0x2: {  	[smem:$0x3F99] =	sst lr;
	_ =	strace $0xD0000000  }
0x3: {  	_ = 	snop  }
0x4: {  	_ = 	snop  }
0x5: {  	_ = 	snop  }
0x6: {  	_ = 	snop  }
0x7: {  	_ = 	snop  }
__scs_overlays_trampoline_lowered:
0x8: {  	[smem:$0x3FA8] =	sst s0  }
0x9: {  	[smem:$0x3FA9] =	sst s1  }
0xa: {  	[smem:$0x3FAA] =	sst s2  }
0xb: {  	[smem:$0x3FAB] =	sst s3  }
0xc: {  	[smem:$0x3FAC] =	sst s4  }
0xd: {  	[smem:$0x3FAD] =	sst s5  }
0xe: {  	[smem:$0x3FAE] =	sst s6  }
0xf: {  	[smem:$0x3FAF] =	sst s7  }
0x10: {  	[smem:$0x3FB0] =	sst s8  }
0x11: {  	[smem:$0x3FB1] =	sst s9;
	s0 =	simm.s32 @!p0 $0x0  }
0x12: {  	s1 =	sld [smem:$0x3F97];
	s0 =	simm.s32 @p0 $0x1  }
0x13: {  	[smem:$0x3FB2] =	sst s0;
	s0 =	simm.s32 @!p1 $0x0  }
0x14: {  	s2 =	sld [smem:$0x3F96];
	s0 =	simm.s32 @p1 $0x1  }
0x15: {  	[smem:$0x3FB3] =	sst s0;
	s0 =	simm.s32 @!p2 $0x0  }
0x16: {  	s3 =	sld [smem:$0x3FDB];
	s0 =	simm.s32 @p2 $0x1  }
0x17: {  	s4 =	simm.s32 $0x1BF5;
	[smem:$0x3FB5] =	sst s0  }
0x18: {  	s0 =	sld [smem:$0x3F98];
	_ =	swait.ge [sflag:s4], $0x0  }
0x19: {  	s7 =	sld [smem:$0x3F99]  }
0x1a: {  	s8 =	sadd.s32 $0xFFFFE003, lr  }
0x1b: {  	s9 =	sadd.s32 $0xFFFFFEF7, lr;
	s5 =	simm.s32 $0xFFFFFFFF;
	p2 =	slt.u32 s8, $0xFFFFF086  }
0x1c: {  	p1 =	slt.u32 s9, $0xF7A;
	s5 =	simm.s32 @!p2 $0x0  }
0x1d: {  	s5 =	simm.s32 @p1 $0x1;
	p0 =	seq.s32 s7, s2  }
0x1e: {  	s7 =	smul.u32 @!p0 $0xF7A, s2;
	p2 =	seq.s32 @!p0 s5, $0x0  }
0x1f: {  	s9 =	smul.u32 $0xF7A, s1;
	s8 =	simm.s32 @!p0 $0x1BF5;
	p2 =	por !p2, p0  }
0x20: {  	[sflag:s8] =	ssyncset.s32 @!p0 $0xFFFFF086;
	s6 =	sadd.s32 @!p0 s3, s7;
	s7 =	simm.s32 @!p0 $0x108  }
0x21: {  	s3 =	sadd.s32 s3, s9;
	s6 =	sadd.s32 @!p0 $0x88, s6;
	s7 =	simm.s32 @p2 $0x1082  }
0x22: {  	[simem:s7], [sflag:s8] =	dma.local @!p0 [hbm:s6], $0xF7A  }
0x23: {  	s9 =	sor.u32 $0xD0000000, s2;
	s6 =	simm.s32 $0x108;
	_ =	swait.ge @!p0 [sflag:s8], $0x0  }
0x24: {  	s3 =	sadd.s32 $0x88, s3;
	s6 =	simm.s32 @!p1 $0x1082;
	[sflag:s4] =	ssyncset.s32 $0xFFFFF086  }
0x25: {  	[simem:s6], [sflag:s4] =	dma.local [hbm:s3], $0xF7A  }
0x26: {  	[smem:$0x3F99] =	sst s1;
	(tag) =	ssettag s2;
	_ =	strace s9  }
0x27: {  	s1 =	sld [smem:$0x3FA9]  }
0x28: {  	s2 =	sld [smem:$0x3FAA]  }
0x29: {  	s4 =	sld [smem:$0x3FAC]  }
0x2a: {  	p0 =	seq.s32 s5, $0x0;
	s5 =	sld [smem:$0x3FAD]  }
0x2b: {  	s6 =	sld [smem:$0x3FAE]  }
0x2c: {  	s7 =	sld [smem:$0x3FAF]  }
0x2d: {  	s3 =	simm.s32 $0x108;
	s8 =	sld [smem:$0x3FB0]  }
0x2e: {  	s3 =	simm.s32 @!p0 $0x1082;
	s9 =	sld [smem:$0x3FB1]  }
0x2f: {  	lr =	sadd.s32 s0, s3;
	s0 =	sld [smem:$0x3FA8]  }
0x30: {  	s3 =	sld [smem:$0x3FAB]  }
0x31: {  	[smem:$0x3FB4] =	sst s10  }
0x32: {  	s10 =	sld [smem:$0x3FB2];
	_ =	sdelay $0x3  }
0x33: {  	p0 =	seq.s32 s10, $0x1;
	s10 =	sld [smem:$0x3FB4];
	_ =	sdelay $0x3  }
0x34: {  	[smem:$0x3FB4] =	sst s10  }
0x35: {  	s10 =	sld [smem:$0x3FB3];
	_ =	sdelay $0x3  }
0x36: {  	p1 =	seq.s32 s10, $0x1;
	s10 =	sld [smem:$0x3FB4];
	_ =	sdelay $0x3  }
0x37: {  	[smem:$0x3FB4] =	sst s10  }
0x38: {  	s10 =	sld [smem:$0x3FB5]  }
0x39: {  	_ = 	snop;
	(pc) =	sbr.ind lr, $3  }
0x3a: {  	_ = 	snop  }
0x3b: {  	_ = 	snop  }
0x3c: {  	p2 =	seq.s32 s10, $0x1;
	s10 =	sld [smem:$0x3FB4]  }
0x3d: {  	_ =	shalt  }
0x3e: {  	_ =	shalt  }
0x3f: {  	_ =	shalt  }
0x40: {  	_ =	shalt  }
0x41: {  	_ =	shalt  }
0x42: {  	_ =	shalt  }
0x43: {  	_ =	shalt  }
0x44: {  	_ =	shalt  }
0x45: {  	_ =	shalt  }
0x46: {  	_ =	shalt  }
0x47: {  	_ =	shalt  }
0x48: {  	_ =	shalt  }
0x49: {  	_ =	shalt  }
0x4a: {  	_ =	shalt  }
0x4b: {  	_ =	shalt  }
0x4c: {  	_ =	shalt  }
0x4d: {  	_ =	shalt  }
0x4e: {  	_ =	shalt  }
0x4f: {  	_ =	shalt  }
0x50: {  	_ =	shalt  }
0x51: {  	_ =	shalt  }
0x52: {  	_ =	shalt  }
0x53: {  	_ =	shalt  }
0x54: {  	_ =	shalt  }
0x55: {  	_ =	shalt  }
0x56: {  	_ =	shalt  }
0x57: {  	_ =	shalt  }
0x58: {  	_ =	shalt  }
0x59: {  	_ =	shalt  }
0x5a: {  	_ =	shalt  }
0x5b: {  	_ =	shalt  }
0x5c: {  	_ =	shalt  }
0x5d: {  	_ =	shalt  }
0x5e: {  	_ =	shalt  }
0x5f: {  	_ =	shalt  }
0x60: {  	_ =	shalt  }
0x61: {  	_ =	shalt  }
0x62: {  	_ =	shalt  }
0x63: {  	_ =	shalt  }
0x64: {  	_ =	shalt  }
0x65: {  	_ =	shalt  }
0x66: {  	_ =	shalt  }
0x67: {  	_ =	shalt  }
0x68: {  	_ =	shalt  }
0x69: {  	_ =	shalt  }
0x6a: {  	_ =	shalt  }
0x6b: {  	_ =	shalt  }
0x6c: {  	_ =	shalt  }
0x6d: {  	_ =	shalt  }
0x6e: {  	_ =	shalt  }
0x6f: {  	_ =	shalt  }
0x70: {  	_ =	shalt  }
0x71: {  	_ =	shalt  }
0x72: {  	_ =	shalt  }
0x73: {  	_ =	shalt  }
0x74: {  	_ =	shalt  }
0x75: {  	_ =	shalt  }
0x76: {  	_ =	shalt  }
0x77: {  	_ =	shalt  }
0x78: {  	_ =	shalt  }
0x79: {  	_ =	shalt  }
0x7a: {  	_ =	shalt  }
0x7b: {  	_ =	shalt  }
0x7c: {  	_ =	shalt  }
0x7d: {  	_ =	shalt  }
0x7e: {  	_ =	shalt  }
0x7f: {  	_ =	shalt  }
0x80: {  	_ =	shalt  }
0x81: {  	_ =	shalt  }
0x82: {  	_ =	shalt  }
0x83: {  	_ =	shalt  }
0x84: {  	_ =	shalt  }
0x85: {  	_ =	shalt  }
0x86: {  	_ =	shalt  }
0x87: {  	_ =	shalt  }
.Lfunc_end0:
.L_simem_size_0:
called_computation_lowered:
.L_overlay_start_0:
0x88: {  	s2 =	sld [smem:$0x3FD9]  }
0x89: {  	s3 =	sld [smem:$0x3FFE];
	_ =	sdelay $0x1  }
0x8a: {  	s1 =	srdreg.scid  }
0x8b: {  	s0 =	sand.u32 $0x1, s1  }
0x8c: {  	s16 =	sshll.u32 s0, $0xA;
	s2 =	sadd.s32 s3, s2  }
0x8d: {  	s2 =	sadd.s32 s2, s16  }
0x8e: {  	[smem:$0x3FC0] =	sst s2  }
0x8f: {  	_ = 	snop  }
0x90: {  	(tm) =	ssettm $0x1  }
0x91: {  	s17 =	sld [smem:$0x3FFB];
	_ =	sdelay $0x3  }
0x92: {  	_ =	strace s17  }
0x93: {  	s2 =	sld [smem:$0x3FFC];
	_ =	sdelay $0x3  }
0x94: {  	_ =	strace s2  }
0x95: {  	s2 =	sld [smem:$0x3FFD];
	_ =	sdelay $0x3  }
0x96: {  	_ =	strace s2  }
0x97: {  	_ =	strace $0x8FFFFFFF  }
0x98: {  	s18 =	sld [smem:$0x3FDB];
	_ =	sdelay $0x1  }
0x99: {  	s19 =	simm.s32 $_scs_section_size  }
0x9a: {  	s4 =	simm.s32 $_size__tile_overlayer_lowered;
	s5 =	simm.s32 $_tile_overlayer_lowered  }
0x9b: {  	s22 =	simm.s32 $0x1BFF;
	s21 =	sshll.u32 s5, $0x1;
	s2 =	sadd.s32 s19, s18  }
0x9c: {  	s6 =	simm.s32 $0x0;
	s20 =	sshll.u32 s4, $0x1;
	s4 =	sadd.s32 s21, s2  }
0x9d: {  	[timem:s6], [sflag:s22] =	dma.local [hbm:s4], s20  }
0x9e: {  	_ =	swait.ge [sflag:s22], s20  }
0x9f: {  	s3 =	ssub.s32 $0x0, s20;
	[sflag:s22] =	ssyncset.done $0x0  }
0xa0: {  	[sflag:s22] =	ssyncadd.s32 s3;
	_ =	sdelay $0x1  }
0xa1: {  	s23 =	simm.s32 $0x1B8B  }
0xa2: {  	_ =	swait.ge [sflag:s23], $0x1  }
0xa3: {  	[sflag:s23] =	ssyncset.done $0x0  }
0xa4: {  	s25 =	simm.s32 $0x1B8E;
	s24 =	sld [smem:$0x3FFE];
	[sflag:s23] =	ssyncadd.s32 $0xFFFFFFFF  }
0xa5: {  	s26 =	simm.s32 $execute0_lowered;
	[smem:$0x3FD2] =	sst s25  }
0xa6: {  	s4 =	sshll.u32 s26, $0x1;
	_ =	strace $0x80000046;
	[dreg:$0x1] =	wrdreg $0xFFFFFFFF  }
0xa7: {  	s28 =	simm.s32 $_size_execute0_lowered;
	s2 =	sadd.s32 s2, s4;
	[dreg:$0x0] =	wrdreg $0x0  }
0xa8: {  	s4 =	sshll.u32 s28, $0x1;
	[dreg:$0x2] =	wrdreg s2  }
0xa9: {  	[dreg:$0x3] =	wrdreg s4  }
0xaa: {  	[dreg:$0x4] =	wrdreg $0xC0  }
0xab: {  	_ =	task [dreg:s6], $0x5FFFF  }
0xac: {  	[dreg:$0x1] =	wrdreg $0xFFFFFFFF  }
0xad: {  	[dreg:$0x0] =	wrdreg $0x60  }
0xae: {  	[dreg:$0x2] =	wrdreg s24  }
0xaf: {  	[dreg:$0x3] =	wrdreg $0x6C000  }
0xb0: {  	[dreg:$0x4] =	wrdreg $0x9  }
0xb1: {  	_ =	task.clear_ibuf [dreg:s6], $0x5FFFF;
	_ =	strace $0x90000046  }
0xb2: {  	s29 =	simm.s32 $0x9;
	_ =	strace $0x80000048  }
0xb3: {  	_ =	swait.ge [sflag:s29], $0x1  }
0xb4: {  	[sflag:s29] =	ssyncadd.s32 $0xFFFFFFFF  }
0xb5: {  	_ =	strace $0x90000048  }
0xb6: {  	_ =	sfence  }
0xb7: {  	s30 =	sld [smem:$0x0];
	_ =	sdelay $0x2  }
0xb8: {  	s31 =	sshll.u32 s1, $0xD;
	s1 =	sshrl.u32 s1, $0x2  }
0xb9: {  	s3 =	sand.u32 $0x4000, s31;
	s1 =	sadd.s32 s1, s30  }
0xba: {  	s0 =	sor.u32 s3, s0;
	s1 =	sshll.u32 s1, $0x11  }
0xbb: {  	s0 =	sor.u32 s1, s0  }
0xbc: {  	s0 =	sadd.s32 $0x8F2B, s0  }
0xbd: {  	[sflag:s0] =	ssyncadd.remote.s32 $0x1  }
0xbe: {  	_ =	sfence.sel $0xFFFF  }
0xbf: {  	[dreg:$0x0] =	wrdreg $0xFFFFFFFF;
	(pc) =	sbr.abs _section_cstart, $3  }
0xc0: {  	[dreg:$0x1] =	wrdreg $0xFFFFFFFF  }
0xc1: {  	_ =	task.clear_ibuf [dreg:s6], $0x2FFFF;
	_ =	strace $0x9FFFFFFF  }
0xc2: {  	(tm) =	ssettm $0x7FFFFFFF  }
0xc3: {  	_ =	shalt  }
tec
execute0_lowered:
.L_overlay_start_1:
0x0: {  	(tag) =	ssettag $0x1  }
0x1: {  	s1 =	srdreg.scid;
	s5 =	rddreg [dreg:$0x0]  }
0x2: {  	s0 =	stileid.u32;
	s2 =	rddreg [dreg:$0x1]  }
0x3: {  	s3 =	simm.s32 $0x0;
	s13 =	simm.s32 $0x3;
	s14 =	simm.s32 $0x80  }
0x4: {  	s15 =	simm.s32 $0x1;
	s16 =	simm.s32 $0x2;
	s19 =	simm.s32 $0x0  }
0x5: {  	s4 =	sand.u32 $0x1, s1;
	s26 =	sshll.u32 s0, $0x1;
	s8 =	smul.u32 $0x14000, s0  }
0x6: {  	[smem:$0x7FF] =	sst s3;
	s9 =	smul.u32 $0x50000, s0;
	s17 =	sshll.u32 s0, $0x6  }
0x7: {  	s1 =	sor.u32 s4, s26;
	s7 =	smul.u32 $0x140000, s4;
	s29 =	ssub.s32 $0x2, s4  }
0x8: {  	s17 =	sor.u32 $0x1C03, s17;
	s6 =	smul.u32 $0x500, s1;
	s1 =	rddreg [dreg:$0x2]  }
0x9: {  	_ =	strace $0x80000047;
	s30 =	sshrl.u32 s9, $0x2;
	s31 =	sshrl.u32 s29, $0x1  }
0xa: {  	s28 =	sadd.s32 s8, s7;
	s4 =	sadd.s32 s30, s2;
	s12 =	ssub.s32 s29, s31  }
0xb: {  	s10 =	sadd.s32 s6, s5;
	s6 =	sshrl.u32 s28, $0x3;
	s7 =	sadd.s32 $0xC000, s4  }
0xc: {  	s8 =	sadd.s32 $0x10000, s4;
	s18 =	sshrl.u32 s4, $0x3;
	s11 =	sadd.s32 s6, s5  }
0xd: {  	s5 =	sadd.s32 $0x4000, s4;
	s6 =	sadd.s32 $0x8000, s4;
	s9 =	sadd.s32 $0x2600, s10  }
0xe: {  	v0 =	vimm.f32 $0.0e+00;
	v1 =	vimm.f32 $1.000000000e+00;
	v2 =	vimm.s32 $0x2710;
	s10 =	sadd.s32 $0xC600, s11;
	s11 =	smax.u32 s12, $0x1;
	s12 =	simm.s32 $0x2C00  }
.LBB2_1:
0xf: {  	s20 =	simm.s32 $0x0;
	s21 =	simm.s32 $0x200  }
.LBB2_2:
0x10: {  	p0 =	sne.s32 s21, $0xFE00;
	[tilespmem:s20+$0x2C70] =	vst v0  }
0x11: {  	[tilespmem:s20+$0x2C00] =	vst v0  }
0x12: {  	[tilespmem:s20+$0x2C10] =	vst v0  }
.Ltmp0:
0x13: {  	[tilespmem:s20+$0x2C20] =	vst v0;
	(pc) =	sbr.rel @p0 .LBB2_2-.Ltmp0, $4  }
0x14: {  	[tilespmem:s20+$0x2C30] =	vst v0  }
0x15: {  	[tilespmem:s20+$0x2C40] =	vst v0  }
0x16: {  	[tilespmem:s20+$0x2C50] =	vst v0  }
0x17: {  	[tilespmem:s20+$0x2C60] =	vst v0;
	s20 =	sshra.s32 s21, $0x2;
	s21 =	sadd.s32 $0x200, s21  }
0x18: {  	[tilespmem:s20+$0x2C70] =	vst v0  }
0x19: {  	[tilespmem:s20+$0x2C00] =	vst v0  }
0x1a: {  	[tilespmem:s20+$0x2C10] =	vst v0  }
0x1b: {  	[tilespmem:s20+$0x2C20] =	vst v0  }
0x1c: {  	[tilespmem:s20+$0x2C30] =	vst v0  }
0x1d: {  	[tilespmem:s20+$0x2C40] =	vst v0  }
0x1e: {  	[tilespmem:s20+$0x2C50] =	vst v0  }
0x1f: {  	[tilespmem:s20+$0x2C60] =	vst v0  }
0x20: {  	[spmem:s4] =	stream.linear.scatter [tilespmem:s12], [sflag:$0x3], $0x4000, $0x38;
	[tilespmem:$0x1AC00] =	vst v63  }
0x21: {  	_ =	swait.ge [sflag:s13], $0x4000  }
0x22: {  	[sflag:s13] =	ssyncset.done $0x0  }
0x23: {  	[sflag:s13] =	ssyncadd.s32 $0xFFFFC000  }
0x24: {  	[spmem:s5] =	stream.linear.scatter [tilespmem:s12], [sflag:$0x3], $0x4000, $0x38;
	[tilespmem:$0x1AC00] =	vst v63  }
0x25: {  	_ =	swait.ge [sflag:s13], $0x4000  }
0x26: {  	[sflag:s13] =	ssyncset.done $0x0  }
0x27: {  	[sflag:s13] =	ssyncadd.s32 $0xFFFFC000  }
0x28: {  	[spmem:s6] =	stream.linear.scatter [tilespmem:s12], [sflag:$0x3], $0x4000, $0x38;
	[tilespmem:$0x1AC00] =	vst v63  }
0x29: {  	_ =	swait.ge [sflag:s13], $0x4000  }
0x2a: {  	[sflag:s13] =	ssyncset.done $0x0  }
0x2b: {  	[sflag:s13] =	ssyncadd.s32 $0xFFFFC000  }
0x2c: {  	[spmem:s7] =	stream.linear.scatter [tilespmem:s12], [sflag:$0x3], $0x4000, $0x38;
	[tilespmem:$0x1AC00] =	vst v63  }
0x2d: {  	_ =	swait.ge [sflag:s13], $0x4000  }
0x2e: {  	[sflag:s13] =	ssyncset.done $0x0  }
0x2f: {  	[sflag:s13] =	ssyncadd.s32 $0xFFFFC000  }
0x30: {  	[spmem:s8] =	stream.linear.scatter [tilespmem:s12], [sflag:$0x3], $0x4000, $0x38;
	[tilespmem:$0x1AC00] =	vst v63  }
0x31: {  	_ =	swait.ge [sflag:s13], $0x4000  }
0x32: {  	[sflag:s13] =	ssyncset.done $0x0  }
0x33: {  	s20 =	simm.s32 $0x0;
	s21 =	simm.s32 $0x200;
	[sflag:s13] =	ssyncadd.s32 $0xFFFFC000  }
.LBB2_4:
0x34: {  	p0 =	sne.s32 s21, $0xFE00;
	[tilespmem:s20+$0x2C70] =	vst v1  }
0x35: {  	[tilespmem:s20+$0x2C00] =	vst v1  }
0x36: {  	[tilespmem:s20+$0x2C10] =	vst v1  }
.Ltmp1:
0x37: {  	[tilespmem:s20+$0x2C20] =	vst v1;
	(pc) =	sbr.rel @p0 .LBB2_4-.Ltmp1, $4  }
0x38: {  	[tilespmem:s20+$0x2C30] =	vst v1  }
0x39: {  	[tilespmem:s20+$0x2C40] =	vst v1  }
0x3a: {  	[tilespmem:s20+$0x2C50] =	vst v1  }
0x3b: {  	[tilespmem:s20+$0x2C60] =	vst v1;
	s20 =	sshra.s32 s21, $0x2;
	s21 =	sadd.s32 $0x200, s21  }
0x3c: {  	[tilespmem:s20+$0x2C70] =	vst v1  }
0x3d: {  	[tilespmem:s20+$0x2C00] =	vst v1  }
0x3e: {  	[tilespmem:s20+$0x2C10] =	vst v1  }
0x3f: {  	[tilespmem:s20+$0x2C20] =	vst v1  }
0x40: {  	[tilespmem:s20+$0x2C30] =	vst v1  }
0x41: {  	[tilespmem:s20+$0x2C40] =	vst v1  }
0x42: {  	[tilespmem:s20+$0x2C50] =	vst v1  }
0x43: {  	[tilespmem:s20+$0x2C60] =	vst v1  }
0x44: {  	[tilespmem:s3], [sflag:$0x3] =	stream.linear.gather [hbm4b:s9+s3], $0x2800, $0x38;
	[tilespmem:$0x1AC00] =	vst v63  }
0x45: {  	_ =	swait.ge [sflag:s13], $0x2800  }
0x46: {  	[sflag:s13] =	ssyncset.done $0x0  }
0x47: {  	[sflag:s13] =	ssyncadd.s32 $0xFFFFD800  }
0x48: {  	[tilespmem:$0x2800] =	vst v2  }
0x49: {  	[tilespmem:$0x2810] =	vst v2  }
0x4a: {  	[tilespmem:$0x2820] =	vst v2  }
0x4b: {  	[tilespmem:$0x2830] =	vst v2  }
0x4c: {  	[tilespmem:$0x2840] =	vst v2  }
0x4d: {  	[tilespmem:$0x2850] =	vst v2  }
0x4e: {  	[tilespmem:$0x2860] =	vst v2  }
0x4f: {  	[tilespmem:$0x2870] =	vst v2  }
0x50: {  	[tilespmem:$0x2880] =	vst v2  }
0x51: {  	[tilespmem:$0x2890] =	vst v2  }
0x52: {  	[tilespmem:$0x28A0] =	vst v2  }
0x53: {  	[tilespmem:$0x28B0] =	vst v2  }
0x54: {  	[tilespmem:$0x28C0] =	vst v2  }
0x55: {  	[tilespmem:$0x28D0] =	vst v2  }
0x56: {  	[tilespmem:$0x28E0] =	vst v2  }
0x57: {  	[tilespmem:$0x28F0] =	vst v2  }
0x58: {  	[bflag:$0x0] =	sbarrier.arrive $0xFFFF  }
0x59: {  	[spmem:s2] =	stream.indirect.scatter.add.f32 [tilespmem:s12], [sflag:$0x1], $0x80, s3, s14, $0xb8;
	[tilespmem:$0x1AC00] =	vst v63  }
0x5a: {  	_ = 	snop  }
0x5b: {  	[spmem:s2] =	stream.indirect.scatter.add.f32 [tilespmem:s12], [sflag:$0x2], $0x80, s14, s14, $0xb8;
	[tilespmem:$0x1AC00] =	vst v63  }
0x5c: {  	_ =	swait.ge [sflag:s15], $0x4000  }
0x5d: {  	[sflag:s15] =	ssyncset.done $0x0  }
0x5e: {  	s31 =	simm.s32 $0x100;
	[sflag:s15] =	ssyncadd.s32 $0xFFFFC000  }
0x5f: {  	[spmem:s2] =	stream.indirect.scatter.add.f32 [tilespmem:s12], [sflag:$0x1], $0x80, s31, s14, $0xb8;
	[tilespmem:$0x1AC00] =	vst v63  }
0x60: {  	_ =	swait.ge [sflag:s16], $0x4000  }
0x61: {  	[sflag:s16] =	ssyncset.done $0x0  }
0x62: {  	s20 =	simm.s32 $0xFFFF6400;
	s21 =	simm.s32 $0x180;
	[sflag:s16] =	ssyncadd.s32 $0xFFFFC000  }
.LBB2_6:
0x63: {  	[spmem:s2] =	stream.indirect.scatter.add.f32 [tilespmem:s12], [sflag:$0x2], $0x80, s21, s14, $0xb8;
	[tilespmem:$0x1AC00] =	vst v63  }
0x64: {  	s21 =	smov.u32 s20  }
0x65: {  	p0 =	sne.s32 s20, $0xFFFFFC00;
	s20 =	sadd.s32 $0x400, s20;
	_ =	swait.ge [sflag:s15], $0x4000  }
0x66: {  	s21 =	sshra.s32 s21, $0x2;
	[sflag:s15] =	ssyncset.done $0x0  }
.Ltmp2:
0x67: {  	s22 =	sadd.s32 $0x2900, s21;
	[sflag:s15] =	ssyncadd.s32 $0xFFFFC000;
	(pc) =	sbr.rel @p0 .LBB2_6-.Ltmp2, $4  }
0x68: {  	[spmem:s2] =	stream.indirect.scatter.add.f32 [tilespmem:s12], [sflag:$0x1], $0x80, s22, s14, $0xb8;
	[tilespmem:$0x1AC00] =	vst v63  }
0x69: {  	_ =	swait.ge [sflag:s16], $0x4000  }
0x6a: {  	[sflag:s16] =	ssyncset.done $0x0  }
0x6b: {  	s21 =	sadd.s32 $0x2980, s21;
	[sflag:s16] =	ssyncadd.s32 $0xFFFFC000  }
0x6c: {  	[spmem:s2] =	stream.indirect.scatter.add.f32 [tilespmem:s12], [sflag:$0x2], $0x80, s21, s14, $0xb8;
	[tilespmem:$0x1AC00] =	vst v63  }
0x6d: {  	_ =	swait.ge [sflag:s15], $0x4000  }
0x6e: {  	[sflag:s15] =	ssyncset.done $0x0  }
0x6f: {  	[sflag:s15] =	ssyncadd.s32 $0xFFFFC000  }
0x70: {  	_ =	swait.ge [sflag:s16], $0x4000  }
0x71: {  	s19 =	sadd.s32 $0x1, s19;
	[sflag:s16] =	ssyncset.done $0x0  }
0x72: {  	p0 =	sne.s32 s19, s11;
	[sflag:s16] =	ssyncadd.s32 $0xFFFFC000  }
.Ltmp3:
0x73: {  	[bflag:$0x0] =	sbarrier.arrive $0xFFFF;
	(pc) =	sbr.rel @p0 .LBB2_1-.Ltmp3, $4  }
0x74: {  	[hbm:s10], [sflag:s17] =	dma.local [spmem:s18], $0x2800  }
0x75: {  	_ =	swait.ge [sflag:s13], $0x2800  }
0x76: {  	[sflag:s13] =	ssyncset.done $0x0  }
0x77: {  	[sflag:s13] =	ssyncadd.s32 $0xFFFFD800  }
0x78: {  	_ =	sfence.sel $0x180000  }
0x79: {  	[bflag:$0x0] =	sbarrier.arrive $0xFFFF  }
0x7a: {  	p0 =	sne.s32 s0, $0x0;
	_ =	strace $0x90000047  }
0x7b: {  	s0 =	sadd.s32 @!p0 $0x100000, s1;
	[bflag:$0x2] =	sbarrier.arrive $0xFFFF  }
0x7c: {  	[sflag:s0] =	ssyncadd.tile.s32 @!p0 $0x1;
	_ =	shalt  }
.Lfunc_end2:
_tile_overlayer_lowered:
.L_overlay_start_2:
0x7d: {  	(tag) =	ssettag $0x2  }
0x7e: {  	s0 =	rddreg [dreg:$0x0];
	s2 =	stileid.u32  }
0x7f: {  	s1 =	rddreg [dreg:$0x1];
	p0 =	sne.s32 s2, $0x0  }
0x80: {  	s3 =	rddreg [dreg:$0x2];
	[bflag:$0x3] =	sbarrier.arrive $0xFFFF;
	s2 =	simm.s32 @!p0 $0x1C03  }
0x81: {  	[timem:s3], [sflag:s2] =	dma.local @!p0 [hbm:s0], s1  }
0x82: {  	s0 =	simm.s32 @!p0 $0x3  }
0x83: {  	_ =	swait.ge @!p0 [sflag:s0], s1  }
0x84: {  	s1 =	ssub.s32 @!p0 $0x0, s1;
	[sflag:s0] =	ssyncset.done @!p0 $0x0  }
0x85: {  	[sflag:s0] =	ssyncadd.s32 @!p0 s1  }
0x86: {  	[bflag:$0x3] =	sbarrier.arrive $0xFFFF  }
0x87: {  	_ =	shalt  }

</sc_bundles>
